<compile_context>
chip_gen: v7x
topology: tpu7x:2x2x1
jax: 0.10.2.dev20260603
libtpu: 0.0.44.dev20260713+nightly
codegen_flags: <defaults>
</compile_context>

<pallas_src>
import functools
import jax
import jax.numpy as jnp
from jax import lax
from jax.experimental import pallas as pl
from jax.experimental.pallas import tpu as pltpu
from jax.experimental.pallas import tpu_sc as plsc

N = 10000
NPAD = 10240
E = 320000
F = 128
C = 10
NC = 2
NS = 16
NW = NC * NS
EPT = E // NW
CK = 125
NCHUNK = EPT // CK
EPT2 = E // NS
NCHUNK2 = EPT2 // CK
FH = F // NC
RPT = NPAD // NS
BLK = 2048
GRID = NPAD // BLK


def _mesh():
    return plsc.VectorSubcoreMesh(core_axis_name="c", subcore_axis_name="s")


def _deg_body(dst_hbm, ew_hbm, out0_hbm, out1_hbm, dst_v, ew_v, zb_v, acc):
    c = lax.axis_index("c")
    s = lax.axis_index("s")
    wid = s * NC + c

    def zb(i, _):
        zb_v[pl.ds(i * 16, 16)] = jnp.zeros((16,), jnp.float32)
        return 0

    lax.fori_loop(0, RPT // 16, zb, 0)
    pltpu.sync_copy(zb_v, acc.at[pl.ds(s * RPT, RPT)])
    plsc.subcore_barrier()

    pltpu.sync_copy(dst_hbm.at[pl.ds(wid * NCHUNK, NCHUNK)], dst_v)
    pltpu.sync_copy(ew_hbm.at[pl.ds(wid * NCHUNK, NCHUNK)], ew_v)

    def body(j, _):
        pltpu.sync_copy(ew_v.at[j], acc.at[dst_v.at[j]], add=True)
        return 0

    lax.fori_loop(0, NCHUNK, body, 0)
    plsc.subcore_barrier()
    sl = pl.ds(s * RPT, RPT)

    @pl.when(c == 0)
    def _():
        pltpu.sync_copy(acc.at[sl], out0_hbm.at[sl])

    @pl.when(c == 1)
    def _():
        pltpu.sync_copy(acc.at[sl], out1_hbm.at[sl])


@functools.cache
def _deg_kernel():
    return pl.kernel(
        _deg_body, mesh=_mesh(),
        out_type=(jax.ShapeDtypeStruct((NPAD,), jnp.float32),
                  jax.ShapeDtypeStruct((NPAD,), jnp.float32)),
        scratch_types=[
            pltpu.VMEM((NCHUNK, CK), jnp.int32),
            pltpu.VMEM((NCHUNK, CK), jnp.float32),
            pltpu.VMEM((RPT,), jnp.float32),
            pltpu.VMEM_SHARED((NPAD,), jnp.float32),
        ],
        compiler_params=pltpu.CompilerParams(use_tc_tiling_on_sc=False),
    )


RB = 4
GLEAD = 2


def _agg_body(y3_hbm, src_hbm, dst_hbm, ew16_hbm, out_hbm,
              src_v, dst_v, ew16_v, rows_v, zb_v, acc,
              gsem0, gsem1, gsem2, gsem3, ssem0, ssem1, ssem2, ssem3):
    c = lax.axis_index("c")
    s = lax.axis_index("s")
    gsem = (gsem0, gsem1, gsem2, gsem3)
    ssem = (ssem0, ssem1, ssem2, ssem3)

    def zb(i, _):
        for q in range(FH // 16):
            zb_v[i, pl.ds(q * 16, 16)] = jnp.zeros((16,), jnp.float32)
        return 0

    lax.fori_loop(0, 128, zb, 0)
    for k in range(RPT // 128):
        pltpu.sync_copy(zb_v, acc.at[pl.ds(s * RPT + k * 128, 128)])
    plsc.subcore_barrier()

    pltpu.sync_copy(src_hbm.at[pl.ds(s * NCHUNK2, NCHUNK2)], src_v)
    pltpu.sync_copy(dst_hbm.at[pl.ds(s * NCHUNK2, NCHUNK2)], dst_v)
    yh = y3_hbm.at[c]

    def issue(jn, bn):
        pltpu.async_copy(ew16_hbm.at[s * NCHUNK2 + jn], ew16_v.at[bn],
                         gsem[bn])
        pltpu.async_copy(yh.at[src_v.at[jn]], rows_v.at[bn], gsem[bn])

    def wait_gather(b):
        pltpu.make_async_copy(ew16_hbm.at[0], ew16_v.at[b], gsem[b]).wait()
        pltpu.make_async_copy(yh.at[pl.ds(0, CK)], rows_v.at[b],
                              gsem[b]).wait()

    def drain_scatter(bn):
        pltpu.make_async_copy(rows_v.at[bn], acc.at[pl.ds(0, CK)],
                              ssem[bn]).wait()

    for b in range(GLEAD):
        issue(b, b)

    def outer(j0, _):
        for b in range(RB):
            j = j0 + b
            wait_gather(b)

            def row(r, _):
                wv = ew16_v[b, r, :]
                for q in range(FH // 16):
                    sl = pl.ds(q * 16, 16)
                    rows_v[b, r, sl] = rows_v[b, r, sl] * wv
                return 0

            lax.fori_loop(0, CK, row, 0, unroll=5)
            pltpu.async_copy(rows_v.at[b], acc.at[dst_v.at[j]], ssem[b],
                             add=True)
            jn = j + GLEAD
            bn = (b + GLEAD) % RB

            @pl.when(jn < NCHUNK2)
            def _():
                @pl.when(jn >= RB)
                def _():
                    drain_scatter(bn)

                issue(jn, bn)
        return 0

    lax.fori_loop(0, NCHUNK2 // RB, lambda t, u: outer(t * RB, u), 0)
    for b in range(RB):
        drain_scatter(b)
    plsc.subcore_barrier()
    sl = pl.ds(s * RPT, RPT)
    pltpu.sync_copy(acc.at[sl], out_hbm.at[c, sl])


@functools.cache
def _agg_kernel():
    return pl.kernel(
        _agg_body, mesh=_mesh(),
        out_type=jax.ShapeDtypeStruct((NC, NPAD, FH), jnp.float32),
        scratch_types=[
            pltpu.VMEM((NCHUNK2, CK), jnp.int32),
            pltpu.VMEM((NCHUNK2, CK), jnp.int32),
            pltpu.VMEM((RB, CK, 16), jnp.float32),
            pltpu.VMEM((RB, CK, FH), jnp.float32),
            pltpu.VMEM((128, FH), jnp.float32),
            pltpu.VMEM_SHARED((NPAD, FH), jnp.float32),
            pltpu.SemaphoreType.DMA,
            pltpu.SemaphoreType.DMA,
            pltpu.SemaphoreType.DMA,
            pltpu.SemaphoreType.DMA,
            pltpu.SemaphoreType.DMA,
            pltpu.SemaphoreType.DMA,
            pltpu.SemaphoreType.DMA,
            pltpu.SemaphoreType.DMA,
        ],
        compiler_params=pltpu.CompilerParams(use_tc_tiling_on_sc=False),
    )


EWL = 160
EB = E // EWL
EBLK = 200


def _ew16_body(ew_ref, out_ref):
    k = lax.broadcasted_iota(jnp.int32, (EWL, 16 * EWL), 0)
    m = lax.broadcasted_iota(jnp.int32, (EWL, 16 * EWL), 1)
    rep = (m // 16 == k).astype(jnp.float32)
    out_ref[...] = jnp.dot(ew_ref[...], rep,
                           preferred_element_type=jnp.float32)


def _ew16_call(ew):
    return pl.pallas_call(
        _ew16_body,
        grid=(EB // EBLK,),
        in_specs=[pl.BlockSpec((EBLK, EWL), lambda i: (i, 0))],
        out_specs=pl.BlockSpec((EBLK, 16 * EWL), lambda i: (i, 0)),
        out_shape=jax.ShapeDtypeStruct((EB, 16 * EWL), jnp.float32),
    )(ew.reshape(EB, EWL))


def _y_body(deg0_ref, deg1_ref, x_ref, y3_ref):
    deg = deg0_ref[...] + deg1_ref[...] + 1.0
    dinv = lax.rsqrt(deg)
    y3_ref[0] = x_ref[:, :FH] * dinv
    y3_ref[1] = x_ref[:, FH:] * dinv


def _y_call(deg0, deg1, x_pad):
    return pl.pallas_call(
        _y_body,
        grid=(GRID,),
        in_specs=[
            pl.BlockSpec((BLK, 1), lambda i: (i, 0)),
            pl.BlockSpec((BLK, 1), lambda i: (i, 0)),
            pl.BlockSpec((BLK, F), lambda i: (i, 0)),
        ],
        out_specs=pl.BlockSpec((NC, BLK, FH), lambda i: (0, i, 0)),
        out_shape=jax.ShapeDtypeStruct((NC, NPAD, FH), jnp.float32),
    )(deg0, deg1, x_pad)


def _head_body(deg0_ref, deg1_ref, agg3_ref, y3_ref, uz_ref,
               uh_ref, bz_ref, bh_ref, wl_ref, bl_ref, o_ref):
    deg = deg0_ref[...] + deg1_ref[...] + 1.0
    dinv = lax.rsqrt(deg)
    xa = jnp.concatenate(
        [agg3_ref[0] + y3_ref[0], agg3_ref[1] + y3_ref[1]], axis=1) * dinv
    z = jax.nn.sigmoid(
        jnp.dot(xa, uz_ref[...], preferred_element_type=jnp.float32)
        + bz_ref[...])
    ht = jnp.tanh(
        jnp.dot(xa, uh_ref[...], preferred_element_type=jnp.float32)
        + bh_ref[...])
    h = jnp.maximum((1.0 - z) * ht, 0.0)
    logits = jnp.dot(h, wl_ref[...], preferred_element_type=jnp.float32) \
        + bl_ref[...]
    m = jnp.max(logits, axis=1, keepdims=True)
    ex = jnp.exp(logits - m)
    o_ref[...] = ex / jnp.sum(ex, axis=1, keepdims=True)


def _head_call(deg0, deg1, agg3, y3, Uz, Uh, cbz, cbh, Wlp, blp):
    return pl.pallas_call(
        _head_body,
        grid=(GRID,),
        in_specs=[
            pl.BlockSpec((BLK, 1), lambda i: (i, 0)),
            pl.BlockSpec((BLK, 1), lambda i: (i, 0)),
            pl.BlockSpec((NC, BLK, FH), lambda i: (0, i, 0)),
            pl.BlockSpec((NC, BLK, FH), lambda i: (0, i, 0)),
            pl.BlockSpec((F, F), lambda i: (0, 0)),
            pl.BlockSpec((F, F), lambda i: (0, 0)),
            pl.BlockSpec((1, F), lambda i: (0, 0)),
            pl.BlockSpec((1, F), lambda i: (0, 0)),
            pl.BlockSpec((F, F), lambda i: (0, 0)),
            pl.BlockSpec((1, F), lambda i: (0, 0)),
        ],
        out_specs=pl.BlockSpec((BLK, F), lambda i: (i, 0)),
        out_shape=jax.ShapeDtypeStruct((NPAD, F), jnp.float32),
    )(deg0, deg1, agg3, y3, Uz, Uh, cbz, cbh, Wlp, blp)


def kernel(x, edge_index, edge_weight, Wz, bz, Wr, br, Wh, bh,
           Wlz, blz, Wlr, blr, Wlh, blh, att, Wlin, blin):
    src = edge_index[0].reshape(NW * NCHUNK, CK)
    dst = edge_index[1].reshape(NW * NCHUNK, CK)
    ew = edge_weight.reshape(NW * NCHUNK, CK)
    ew16 = _ew16_call(edge_weight).reshape(NW * NCHUNK, CK, 16)
    x_pad = jnp.pad(x, ((0, NPAD - N), (0, 0)))

    Uz = Wz @ Wlz[:F]
    cbz = (bz @ Wlz[:F] + blz).reshape(1, F)
    Uh = Wh @ Wlh[:F]
    cbh = (bh @ Wlh[:F] + blh).reshape(1, F)
    Wlp = jnp.zeros((F, F), jnp.float32).at[:, :C].set(Wlin)
    blp = jnp.full((F,), -1e30, jnp.float32).at[:C].set(blin).reshape(1, F)

    deg0, deg1 = _deg_kernel()(dst, ew)
    deg0 = deg0.reshape(NPAD, 1)
    deg1 = deg1.reshape(NPAD, 1)
    y3 = _y_call(deg0, deg1, x_pad)
    agg3 = _agg_kernel()(y3, src, dst, ew16)
    out = _head_call(deg0, deg1, agg3, y3, Uz, Uh, cbz, cbh, Wlp, blp)
    return out[:N, :C]

# --- scband reference (transcript-rebuilt; emitter-appended) ---
"""Pipeline reference for scband-a3-tgcn-recurrent-gcn-89008902243189 (READ-ONLY COPY).

The authoritative reference and input builder live on the scoring server;
editing this copy changes nothing except your own understanding.
"""

import jax, jax.numpy as jnp
import numpy as np

N = 10000
E = 320000
F_IN = 128
F_HID = 128
C = 10


def _gcn_conv(x, src, dst, ew, W, b):
    # GCNConv: transform, add self loops, sym-normalize, scatter-add aggregate
    xw = x @ W
    loop = jnp.arange(N, dtype=src.dtype)
    src_f = jnp.concatenate([src, loop])
    dst_f = jnp.concatenate([dst, loop])
    ew_f = jnp.concatenate([ew, jnp.ones((N,), ew.dtype)])
    deg = jnp.zeros((N,), xw.dtype).at[dst_f].add(ew_f)
    safe = jnp.where(deg > 0, deg, 1.0)
    dinv = jnp.where(deg > 0, 1.0 / jnp.sqrt(safe), 0.0)
    norm = dinv[src_f] * ew_f * dinv[dst_f]
    msg = xw[src_f] * norm[:, None]
    out = jnp.zeros((N, W.shape[1]), xw.dtype).at[dst_f].add(msg)
    return out + b


def setup_inputs(seed: int = 0):
    key = jax.random.key(seed)
    ks = jax.random.split(key, 20)
    x = jax.random.normal(ks[0], (N, F_IN), dtype=jnp.float32)
    edge_index = jax.random.randint(ks[1], (2, E), 0, N, dtype=jnp.int32)
    edge_weight = jax.random.uniform(ks[2], (E,), dtype=jnp.float32)
    s_in = 1.0 / np.sqrt(F_IN)
    s_2h = 1.0 / np.sqrt(2 * F_HID)
    s_h = 1.0 / np.sqrt(F_HID)
    Wz = jax.random.uniform(ks[3], (F_IN, F_HID), jnp.float32, -s_in, s_in)
    bz = jnp.zeros((F_HID,), jnp.float32)
    Wr = jax.random.uniform(ks[4], (F_IN, F_HID), jnp.float32, -s_in, s_in)
    br = jnp.zeros((F_HID,), jnp.float32)
    Wh = jax.random.uniform(ks[5], (F_IN, F_HID), jnp.float32, -s_in, s_in)
    bh = jnp.zeros((F_HID,), jnp.float32)
    Wlz = jax.random.uniform(ks[6], (2 * F_HID, F_HID), jnp.float32, -s_2h, s_2h)
    blz = jax.random.uniform(ks[7], (F_HID,), jnp.float32, -s_2h, s_2h)
    Wlr = jax.random.uniform(ks[8], (2 * F_HID, F_HID), jnp.float32, -s_2h, s_2h)
    blr = jax.random.uniform(ks[9], (F_HID,), jnp.float32, -s_2h, s_2h)
    Wlh = jax.random.uniform(ks[10], (2 * F_HID, F_HID), jnp.float32, -s_2h, s_2h)
    blh = jax.random.uniform(ks[11], (F_HID,), jnp.float32, -s_2h, s_2h)
    att = jax.random.uniform(ks[12], (1,), jnp.float32)
    Wlin = jax.random.uniform(ks[13], (F_HID, C), jnp.float32, -s_h, s_h)
    blin = jax.random.uniform(ks[14], (C,), jnp.float32, -s_h, s_h)
    return {"x": x, "edge_index": edge_index, "edge_weight": edge_weight, "Wz": Wz, "bz": bz, "Wr": Wr, "br": br, "Wh": Wh, "bh": bh, "Wlz": Wlz, "blz": blz, "Wlr": Wlr, "blr": blr, "Wlh": Wlh, "blh": blh, "att": att, "Wlin": Wlin, "blin": blin}


def reference(x, edge_index, edge_weight, Wz, bz, Wr, br, Wh, bh, Wlz, blz, Wlr, blr, Wlh, blh, att, Wlin, blin):
    # A3TGCN with periods=1: single TGCN cell step from H=0, attention softmax over 1 period
    src = edge_index[0]
    dst = edge_index[1]
    H0 = jnp.zeros((N, F_HID), x.dtype)
    probs = jax.nn.softmax(att, axis=0)
    cz = _gcn_conv(x, src, dst, edge_weight, Wz, bz)
    Z = jax.nn.sigmoid(jnp.concatenate([cz, H0], axis=1) @ Wlz + blz)
    cr = _gcn_conv(x, src, dst, edge_weight, Wr, br)
    R = jax.nn.sigmoid(jnp.concatenate([cr, H0], axis=1) @ Wlr + blr)
    ch = _gcn_conv(x, src, dst, edge_weight, Wh, bh)
    Ht = jnp.tanh(jnp.concatenate([ch, H0 * R], axis=1) @ Wlh + blh)
    Hn = Z * H0 + (1.0 - Z) * Ht
    H_acc = probs[0] * Hn
    h = jax.nn.relu(H_acc)
    h = h @ Wlin + blin
    return jax.nn.softmax(h, axis=1)

if __name__ == "__main__":
    import jax
    _d = setup_inputs()
    print(jax.jit(kernel)(*tuple(_d.values())))

</pallas_src>

<mosaic_0001>
#map = affine_map<(d0, d1) -> (0, 0)>
#map1 = affine_map<(d0, d1) -> (0)>
module attributes {stable_mosaic.version = 14 : i64} {
  func.func @_deg_body(%arg0: i32, %arg1: i32, %arg2: memref<2560x125xi32, #tpu.memory_space<hbm>>, %arg3: memref<2560x125xf32, #tpu.memory_space<hbm>>, %arg4: memref<10240xf32, #tpu.memory_space<hbm>>, %arg5: memref<10240xf32, #tpu.memory_space<hbm>>, %arg6: memref<80x125xi32, #tpu.memory_space<vmem>>, %arg7: memref<80x125xf32, #tpu.memory_space<vmem>>, %arg8: memref<640xf32, #tpu.memory_space<vmem>>, %arg9: memref<10240xf32, #tpu.memory_space<vmem_shared>>) attributes {dimension_semantics = [#tpu.dimension_semantics<core_parallel>, #tpu.dimension_semantics<subcore_parallel>], iteration_bounds = array<i64: 2, 16>, scalar_prefetch = 0 : i64, scratch_operands = 4 : i64, tpu.core_type = #tpu.core_type<sc_vector_subcore>, window_params = [{transform_indices = #map}, {transform_indices = #map}, {transform_indices = #map1}, {transform_indices = #map1}]} {
    %mul3A = arith.constant 2 : i32
    %mul3A_0 = arith.muli %arg1, %mul3A : i32
    %add3A = arith.addi %mul3A_0, %arg0 : i32
    %scan3A = arith.constant 0 : i32
    %scan3A_1 = arith.constant 0 : i32
    %scan3A_2 = arith.constant 40 : i32
    %scan3A_3 = arith.addi %scan3A_1, %scan3A_2 : i32
    %scan3A_4 = arith.constant 1 : i32
    %scan3A_5 = scf.for %scan3A_30 = %scan3A_1 to %scan3A_3 step %scan3A_4 iter_args(%scan3A_31 = %scan3A) -> (i32)  : i32 {
      %broadcast_in_dim3A = arith.constant 0.000000e+00 : f32
      %broadcast_in_dim3A_32 = vector.broadcast %broadcast_in_dim3A : f32 to vector<16xf32>
      %mul3A_33 = arith.constant 16 : i32
      %mul3A_34 = arith.muli %scan3A_30, %mul3A_33 : i32
      %swap3A = arith.index_cast %mul3A_34 : i32 to index
      %swap3A_35 = tpu.vector_load %arg8[%swap3A] {strides = array<i32>} : memref<640xf32, #tpu.memory_space<vmem>>, vector<16xf32>,
      %swap3A_36 = vector.shape_cast %swap3A_35 : vector<16xf32> to vector<16xf32>
      %swap3A_37 = vector.shape_cast %broadcast_in_dim3A_32 : vector<16xf32> to vector<16xf32>
      tpu.vector_store %arg8[%swap3A], %swap3A_37 {strides = array<i32>} : memref<640xf32, #tpu.memory_space<vmem>>, vector<16xf32>,
      %scan3A_38 = arith.constant 0 : i32
      scf.yield %scan3A_38 : i32
    }
    %scan3A_6 = arith.constant 40 : i32
    %mul3A_7 = arith.constant 640 : i32
    %mul3A_8 = arith.muli %arg1, %mul3A_7 : i32
    "tpu.region"() ({
      %run_scoped3A = tpu.sem_alloc : memref<!tpu.dma_semaphore, #tpu.memory_space<semaphore_mem>>
      %dma_start3A = tpu.memref_slice %arg9[%mul3A_8] : memref<10240xf32, #tpu.memory_space<vmem_shared>> -> memref<640xf32, #tpu.memory_space<vmem_shared>>
      %dma_start3A_30 = tpu.memref_slice %arg9[%mul3A_8] : memref<10240xf32, #tpu.memory_space<vmem_shared>> -> memref<640xf32, #tpu.memory_space<vmem_shared>>
      tpu.enqueue_dma source(%arg8 : memref<640xf32, #tpu.memory_space<vmem>>) target(%dma_start3A_30 : memref<640xf32, #tpu.memory_space<vmem_shared>>) target_semaphore(%run_scoped3A : memref<!tpu.dma_semaphore, #tpu.memory_space<semaphore_mem>>)
      %dma_wait3A = tpu.memref_slice %arg9[%mul3A_8] : memref<10240xf32, #tpu.memory_space<vmem_shared>> -> memref<640xf32, #tpu.memory_space<vmem_shared>>
      %dma_wait3A_31 = tpu.memref_slice %arg9[%mul3A_8] : memref<10240xf32, #tpu.memory_space<vmem_shared>> -> memref<640xf32, #tpu.memory_space<vmem_shared>>
      tpu.wait_dma2 semaphore(%run_scoped3A : memref<!tpu.dma_semaphore, #tpu.memory_space<semaphore_mem>>) src(%arg8 : memref<640xf32, #tpu.memory_space<vmem>>) dst(%dma_wait3A_31 : memref<640xf32, #tpu.memory_space<vmem_shared>>)
      tpu.yield
    }) : () -> ()
    %barrier3A = arith.constant 0 : index
    tpu.barrier barrier_id(%barrier3A)
    %mul3A_9 = arith.constant 80 : i32
    %mul3A_10 = arith.muli %add3A, %mul3A_9 : i32
    "tpu.region"() ({
      %run_scoped3A = tpu.sem_alloc : memref<!tpu.dma_semaphore, #tpu.memory_space<semaphore_mem>>
      %dma_start3A = arith.constant 0 : i32
      %dma_start3A_30 = tpu.memref_slice %arg2[%mul3A_10, %dma_start3A] : memref<2560x125xi32, #tpu.memory_space<hbm>> -> memref<80x125xi32, #tpu.memory_space<hbm>>
      %dma_start3A_31 = arith.constant 0 : i32
      %dma_start3A_32 = tpu.memref_slice %arg2[%mul3A_10, %dma_start3A_31] : memref<2560x125xi32, #tpu.memory_space<hbm>> -> memref<80x125xi32, #tpu.memory_space<hbm>>
      tpu.enqueue_dma source(%dma_start3A_32 : memref<80x125xi32, #tpu.memory_space<hbm>>) target(%arg6 : memref<80x125xi32, #tpu.memory_space<vmem>>) target_semaphore(%run_scoped3A : memref<!tpu.dma_semaphore, #tpu.memory_space<semaphore_mem>>)
      %dma_wait3A = arith.constant 0 : i32
      %dma_wait3A_33 = tpu.memref_slice %arg2[%mul3A_10, %dma_wait3A] : memref<2560x125xi32, #tpu.memory_space<hbm>> -> memref<80x125xi32, #tpu.memory_space<hbm>>
      %dma_wait3A_34 = arith.constant 0 : i32
      %dma_wait3A_35 = tpu.memref_slice %arg2[%mul3A_10, %dma_wait3A_34] : memref<2560x125xi32, #tpu.memory_space<hbm>> -> memref<80x125xi32, #tpu.memory_space<hbm>>
      tpu.wait_dma2 semaphore(%run_scoped3A : memref<!tpu.dma_semaphore, #tpu.memory_space<semaphore_mem>>) src(%dma_wait3A_35 : memref<80x125xi32, #tpu.memory_space<hbm>>) dst(%arg6 : memref<80x125xi32, #tpu.memory_space<vmem>>)
      tpu.yield
    }) : () -> ()
    %mul3A_11 = arith.constant 80 : i32
    %mul3A_12 = arith.muli %add3A, %mul3A_11 : i32
    "tpu.region"() ({
      %run_scoped3A = tpu.sem_alloc : memref<!tpu.dma_semaphore, #tpu.memory_space<semaphore_mem>>
      %dma_start3A = arith.constant 0 : i32
      %dma_start3A_30 = tpu.memref_slice %arg3[%mul3A_12, %dma_start3A] : memref<2560x125xf32, #tpu.memory_space<hbm>> -> memref<80x125xf32, #tpu.memory_space<hbm>>
      %dma_start3A_31 = arith.constant 0 : i32
      %dma_start3A_32 = tpu.memref_slice %arg3[%mul3A_12, %dma_start3A_31] : memref<2560x125xf32, #tpu.memory_space<hbm>> -> memref<80x125xf32, #tpu.memory_space<hbm>>
      tpu.enqueue_dma source(%dma_start3A_32 : memref<80x125xf32, #tpu.memory_space<hbm>>) target(%arg7 : memref<80x125xf32, #tpu.memory_space<vmem>>) target_semaphore(%run_scoped3A : memref<!tpu.dma_semaphore, #tpu.memory_space<semaphore_mem>>)
      %dma_wait3A = arith.constant 0 : i32
      %dma_wait3A_33 = tpu.memref_slice %arg3[%mul3A_12, %dma_wait3A] : memref<2560x125xf32, #tpu.memory_space<hbm>> -> memref<80x125xf32, #tpu.memory_space<hbm>>
      %dma_wait3A_34 = arith.constant 0 : i32
      %dma_wait3A_35 = tpu.memref_slice %arg3[%mul3A_12, %dma_wait3A_34] : memref<2560x125xf32, #tpu.memory_space<hbm>> -> memref<80x125xf32, #tpu.memory_space<hbm>>
      tpu.wait_dma2 semaphore(%run_scoped3A : memref<!tpu.dma_semaphore, #tpu.memory_space<semaphore_mem>>) src(%dma_wait3A_35 : memref<80x125xf32, #tpu.memory_space<hbm>>) dst(%arg7 : memref<80x125xf32, #tpu.memory_space<vmem>>)
      tpu.yield
    }) : () -> ()
    %scan3A_13 = arith.constant 0 : i32
    %scan3A_14 = arith.constant 0 : i32
    %scan3A_15 = arith.constant 80 : i32
    %scan3A_16 = arith.addi %scan3A_14, %scan3A_15 : i32
    %scan3A_17 = arith.constant 1 : i32
    %scan3A_18 = scf.for %scan3A_30 = %scan3A_14 to %scan3A_16 step %scan3A_17 iter_args(%scan3A_31 = %scan3A_13) -> (i32)  : i32 {
      "tpu.region"() ({
        %run_scoped3A = tpu.sem_alloc : memref<!tpu.dma_semaphore, #tpu.memory_space<semaphore_mem>>
        %dma_start3A = arith.constant 0 : i32
        %dma_start3A_33 = tpu.memref_slice %arg7[%scan3A_30, %dma_start3A] : memref<80x125xf32, #tpu.memory_space<vmem>> -> memref<1x125xf32, #tpu.memory_space<vmem>>
        %dma_start3A_34 = tpu.memref_squeeze %dma_start3A_33 : memref<1x125xf32, #tpu.memory_space<vmem>> -> memref<125xf32, #tpu.memory_space<vmem>>
        %dma_start3A_35 = arith.constant 0 : i32
        %dma_start3A_36 = tpu.memref_slice %arg6[%scan3A_30, %dma_start3A_35] : memref<80x125xi32, #tpu.memory_space<vmem>> -> memref<1x125xi32, #tpu.memory_space<vmem>>
        %dma_start3A_37 = tpu.memref_squeeze %dma_start3A_36 : memref<1x125xi32, #tpu.memory_space<vmem>> -> memref<125xi32, #tpu.memory_space<vmem>>
        %dma_start3A_38 = arith.constant 0 : i32
        %dma_start3A_39 = tpu.memref_slice %arg9[%dma_start3A_38] : memref<10240xf32, #tpu.memory_space<vmem_shared>> -> memref<10240xf32, #tpu.memory_space<vmem_shared>>
        tpu.enqueue_indirect_dma source(%dma_start3A_34 : memref<125xf32, #tpu.memory_space<vmem>>) target(%dma_start3A_39 : memref<10240xf32, #tpu.memory_space<vmem_shared>>) offsets(%dma_start3A_37 : memref<125xi32, #tpu.memory_space<vmem>>) semaphore(%run_scoped3A : memref<!tpu.dma_semaphore, #tpu.memory_space<semaphore_mem>>) {add = true}
        %dma_wait3A = arith.constant 0 : i32
        %dma_wait3A_40 = tpu.memref_slice %arg7[%scan3A_30, %dma_wait3A] : memref<80x125xf32, #tpu.memory_space<vmem>> -> memref<1x125xf32, #tpu.memory_space<vmem>>
        %dma_wait3A_41 = tpu.memref_squeeze %dma_wait3A_40 : memref<1x125xf32, #tpu.memory_space<vmem>> -> memref<125xf32, #tpu.memory_space<vmem>>
        %dma_wait3A_42 = arith.constant 0 : i32
        %dma_wait3A_43 = tpu.memref_slice %arg6[%scan3A_30, %dma_wait3A_42] : memref<80x125xi32, #tpu.memory_space<vmem>> -> memref<1x125xi32, #tpu.memory_space<vmem>>
        %dma_wait3A_44 = tpu.memref_squeeze %dma_wait3A_43 : memref<1x125xi32, #tpu.memory_space<vmem>> -> memref<125xi32, #tpu.memory_space<vmem>>
        %dma_wait3A_45 = arith.constant 0 : i32
        %dma_wait3A_46 = tpu.memref_slice %arg9[%dma_wait3A_45] : memref<10240xf32, #tpu.memory_space<vmem_shared>> -> memref<10240xf32, #tpu.memory_space<vmem_shared>>
        tpu.wait_indirect_dma semaphore(%run_scoped3A : memref<!tpu.dma_semaphore, #tpu.memory_space<semaphore_mem>>) src(%dma_wait3A_41 : memref<125xf32, #tpu.memory_space<vmem>>) dst(%dma_wait3A_46 : memref<10240xf32, #tpu.memory_space<vmem_shared>>)
        tpu.yield
      }) : () -> ()
      %scan3A_32 = arith.constant 0 : i32
      scf.yield %scan3A_32 : i32
    }
    %scan3A_19 = arith.constant 80 : i32
    %barrier3A_20 = arith.constant 0 : index
    tpu.barrier barrier_id(%barrier3A_20)
    %mul3A_21 = arith.constant 640 : i32
    %mul3A_22 = arith.muli %arg1, %mul3A_21 : i32
    %eq3A = arith.constant 0 : i32
    %eq3A_23 = arith.cmpi eq, %arg0, %eq3A : i32
    %convert_element_type3A = arith.extui %eq3A_23 : i1 to i32
    %cond3A = arith.constant 0 : i32
    %cond3A_24 = arith.cmpi ne, %convert_element_type3A, %cond3A : i32
    scf.if %cond3A_24 {
      "tpu.region"() ({
        %run_scoped3A = tpu.sem_alloc : memref<!tpu.dma_semaphore, #tpu.memory_space<semaphore_mem>>
        %dma_start3A = tpu.memref_slice %arg4[%mul3A_22] : memref<10240xf32, #tpu.memory_space<hbm>> -> memref<640xf32, #tpu.memory_space<hbm>>
        %dma_start3A_30 = tpu.memref_slice %arg9[%mul3A_22] : memref<10240xf32, #tpu.memory_space<vmem_shared>> -> memref<640xf32, #tpu.memory_space<vmem_shared>>
        tpu.enqueue_dma source(%dma_start3A_30 : memref<640xf32, #tpu.memory_space<vmem_shared>>) target(%dma_start3A : memref<640xf32, #tpu.memory_space<hbm>>) target_semaphore(%run_scoped3A : memref<!tpu.dma_semaphore, #tpu.memory_space<semaphore_mem>>)
        %dma_wait3A = tpu.memref_slice %arg4[%mul3A_22] : memref<10240xf32, #tpu.memory_space<hbm>> -> memref<640xf32, #tpu.memory_space<hbm>>
        %dma_wait3A_31 = tpu.memref_slice %arg9[%mul3A_22] : memref<10240xf32, #tpu.memory_space<vmem_shared>> -> memref<640xf32, #tpu.memory_space<vmem_shared>>
        tpu.wait_dma2 semaphore(%run_scoped3A : memref<!tpu.dma_semaphore, #tpu.memory_space<semaphore_mem>>) src(%dma_wait3A_31 : memref<640xf32, #tpu.memory_space<vmem_shared>>) dst(%dma_wait3A : memref<640xf32, #tpu.memory_space<hbm>>)
        tpu.yield
      }) : () -> ()
    } else {
    }
    %eq3A_25 = arith.constant 1 : i32
    %eq3A_26 = arith.cmpi eq, %arg0, %eq3A_25 : i32
    %convert_element_type3A_27 = arith.extui %eq3A_26 : i1 to i32
    %cond3A_28 = arith.constant 0 : i32
    %cond3A_29 = arith.cmpi ne, %convert_element_type3A_27, %cond3A_28 : i32
    scf.if %cond3A_29 {
      "tpu.region"() ({
        %run_scoped3A = tpu.sem_alloc : memref<!tpu.dma_semaphore, #tpu.memory_space<semaphore_mem>>
        %dma_start3A = tpu.memref_slice %arg5[%mul3A_22] : memref<10240xf32, #tpu.memory_space<hbm>> -> memref<640xf32, #tpu.memory_space<hbm>>
        %dma_start3A_30 = tpu.memref_slice %arg9[%mul3A_22] : memref<10240xf32, #tpu.memory_space<vmem_shared>> -> memref<640xf32, #tpu.memory_space<vmem_shared>>
        tpu.enqueue_dma source(%dma_start3A_30 : memref<640xf32, #tpu.memory_space<vmem_shared>>) target(%dma_start3A : memref<640xf32, #tpu.memory_space<hbm>>) target_semaphore(%run_scoped3A : memref<!tpu.dma_semaphore, #tpu.memory_space<semaphore_mem>>)
        %dma_wait3A = tpu.memref_slice %arg5[%mul3A_22] : memref<10240xf32, #tpu.memory_space<hbm>> -> memref<640xf32, #tpu.memory_space<hbm>>
        %dma_wait3A_31 = tpu.memref_slice %arg9[%mul3A_22] : memref<10240xf32, #tpu.memory_space<vmem_shared>> -> memref<640xf32, #tpu.memory_space<vmem_shared>>
        tpu.wait_dma2 semaphore(%run_scoped3A : memref<!tpu.dma_semaphore, #tpu.memory_space<semaphore_mem>>) src(%dma_wait3A_31 : memref<640xf32, #tpu.memory_space<vmem_shared>>) dst(%dma_wait3A : memref<640xf32, #tpu.memory_space<hbm>>)
        tpu.yield
      }) : () -> ()
    } else {
    }
    return
  }
}

#map = affine_map<(d0, d1) -> (0, 0, 0)>
#map1 = affine_map<(d0, d1) -> (0, 0)>
module attributes {stable_mosaic.version = 14 : i64} {
  func.func @_agg_body(%arg0: i32, %arg1: i32, %arg2: memref<2x10240x64xf32, #tpu.memory_space<hbm>>, %arg3: memref<2560x125xi32, #tpu.memory_space<hbm>>, %arg4: memref<2560x125xi32, #tpu.memory_space<hbm>>, %arg5: memref<2560x125x16xf32, #tpu.memory_space<hbm>>, %arg6: memref<2x10240x64xf32, #tpu.memory_space<hbm>>, %arg7: memref<160x125xi32, #tpu.memory_space<vmem>>, %arg8: memref<160x125xi32, #tpu.memory_space<vmem>>, %arg9: memref<4x125x16xf32, #tpu.memory_space<vmem>>, %arg10: memref<4x125x64xf32, #tpu.memory_space<vmem>>, %arg11: memref<128x64xf32, #tpu.memory_space<vmem>>, %arg12: memref<10240x64xf32, #tpu.memory_space<vmem_shared>>, %arg13: memref<!tpu.dma_semaphore, #tpu.memory_space<semaphore_mem>>, %arg14: memref<!tpu.dma_semaphore, #tpu.memory_space<semaphore_mem>>, %arg15: memref<!tpu.dma_semaphore, #tpu.memory_space<semaphore_mem>>, %arg16: memref<!tpu.dma_semaphore, #tpu.memory_space<semaphore_mem>>, %arg17: memref<!tpu.dma_semaphore, #tpu.memory_space<semaphore_mem>>, %arg18: memref<!tpu.dma_semaphore, #tpu.memory_space<semaphore_mem>>, %arg19: memref<!tpu.dma_semaphore, #tpu.memory_space<semaphore_mem>>, %arg20: memref<!tpu.dma_semaphore, #tpu.memory_space<semaphore_mem>>) attributes {dimension_semantics = [#tpu.dimension_semantics<core_parallel>, #tpu.dimension_semantics<subcore_parallel>], iteration_bounds = array<i64: 2, 16>, scalar_prefetch = 0 : i64, scratch_operands = 14 : i64, tpu.core_type = #tpu.core_type<sc_vector_subcore>, window_params = [{transform_indices = #map}, {transform_indices = #map1}, {transform_indices = #map1}, {transform_indices = #map}, {transform_indices = #map}]} {
    %scan3A = arith.constant 0 : i32
    %scan3A_0 = arith.constant 0 : i32
    %scan3A_1 = arith.constant 128 : i32
    %scan3A_2 = arith.addi %scan3A_0, %scan3A_1 : i32
    %scan3A_3 = arith.constant 1 : i32
    %scan3A_4 = scf.for %scan3A_170 = %scan3A_0 to %scan3A_2 step %scan3A_3 iter_args(%scan3A_171 = %scan3A) -> (i32)  : i32 {
      %broadcast_in_dim3A = arith.constant 0.000000e+00 : f32
      %broadcast_in_dim3A_172 = vector.broadcast %broadcast_in_dim3A : f32 to vector<16xf32>
      %swap3A = arith.index_cast %scan3A_170 : i32 to index
      %swap3A_173 = arith.constant 0 : index
      %swap3A_174 = tpu.vector_load %arg11[%swap3A, %swap3A_173] {strides = array<i32>} : memref<128x64xf32, #tpu.memory_space<vmem>>, vector<1x16xf32>,
      %swap3A_175 = vector.shape_cast %swap3A_174 : vector<1x16xf32> to vector<16xf32>
      %swap3A_176 = vector.shape_cast %broadcast_in_dim3A_172 : vector<16xf32> to vector<1x16xf32>
      tpu.vector_store %arg11[%swap3A, %swap3A_173], %swap3A_176 {strides = array<i32>} : memref<128x64xf32, #tpu.memory_space<vmem>>, vector<1x16xf32>,
      %broadcast_in_dim3A_177 = arith.constant 0.000000e+00 : f32
      %broadcast_in_dim3A_178 = vector.broadcast %broadcast_in_dim3A_177 : f32 to vector<16xf32>
      %swap3A_179 = arith.index_cast %scan3A_170 : i32 to index
      %swap3A_180 = arith.constant 16 : index
      %swap3A_181 = tpu.vector_load %arg11[%swap3A_179, %swap3A_180] {strides = array<i32>} : memref<128x64xf32, #tpu.memory_space<vmem>>, vector<1x16xf32>,
      %swap3A_182 = vector.shape_cast %swap3A_181 : vector<1x16xf32> to vector<16xf32>
      %swap3A_183 = vector.shape_cast %broadcast_in_dim3A_178 : vector<16xf32> to vector<1x16xf32>
      tpu.vector_store %arg11[%swap3A_179, %swap3A_180], %swap3A_183 {strides = array<i32>} : memref<128x64xf32, #tpu.memory_space<vmem>>, vector<1x16xf32>,
      %broadcast_in_dim3A_184 = arith.constant 0.000000e+00 : f32
      %broadcast_in_dim3A_185 = vector.broadcast %broadcast_in_dim3A_184 : f32 to vector<16xf32>
      %swap3A_186 = arith.index_cast %scan3A_170 : i32 to index
      %swap3A_187 = arith.constant 32 : index
      %swap3A_188 = tpu.vector_load %arg11[%swap3A_186, %swap3A_187] {strides = array<i32>} : memref<128x64xf32, #tpu.memory_space<vmem>>, vector<1x16xf32>,
      %swap3A_189 = vector.shape_cast %swap3A_188 : vector<1x16xf32> to vector<16xf32>
      %swap3A_190 = vector.shape_cast %broadcast_in_dim3A_185 : vector<16xf32> to vector<1x16xf32>
      tpu.vector_store %arg11[%swap3A_186, %swap3A_187], %swap3A_190 {strides = array<i32>} : memref<128x64xf32, #tpu.memory_space<vmem>>, vector<1x16xf32>,
      %broadcast_in_dim3A_191 = arith.constant 0.000000e+00 : f32
      %broadcast_in_dim3A_192 = vector.broadcast %broadcast_in_dim3A_191 : f32 to vector<16xf32>
      %swap3A_193 = arith.index_cast %scan3A_170 : i32 to index
      %swap3A_194 = arith.constant 48 : index
      %swap3A_195 = tpu.vector_load %arg11[%swap3A_193, %swap3A_194] {strides = array<i32>} : memref<128x64xf32, #tpu.memory_space<vmem>>, vector<1x16xf32>,
      %swap3A_196 = vector.shape_cast %swap3A_195 : vector<1x16xf32> to vector<16xf32>
      %swap3A_197 = vector.shape_cast %broadcast_in_dim3A_192 : vector<16xf32> to vector<1x16xf32>
      tpu.vector_store %arg11[%swap3A_193, %swap3A_194], %swap3A_197 {strides = array<i32>} : memref<128x64xf32, #tpu.memory_space<vmem>>, vector<1x16xf32>,
      %scan3A_198 = arith.constant 0 : i32
      scf.yield %scan3A_198 : i32
    }
    %scan3A_5 = arith.constant 128 : i32
    %mul3A = arith.constant 640 : i32
    %mul3A_6 = arith.muli %arg1, %mul3A : i32
    %add3A = arith.constant 0 : i32
    %add3A_7 = arith.addi %mul3A_6, %add3A : i32
    "tpu.region"() ({
      %run_scoped3A = tpu.sem_alloc : memref<!tpu.dma_semaphore, #tpu.memory_space<semaphore_mem>>
      %dma_start3A_170 = arith.constant 0 : i32
      %dma_start3A_171 = tpu.memref_slice %arg12[%add3A_7, %dma_start3A_170] : memref<10240x64xf32, #tpu.memory_space<vmem_shared>> -> memref<128x64xf32, #tpu.memory_space<vmem_shared>>
      %dma_start3A_172 = arith.constant 0 : i32
      %dma_start3A_173 = tpu.memref_slice %arg12[%add3A_7, %dma_start3A_172] : memref<10240x64xf32, #tpu.memory_space<vmem_shared>> -> memref<128x64xf32, #tpu.memory_space<vmem_shared>>
      tpu.enqueue_dma source(%arg11 : memref<128x64xf32, #tpu.memory_space<vmem>>) target(%dma_start3A_173 : memref<128x64xf32, #tpu.memory_space<vmem_shared>>) target_semaphore(%run_scoped3A : memref<!tpu.dma_semaphore, #tpu.memory_space<semaphore_mem>>)
      %dma_wait3A_174 = arith.constant 0 : i32
      %dma_wait3A_175 = tpu.memref_slice %arg12[%add3A_7, %dma_wait3A_174] : memref<10240x64xf32, #tpu.memory_space<vmem_shared>> -> memref<128x64xf32, #tpu.memory_space<vmem_shared>>
      %dma_wait3A_176 = arith.constant 0 : i32
      %dma_wait3A_177 = tpu.memref_slice %arg12[%add3A_7, %dma_wait3A_176] : memref<10240x64xf32, #tpu.memory_space<vmem_shared>> -> memref<128x64xf32, #tpu.memory_space<vmem_shared>>
      tpu.wait_dma2 semaphore(%run_scoped3A : memref<!tpu.dma_semaphore, #tpu.memory_space<semaphore_mem>>) src(%arg11 : memref<128x64xf32, #tpu.memory_space<vmem>>) dst(%dma_wait3A_177 : memref<128x64xf32, #tpu.memory_space<vmem_shared>>)
      tpu.yield
    }) : () -> ()
    %mul3A_8 = arith.constant 640 : i32
    %mul3A_9 = arith.muli %arg1, %mul3A_8 : i32
    %add3A_10 = arith.constant 128 : i32
    %add3A_11 = arith.addi %mul3A_9, %add3A_10 : i32
    "tpu.region"() ({
      %run_scoped3A = tpu.sem_alloc : memref<!tpu.dma_semaphore, #tpu.memory_space<semaphore_mem>>
      %dma_start3A_170 = arith.constant 0 : i32
      %dma_start3A_171 = tpu.memref_slice %arg12[%add3A_11, %dma_start3A_170] : memref<10240x64xf32, #tpu.memory_space<vmem_shared>> -> memref<128x64xf32, #tpu.memory_space<vmem_shared>>
      %dma_start3A_172 = arith.constant 0 : i32
      %dma_start3A_173 = tpu.memref_slice %arg12[%add3A_11, %dma_start3A_172] : memref<10240x64xf32, #tpu.memory_space<vmem_shared>> -> memref<128x64xf32, #tpu.memory_space<vmem_shared>>
      tpu.enqueue_dma source(%arg11 : memref<128x64xf32, #tpu.memory_space<vmem>>) target(%dma_start3A_173 : memref<128x64xf32, #tpu.memory_space<vmem_shared>>) target_semaphore(%run_scoped3A : memref<!tpu.dma_semaphore, #tpu.memory_space<semaphore_mem>>)
      %dma_wait3A_174 = arith.constant 0 : i32
      %dma_wait3A_175 = tpu.memref_slice %arg12[%add3A_11, %dma_wait3A_174] : memref<10240x64xf32, #tpu.memory_space<vmem_shared>> -> memref<128x64xf32, #tpu.memory_space<vmem_shared>>
      %dma_wait3A_176 = arith.constant 0 : i32
      %dma_wait3A_177 = tpu.memref_slice %arg12[%add3A_11, %dma_wait3A_176] : memref<10240x64xf32, #tpu.memory_space<vmem_shared>> -> memref<128x64xf32, #tpu.memory_space<vmem_shared>>
      tpu.wait_dma2 semaphore(%run_scoped3A : memref<!tpu.dma_semaphore, #tpu.memory_space<semaphore_mem>>) src(%arg11 : memref<128x64xf32, #tpu.memory_space<vmem>>) dst(%dma_wait3A_177 : memref<128x64xf32, #tpu.memory_space<vmem_shared>>)
      tpu.yield
    }) : () -> ()
    %mul3A_12 = arith.constant 640 : i32
    %mul3A_13 = arith.muli %arg1, %mul3A_12 : i32
    %add3A_14 = arith.constant 256 : i32
    %add3A_15 = arith.addi %mul3A_13, %add3A_14 : i32
    "tpu.region"() ({
      %run_scoped3A = tpu.sem_alloc : memref<!tpu.dma_semaphore, #tpu.memory_space<semaphore_mem>>
      %dma_start3A_170 = arith.constant 0 : i32
      %dma_start3A_171 = tpu.memref_slice %arg12[%add3A_15, %dma_start3A_170] : memref<10240x64xf32, #tpu.memory_space<vmem_shared>> -> memref<128x64xf32, #tpu.memory_space<vmem_shared>>
      %dma_start3A_172 = arith.constant 0 : i32
      %dma_start3A_173 = tpu.memref_slice %arg12[%add3A_15, %dma_start3A_172] : memref<10240x64xf32, #tpu.memory_space<vmem_shared>> -> memref<128x64xf32, #tpu.memory_space<vmem_shared>>
      tpu.enqueue_dma source(%arg11 : memref<128x64xf32, #tpu.memory_space<vmem>>) target(%dma_start3A_173 : memref<128x64xf32, #tpu.memory_space<vmem_shared>>) target_semaphore(%run_scoped3A : memref<!tpu.dma_semaphore, #tpu.memory_space<semaphore_mem>>)
      %dma_wait3A_174 = arith.constant 0 : i32
      %dma_wait3A_175 = tpu.memref_slice %arg12[%add3A_15, %dma_wait3A_174] : memref<10240x64xf32, #tpu.memory_space<vmem_shared>> -> memref<128x64xf32, #tpu.memory_space<vmem_shared>>
      %dma_wait3A_176 = arith.constant 0 : i32
      %dma_wait3A_177 = tpu.memref_slice %arg12[%add3A_15, %dma_wait3A_176] : memref<10240x64xf32, #tpu.memory_space<vmem_shared>> -> memref<128x64xf32, #tpu.memory_space<vmem_shared>>
      tpu.wait_dma2 semaphore(%run_scoped3A : memref<!tpu.dma_semaphore, #tpu.memory_space<semaphore_mem>>) src(%arg11 : memref<128x64xf32, #tpu.memory_space<vmem>>) dst(%dma_wait3A_177 : memref<128x64xf32, #tpu.memory_space<vmem_shared>>)
      tpu.yield
    }) : () -> ()
    %mul3A_16 = arith.constant 640 : i32
    %mul3A_17 = arith.muli %arg1, %mul3A_16 : i32
    %add3A_18 = arith.constant 384 : i32
    %add3A_19 = arith.addi %mul3A_17, %add3A_18 : i32
    "tpu.region"() ({
      %run_scoped3A = tpu.sem_alloc : memref<!tpu.dma_semaphore, #tpu.memory_space<semaphore_mem>>
      %dma_start3A_170 = arith.constant 0 : i32
      %dma_start3A_171 = tpu.memref_slice %arg12[%add3A_19, %dma_start3A_170] : memref<10240x64xf32, #tpu.memory_space<vmem_shared>> -> memref<128x64xf32, #tpu.memory_space<vmem_shared>>
      %dma_start3A_172 = arith.constant 0 : i32
      %dma_start3A_173 = tpu.memref_slice %arg12[%add3A_19, %dma_start3A_172] : memref<10240x64xf32, #tpu.memory_space<vmem_shared>> -> memref<128x64xf32, #tpu.memory_space<vmem_shared>>
      tpu.enqueue_dma source(%arg11 : memref<128x64xf32, #tpu.memory_space<vmem>>) target(%dma_start3A_173 : memref<128x64xf32, #tpu.memory_space<vmem_shared>>) target_semaphore(%run_scoped3A : memref<!tpu.dma_semaphore, #tpu.memory_space<semaphore_mem>>)
      %dma_wait3A_174 = arith.constant 0 : i32
      %dma_wait3A_175 = tpu.memref_slice %arg12[%add3A_19, %dma_wait3A_174] : memref<10240x64xf32, #tpu.memory_space<vmem_shared>> -> memref<128x64xf32, #tpu.memory_space<vmem_shared>>
      %dma_wait3A_176 = arith.constant 0 : i32
      %dma_wait3A_177 = tpu.memref_slice %arg12[%add3A_19, %dma_wait3A_176] : memref<10240x64xf32, #tpu.memory_space<vmem_shared>> -> memref<128x64xf32, #tpu.memory_space<vmem_shared>>
      tpu.wait_dma2 semaphore(%run_scoped3A : memref<!tpu.dma_semaphore, #tpu.memory_space<semaphore_mem>>) src(%arg11 : memref<128x64xf32, #tpu.memory_space<vmem>>) dst(%dma_wait3A_177 : memref<128x64xf32, #tpu.memory_space<vmem_shared>>)
      tpu.yield
    }) : () -> ()
    %mul3A_20 = arith.constant 640 : i32
    %mul3A_21 = arith.muli %arg1, %mul3A_20 : i32
    %add3A_22 = arith.constant 512 : i32
    %add3A_23 = arith.addi %mul3A_21, %add3A_22 : i32
    "tpu.region"() ({
      %run_scoped3A = tpu.sem_alloc : memref<!tpu.dma_semaphore, #tpu.memory_space<semaphore_mem>>
      %dma_start3A_170 = arith.constant 0 : i32
      %dma_start3A_171 = tpu.memref_slice %arg12[%add3A_23, %dma_start3A_170] : memref<10240x64xf32, #tpu.memory_space<vmem_shared>> -> memref<128x64xf32, #tpu.memory_space<vmem_shared>>
      %dma_start3A_172 = arith.constant 0 : i32
      %dma_start3A_173 = tpu.memref_slice %arg12[%add3A_23, %dma_start3A_172] : memref<10240x64xf32, #tpu.memory_space<vmem_shared>> -> memref<128x64xf32, #tpu.memory_space<vmem_shared>>
      tpu.enqueue_dma source(%arg11 : memref<128x64xf32, #tpu.memory_space<vmem>>) target(%dma_start3A_173 : memref<128x64xf32, #tpu.memory_space<vmem_shared>>) target_semaphore(%run_scoped3A : memref<!tpu.dma_semaphore, #tpu.memory_space<semaphore_mem>>)
      %dma_wait3A_174 = arith.constant 0 : i32
      %dma_wait3A_175 = tpu.memref_slice %arg12[%add3A_23, %dma_wait3A_174] : memref<10240x64xf32, #tpu.memory_space<vmem_shared>> -> memref<128x64xf32, #tpu.memory_space<vmem_shared>>
      %dma_wait3A_176 = arith.constant 0 : i32
      %dma_wait3A_177 = tpu.memref_slice %arg12[%add3A_23, %dma_wait3A_176] : memref<10240x64xf32, #tpu.memory_space<vmem_shared>> -> memref<128x64xf32, #tpu.memory_space<vmem_shared>>
      tpu.wait_dma2 semaphore(%run_scoped3A : memref<!tpu.dma_semaphore, #tpu.memory_space<semaphore_mem>>) src(%arg11 : memref<128x64xf32, #tpu.memory_space<vmem>>) dst(%dma_wait3A_177 : memref<128x64xf32, #tpu.memory_space<vmem_shared>>)
      tpu.yield
    }) : () -> ()
    %barrier3A = arith.constant 0 : index
    tpu.barrier barrier_id(%barrier3A)
    %mul3A_24 = arith.constant 160 : i32
    %mul3A_25 = arith.muli %arg1, %mul3A_24 : i32
    "tpu.region"() ({
      %run_scoped3A = tpu.sem_alloc : memref<!tpu.dma_semaphore, #tpu.memory_space<semaphore_mem>>
      %dma_start3A_170 = arith.constant 0 : i32
      %dma_start3A_171 = tpu.memref_slice %arg3[%mul3A_25, %dma_start3A_170] : memref<2560x125xi32, #tpu.memory_space<hbm>> -> memref<160x125xi32, #tpu.memory_space<hbm>>
      %dma_start3A_172 = arith.constant 0 : i32
      %dma_start3A_173 = tpu.memref_slice %arg3[%mul3A_25, %dma_start3A_172] : memref<2560x125xi32, #tpu.memory_space<hbm>> -> memref<160x125xi32, #tpu.memory_space<hbm>>
      tpu.enqueue_dma source(%dma_start3A_173 : memref<160x125xi32, #tpu.memory_space<hbm>>) target(%arg7 : memref<160x125xi32, #tpu.memory_space<vmem>>) target_semaphore(%run_scoped3A : memref<!tpu.dma_semaphore, #tpu.memory_space<semaphore_mem>>)
      %dma_wait3A_174 = arith.constant 0 : i32
      %dma_wait3A_175 = tpu.memref_slice %arg3[%mul3A_25, %dma_wait3A_174] : memref<2560x125xi32, #tpu.memory_space<hbm>> -> memref<160x125xi32, #tpu.memory_space<hbm>>
      %dma_wait3A_176 = arith.constant 0 : i32
      %dma_wait3A_177 = tpu.memref_slice %arg3[%mul3A_25, %dma_wait3A_176] : memref<2560x125xi32, #tpu.memory_space<hbm>> -> memref<160x125xi32, #tpu.memory_space<hbm>>
      tpu.wait_dma2 semaphore(%run_scoped3A : memref<!tpu.dma_semaphore, #tpu.memory_space<semaphore_mem>>) src(%dma_wait3A_177 : memref<160x125xi32, #tpu.memory_space<hbm>>) dst(%arg7 : memref<160x125xi32, #tpu.memory_space<vmem>>)
      tpu.yield
    }) : () -> ()
    %mul3A_26 = arith.constant 160 : i32
    %mul3A_27 = arith.muli %arg1, %mul3A_26 : i32
    "tpu.region"() ({
      %run_scoped3A = tpu.sem_alloc : memref<!tpu.dma_semaphore, #tpu.memory_space<semaphore_mem>>
      %dma_start3A_170 = arith.constant 0 : i32
      %dma_start3A_171 = tpu.memref_slice %arg4[%mul3A_27, %dma_start3A_170] : memref<2560x125xi32, #tpu.memory_space<hbm>> -> memref<160x125xi32, #tpu.memory_space<hbm>>
      %dma_start3A_172 = arith.constant 0 : i32
      %dma_start3A_173 = tpu.memref_slice %arg4[%mul3A_27, %dma_start3A_172] : memref<2560x125xi32, #tpu.memory_space<hbm>> -> memref<160x125xi32, #tpu.memory_space<hbm>>
      tpu.enqueue_dma source(%dma_start3A_173 : memref<160x125xi32, #tpu.memory_space<hbm>>) target(%arg8 : memref<160x125xi32, #tpu.memory_space<vmem>>) target_semaphore(%run_scoped3A : memref<!tpu.dma_semaphore, #tpu.memory_space<semaphore_mem>>)
      %dma_wait3A_174 = arith.constant 0 : i32
      %dma_wait3A_175 = tpu.memref_slice %arg4[%mul3A_27, %dma_wait3A_174] : memref<2560x125xi32, #tpu.memory_space<hbm>> -> memref<160x125xi32, #tpu.memory_space<hbm>>
      %dma_wait3A_176 = arith.constant 0 : i32
      %dma_wait3A_177 = tpu.memref_slice %arg4[%mul3A_27, %dma_wait3A_176] : memref<2560x125xi32, #tpu.memory_space<hbm>> -> memref<160x125xi32, #tpu.memory_space<hbm>>
      tpu.wait_dma2 semaphore(%run_scoped3A : memref<!tpu.dma_semaphore, #tpu.memory_space<semaphore_mem>>) src(%dma_wait3A_177 : memref<160x125xi32, #tpu.memory_space<hbm>>) dst(%arg8 : memref<160x125xi32, #tpu.memory_space<vmem>>)
      tpu.yield
    }) : () -> ()
    %mul3A_28 = arith.constant 160 : i32
    %mul3A_29 = arith.muli %arg1, %mul3A_28 : i32
    %add3A_30 = arith.constant 0 : i32
    %add3A_31 = arith.addi %mul3A_29, %add3A_30 : i32
    %dma_start3A = arith.constant 0 : i32
    %dma_start3A_32 = arith.constant 0 : i32
    %dma_start3A_33 = arith.constant 0 : i32
    %dma_start3A_34 = tpu.memref_slice %arg9[%dma_start3A, %dma_start3A_32, %dma_start3A_33] : memref<4x125x16xf32, #tpu.memory_space<vmem>> -> memref<1x125x16xf32, #tpu.memory_space<vmem>>
    %dma_start3A_35 = tpu.memref_squeeze %dma_start3A_34 : memref<1x125x16xf32, #tpu.memory_space<vmem>> -> memref<125x16xf32, #tpu.memory_space<vmem>>
    %dma_start3A_36 = arith.constant 0 : i32
    %dma_start3A_37 = arith.constant 0 : i32
    %dma_start3A_38 = tpu.memref_slice %arg5[%add3A_31, %dma_start3A_36, %dma_start3A_37] : memref<2560x125x16xf32, #tpu.memory_space<hbm>> -> memref<1x125x16xf32, #tpu.memory_space<hbm>>
    %dma_start3A_39 = tpu.memref_squeeze %dma_start3A_38 : memref<1x125x16xf32, #tpu.memory_space<hbm>> -> memref<125x16xf32, #tpu.memory_space<hbm>>
    %dma_start3A_40 = arith.constant 0 : i32
    %dma_start3A_41 = arith.constant 0 : i32
    %dma_start3A_42 = tpu.memref_slice %arg9[%dma_start3A, %dma_start3A_40, %dma_start3A_41] : memref<4x125x16xf32, #tpu.memory_space<vmem>> -> memref<1x125x16xf32, #tpu.memory_space<vmem>>
    %dma_start3A_43 = tpu.memref_squeeze %dma_start3A_42 : memref<1x125x16xf32, #tpu.memory_space<vmem>> -> memref<125x16xf32, #tpu.memory_space<vmem>>
    %dma_start3A_44 = arith.constant 0 : i32
    %dma_start3A_45 = arith.constant 0 : i32
    %dma_start3A_46 = tpu.memref_slice %arg5[%add3A_31, %dma_start3A_44, %dma_start3A_45] : memref<2560x125x16xf32, #tpu.memory_space<hbm>> -> memref<1x125x16xf32, #tpu.memory_space<hbm>>
    %dma_start3A_47 = tpu.memref_squeeze %dma_start3A_46 : memref<1x125x16xf32, #tpu.memory_space<hbm>> -> memref<125x16xf32, #tpu.memory_space<hbm>>
    tpu.enqueue_dma source(%dma_start3A_47 : memref<125x16xf32, #tpu.memory_space<hbm>>) target(%dma_start3A_43 : memref<125x16xf32, #tpu.memory_space<vmem>>) target_semaphore(%arg13 : memref<!tpu.dma_semaphore, #tpu.memory_space<semaphore_mem>>)
    %dma_start3A_48 = arith.constant 0 : i32
    %dma_start3A_49 = arith.constant 0 : i32
    %dma_start3A_50 = arith.constant 0 : i32
    %dma_start3A_51 = arith.constant 0 : i32
    %dma_start3A_52 = tpu.memref_slice %arg10[%dma_start3A_49, %dma_start3A_50, %dma_start3A_51] : memref<4x125x64xf32, #tpu.memory_space<vmem>> -> memref<1x125x64xf32, #tpu.memory_space<vmem>>
    %dma_start3A_53 = tpu.memref_squeeze %dma_start3A_52 : memref<1x125x64xf32, #tpu.memory_space<vmem>> -> memref<125x64xf32, #tpu.memory_space<vmem>>
    %dma_start3A_54 = arith.constant 0 : i32
    %dma_start3A_55 = tpu.memref_slice %arg7[%dma_start3A_48, %dma_start3A_54] : memref<160x125xi32, #tpu.memory_space<vmem>> -> memref<1x125xi32, #tpu.memory_space<vmem>>
    %dma_start3A_56 = tpu.memref_squeeze %dma_start3A_55 : memref<1x125xi32, #tpu.memory_space<vmem>> -> memref<125xi32, #tpu.memory_space<vmem>>
    %dma_start3A_57 = arith.constant 0 : i32
    %dma_start3A_58 = arith.constant 0 : i32
    %dma_start3A_59 = tpu.memref_slice %arg2[%arg0, %dma_start3A_57, %dma_start3A_58] : memref<2x10240x64xf32, #tpu.memory_space<hbm>> -> memref<1x10240x64xf32, #tpu.memory_space<hbm>>
    %dma_start3A_60 = tpu.memref_squeeze %dma_start3A_59 : memref<1x10240x64xf32, #tpu.memory_space<hbm>> -> memref<10240x64xf32, #tpu.memory_space<hbm>>
    %dma_start3A_61 = arith.constant 0 : i32
    %dma_start3A_62 = arith.constant 0 : i32
    %dma_start3A_63 = tpu.memref_slice %dma_start3A_60[%dma_start3A_61, %dma_start3A_62] : memref<10240x64xf32, #tpu.memory_space<hbm>> -> memref<10240x64xf32, #tpu.memory_space<hbm>>
    tpu.enqueue_indirect_dma source(%dma_start3A_63 : memref<10240x64xf32, #tpu.memory_space<hbm>>) target(%dma_start3A_53 : memref<125x64xf32, #tpu.memory_space<vmem>>) offsets(%dma_start3A_56 : memref<125xi32, #tpu.memory_space<vmem>>) semaphore(%arg13 : memref<!tpu.dma_semaphore, #tpu.memory_space<semaphore_mem>>)
    %mul3A_64 = arith.constant 160 : i32
    %mul3A_65 = arith.muli %arg1, %mul3A_64 : i32
    %add3A_66 = arith.constant 1 : i32
    %add3A_67 = arith.addi %mul3A_65, %add3A_66 : i32
    %dma_start3A_68 = arith.constant 1 : i32
    %dma_start3A_69 = arith.constant 0 : i32
    %dma_start3A_70 = arith.constant 0 : i32
    %dma_start3A_71 = tpu.memref_slice %arg9[%dma_start3A_68, %dma_start3A_69, %dma_start3A_70] : memref<4x125x16xf32, #tpu.memory_space<vmem>> -> memref<1x125x16xf32, #tpu.memory_space<vmem>>
    %dma_start3A_72 = tpu.memref_squeeze %dma_start3A_71 : memref<1x125x16xf32, #tpu.memory_space<vmem>> -> memref<125x16xf32, #tpu.memory_space<vmem>>
    %dma_start3A_73 = arith.constant 0 : i32
    %dma_start3A_74 = arith.constant 0 : i32
    %dma_start3A_75 = tpu.memref_slice %arg5[%add3A_67, %dma_start3A_73, %dma_start3A_74] : memref<2560x125x16xf32, #tpu.memory_space<hbm>> -> memref<1x125x16xf32, #tpu.memory_space<hbm>>
    %dma_start3A_76 = tpu.memref_squeeze %dma_start3A_75 : memref<1x125x16xf32, #tpu.memory_space<hbm>> -> memref<125x16xf32, #tpu.memory_space<hbm>>
    %dma_start3A_77 = arith.constant 0 : i32
    %dma_start3A_78 = arith.constant 0 : i32
    %dma_start3A_79 = tpu.memref_slice %arg9[%dma_start3A_68, %dma_start3A_77, %dma_start3A_78] : memref<4x125x16xf32, #tpu.memory_space<vmem>> -> memref<1x125x16xf32, #tpu.memory_space<vmem>>
    %dma_start3A_80 = tpu.memref_squeeze %dma_start3A_79 : memref<1x125x16xf32, #tpu.memory_space<vmem>> -> memref<125x16xf32, #tpu.memory_space<vmem>>
    %dma_start3A_81 = arith.constant 0 : i32
    %dma_start3A_82 = arith.constant 0 : i32
    %dma_start3A_83 = tpu.memref_slice %arg5[%add3A_67, %dma_start3A_81, %dma_start3A_82] : memref<2560x125x16xf32, #tpu.memory_space<hbm>> -> memref<1x125x16xf32, #tpu.memory_space<hbm>>
    %dma_start3A_84 = tpu.memref_squeeze %dma_start3A_83 : memref<1x125x16xf32, #tpu.memory_space<hbm>> -> memref<125x16xf32, #tpu.memory_space<hbm>>
    tpu.enqueue_dma source(%dma_start3A_84 : memref<125x16xf32, #tpu.memory_space<hbm>>) target(%dma_start3A_80 : memref<125x16xf32, #tpu.memory_space<vmem>>) target_semaphore(%arg14 : memref<!tpu.dma_semaphore, #tpu.memory_space<semaphore_mem>>)
    %dma_start3A_85 = arith.constant 1 : i32
    %dma_start3A_86 = arith.constant 1 : i32
    %dma_start3A_87 = arith.constant 0 : i32
    %dma_start3A_88 = arith.constant 0 : i32
    %dma_start3A_89 = tpu.memref_slice %arg10[%dma_start3A_86, %dma_start3A_87, %dma_start3A_88] : memref<4x125x64xf32, #tpu.memory_space<vmem>> -> memref<1x125x64xf32, #tpu.memory_space<vmem>>
    %dma_start3A_90 = tpu.memref_squeeze %dma_start3A_89 : memref<1x125x64xf32, #tpu.memory_space<vmem>> -> memref<125x64xf32, #tpu.memory_space<vmem>>
    %dma_start3A_91 = arith.constant 0 : i32
    %dma_start3A_92 = tpu.memref_slice %arg7[%dma_start3A_85, %dma_start3A_91] : memref<160x125xi32, #tpu.memory_space<vmem>> -> memref<1x125xi32, #tpu.memory_space<vmem>>
    %dma_start3A_93 = tpu.memref_squeeze %dma_start3A_92 : memref<1x125xi32, #tpu.memory_space<vmem>> -> memref<125xi32, #tpu.memory_space<vmem>>
    %dma_start3A_94 = arith.constant 0 : i32
    %dma_start3A_95 = arith.constant 0 : i32
    %dma_start3A_96 = tpu.memref_slice %arg2[%arg0, %dma_start3A_94, %dma_start3A_95] : memref<2x10240x64xf32, #tpu.memory_space<hbm>> -> memref<1x10240x64xf32, #tpu.memory_space<hbm>>
    %dma_start3A_97 = tpu.memref_squeeze %dma_start3A_96 : memref<1x10240x64xf32, #tpu.memory_space<hbm>> -> memref<10240x64xf32, #tpu.memory_space<hbm>>
    %dma_start3A_98 = arith.constant 0 : i32
    %dma_start3A_99 = arith.constant 0 : i32
    %dma_start3A_100 = tpu.memref_slice %dma_start3A_97[%dma_start3A_98, %dma_start3A_99] : memref<10240x64xf32, #tpu.memory_space<hbm>> -> memref<10240x64xf32, #tpu.memory_space<hbm>>
    tpu.enqueue_indirect_dma source(%dma_start3A_100 : memref<10240x64xf32, #tpu.memory_space<hbm>>) target(%dma_start3A_90 : memref<125x64xf32, #tpu.memory_space<vmem>>) offsets(%dma_start3A_93 : memref<125xi32, #tpu.memory_space<vmem>>) semaphore(%arg14 : memref<!tpu.dma_semaphore, #tpu.memory_space<semaphore_mem>>)
    %scan3A_101 = arith.constant 0 : i32
    %scan3A_102 = arith.constant 0 : i32
    %scan3A_103 = arith.constant 40 : i32
    %scan3A_104 = arith.addi %scan3A_102, %scan3A_103 : i32
    %scan3A_105 = arith.constant 1 : i32
    %scan3A_106 = scf.for %scan3A_170 = %scan3A_102 to %scan3A_104 step %scan3A_105 iter_args(%scan3A_171 = %scan3A_101) -> (i32)  : i32 {
      %mul3A_172 = arith.constant 4 : i32
      %mul3A_173 = arith.muli %scan3A_170, %mul3A_172 : i32
      %add3A_174 = arith.constant 0 : i32
      %add3A_175 = arith.addi %mul3A_173, %add3A_174 : i32
      %dma_wait3A_176 = arith.constant 0 : i32
      %dma_wait3A_177 = arith.constant 0 : i32
      %dma_wait3A_178 = arith.constant 0 : i32
      %dma_wait3A_179 = arith.constant 0 : i32
      %dma_wait3A_180 = tpu.memref_slice %arg9[%dma_wait3A_177, %dma_wait3A_178, %dma_wait3A_179] : memref<4x125x16xf32, #tpu.memory_space<vmem>> -> memref<1x125x16xf32, #tpu.memory_space<vmem>>
      %dma_wait3A_181 = tpu.memref_squeeze %dma_wait3A_180 : memref<1x125x16xf32, #tpu.memory_space<vmem>> -> memref<125x16xf32, #tpu.memory_space<vmem>>
      %dma_wait3A_182 = arith.constant 0 : i32
      %dma_wait3A_183 = arith.constant 0 : i32
      %dma_wait3A_184 = tpu.memref_slice %arg5[%dma_wait3A_176, %dma_wait3A_182, %dma_wait3A_183] : memref<2560x125x16xf32, #tpu.memory_space<hbm>> -> memref<1x125x16xf32, #tpu.memory_space<hbm>>
      %dma_wait3A_185 = tpu.memref_squeeze %dma_wait3A_184 : memref<1x125x16xf32, #tpu.memory_space<hbm>> -> memref<125x16xf32, #tpu.memory_space<hbm>>
      %dma_wait3A_186 = arith.constant 0 : i32
      %dma_wait3A_187 = arith.constant 0 : i32
      %dma_wait3A_188 = tpu.memref_slice %arg9[%dma_wait3A_177, %dma_wait3A_186, %dma_wait3A_187] : memref<4x125x16xf32, #tpu.memory_space<vmem>> -> memref<1x125x16xf32, #tpu.memory_space<vmem>>
      %dma_wait3A_189 = tpu.memref_squeeze %dma_wait3A_188 : memref<1x125x16xf32, #tpu.memory_space<vmem>> -> memref<125x16xf32, #tpu.memory_space<vmem>>
      %dma_wait3A_190 = arith.constant 0 : i32
      %dma_wait3A_191 = arith.constant 0 : i32
      %dma_wait3A_192 = tpu.memref_slice %arg5[%dma_wait3A_176, %dma_wait3A_190, %dma_wait3A_191] : memref<2560x125x16xf32, #tpu.memory_space<hbm>> -> memref<1x125x16xf32, #tpu.memory_space<hbm>>
      %dma_wait3A_193 = tpu.memref_squeeze %dma_wait3A_192 : memref<1x125x16xf32, #tpu.memory_space<hbm>> -> memref<125x16xf32, #tpu.memory_space<hbm>>
      tpu.wait_dma2 semaphore(%arg13 : memref<!tpu.dma_semaphore, #tpu.memory_space<semaphore_mem>>) src(%dma_wait3A_193 : memref<125x16xf32, #tpu.memory_space<hbm>>) dst(%dma_wait3A_189 : memref<125x16xf32, #tpu.memory_space<vmem>>)
      %dma_wait3A_194 = arith.constant 0 : i32
      %dma_wait3A_195 = arith.constant 0 : i32
      %dma_wait3A_196 = arith.constant 0 : i32
      %dma_wait3A_197 = tpu.memref_slice %arg10[%dma_wait3A_194, %dma_wait3A_195, %dma_wait3A_196] : memref<4x125x64xf32, #tpu.memory_space<vmem>> -> memref<1x125x64xf32, #tpu.memory_space<vmem>>
      %dma_wait3A_198 = tpu.memref_squeeze %dma_wait3A_197 : memref<1x125x64xf32, #tpu.memory_space<vmem>> -> memref<125x64xf32, #tpu.memory_space<vmem>>
      %dma_wait3A_199 = arith.constant 0 : i32
      %dma_wait3A_200 = arith.constant 0 : i32
      %dma_wait3A_201 = tpu.memref_slice %arg2[%arg0, %dma_wait3A_199, %dma_wait3A_200] : memref<2x10240x64xf32, #tpu.memory_space<hbm>> -> memref<1x10240x64xf32, #tpu.memory_space<hbm>>
      %dma_wait3A_202 = tpu.memref_squeeze %dma_wait3A_201 : memref<1x10240x64xf32, #tpu.memory_space<hbm>> -> memref<10240x64xf32, #tpu.memory_space<hbm>>
      %dma_wait3A_203 = arith.constant 0 : i32
      %dma_wait3A_204 = arith.constant 0 : i32
      %dma_wait3A_205 = tpu.memref_slice %dma_wait3A_202[%dma_wait3A_203, %dma_wait3A_204] : memref<10240x64xf32, #tpu.memory_space<hbm>> -> memref<125x64xf32, #tpu.memory_space<hbm>>
      %dma_wait3A_206 = arith.constant 0 : i32
      %dma_wait3A_207 = arith.constant 0 : i32
      %dma_wait3A_208 = tpu.memref_slice %arg10[%dma_wait3A_194, %dma_wait3A_206, %dma_wait3A_207] : memref<4x125x64xf32, #tpu.memory_space<vmem>> -> memref<1x125x64xf32, #tpu.memory_space<vmem>>
      %dma_wait3A_209 = tpu.memref_squeeze %dma_wait3A_208 : memref<1x125x64xf32, #tpu.memory_space<vmem>> -> memref<125x64xf32, #tpu.memory_space<vmem>>
      %dma_wait3A_210 = arith.constant 0 : i32
      %dma_wait3A_211 = arith.constant 0 : i32
      %dma_wait3A_212 = tpu.memref_slice %arg2[%arg0, %dma_wait3A_210, %dma_wait3A_211] : memref<2x10240x64xf32, #tpu.memory_space<hbm>> -> memref<1x10240x64xf32, #tpu.memory_space<hbm>>
      %dma_wait3A_213 = tpu.memref_squeeze %dma_wait3A_212 : memref<1x10240x64xf32, #tpu.memory_space<hbm>> -> memref<10240x64xf32, #tpu.memory_space<hbm>>
      %dma_wait3A_214 = arith.constant 0 : i32
      %dma_wait3A_215 = arith.constant 0 : i32
      %dma_wait3A_216 = tpu.memref_slice %dma_wait3A_213[%dma_wait3A_214, %dma_wait3A_215] : memref<10240x64xf32, #tpu.memory_space<hbm>> -> memref<125x64xf32, #tpu.memory_space<hbm>>
      tpu.wait_dma2 semaphore(%arg13 : memref<!tpu.dma_semaphore, #tpu.memory_space<semaphore_mem>>) src(%dma_wait3A_216 : memref<125x64xf32, #tpu.memory_space<hbm>>) dst(%dma_wait3A_209 : memref<125x64xf32, #tpu.memory_space<vmem>>)
      %scan3A_217 = arith.constant 0 : i32
      %scan3A_218 = arith.constant 0 : i32
      %scan3A_219 = arith.constant 125 : i32
      %scan3A_220 = arith.addi %scan3A_218, %scan3A_219 : i32
      %scan3A_221 = arith.constant 5 : i32
      %scan3A_222 = scf.for %scan3A_444 = %scan3A_218 to %scan3A_220 step %scan3A_221 iter_args(%scan3A_445 = %scan3A_217) -> (i32)  : i32 {
        %get3A = arith.constant 0 : i32
        %get3A_446 = arith.index_cast %get3A : i32 to index
        %get3A_447 = arith.index_cast %scan3A_444 : i32 to index
        %get3A_448 = arith.constant 0 : index
        %get3A_449 = tpu.vector_load %arg9[%get3A_446, %get3A_447, %get3A_448] {strides = array<i32>} : memref<4x125x16xf32, #tpu.memory_space<vmem>>, vector<1x1x16xf32>,
        %get3A_450 = vector.shape_cast %get3A_449 : vector<1x1x16xf32> to vector<16xf32>
        %get3A_451 = arith.constant 0 : i32
        %get3A_452 = arith.index_cast %get3A_451 : i32 to index
        %get3A_453 = arith.index_cast %scan3A_444 : i32 to index
        %get3A_454 = arith.constant 0 : index
        %get3A_455 = tpu.vector_load %arg10[%get3A_452, %get3A_453, %get3A_454] {strides = array<i32>} : memref<4x125x64xf32, #tpu.memory_space<vmem>>, vector<1x1x16xf32>,
        %get3A_456 = vector.shape_cast %get3A_455 : vector<1x1x16xf32> to vector<16xf32>
        %mul3A_457 = arith.mulf %get3A_456, %get3A_450 : vector<16xf32>
        %swap3A = arith.constant 0 : i32
        %swap3A_458 = arith.index_cast %swap3A : i32 to index
        %swap3A_459 = arith.index_cast %scan3A_444 : i32 to index
        %swap3A_460 = arith.constant 0 : index
        %swap3A_461 = tpu.vector_load %arg10[%swap3A_458, %swap3A_459, %swap3A_460] {strides = array<i32>} : memref<4x125x64xf32, #tpu.memory_space<vmem>>, vector<1x1x16xf32>,
        %swap3A_462 = vector.shape_cast %swap3A_461 : vector<1x1x16xf32> to vector<16xf32>
        %swap3A_463 = vector.shape_cast %mul3A_457 : vector<16xf32> to vector<1x1x16xf32>
        tpu.vector_store %arg10[%swap3A_458, %swap3A_459, %swap3A_460], %swap3A_463 {strides = array<i32>} : memref<4x125x64xf32, #tpu.memory_space<vmem>>, vector<1x1x16xf32>,
        %get3A_464 = arith.constant 0 : i32
        %get3A_465 = arith.index_cast %get3A_464 : i32 to index
        %get3A_466 = arith.index_cast %scan3A_444 : i32 to index
        %get3A_467 = arith.constant 16 : index
        %get3A_468 = tpu.vector_load %arg10[%get3A_465, %get3A_466, %get3A_467] {strides = array<i32>} : memref<4x125x64xf32, #tpu.memory_space<vmem>>, vector<1x1x16xf32>,
        %get3A_469 = vector.shape_cast %get3A_468 : vector<1x1x16xf32> to vector<16xf32>
        %mul3A_470 = arith.mulf %get3A_469, %get3A_450 : vector<16xf32>
        %swap3A_471 = arith.constant 0 : i32
        %swap3A_472 = arith.index_cast %swap3A_471 : i32 to index
        %swap3A_473 = arith.index_cast %scan3A_444 : i32 to index
        %swap3A_474 = arith.constant 16 : index
        %swap3A_475 = tpu.vector_load %arg10[%swap3A_472, %swap3A_473, %swap3A_474] {strides = array<i32>} : memref<4x125x64xf32, #tpu.memory_space<vmem>>, vector<1x1x16xf32>,
        %swap3A_476 = vector.shape_cast %swap3A_475 : vector<1x1x16xf32> to vector<16xf32>
        %swap3A_477 = vector.shape_cast %mul3A_470 : vector<16xf32> to vector<1x1x16xf32>
        tpu.vector_store %arg10[%swap3A_472, %swap3A_473, %swap3A_474], %swap3A_477 {strides = array<i32>} : memref<4x125x64xf32, #tpu.memory_space<vmem>>, vector<1x1x16xf32>,
        %get3A_478 = arith.constant 0 : i32
        %get3A_479 = arith.index_cast %get3A_478 : i32 to index
        %get3A_480 = arith.index_cast %scan3A_444 : i32 to index
        %get3A_481 = arith.constant 32 : index
        %get3A_482 = tpu.vector_load %arg10[%get3A_479, %get3A_480, %get3A_481] {strides = array<i32>} : memref<4x125x64xf32, #tpu.memory_space<vmem>>, vector<1x1x16xf32>,
        %get3A_483 = vector.shape_cast %get3A_482 : vector<1x1x16xf32> to vector<16xf32>
        %mul3A_484 = arith.mulf %get3A_483, %get3A_450 : vector<16xf32>
        %swap3A_485 = arith.constant 0 : i32
        %swap3A_486 = arith.index_cast %swap3A_485 : i32 to index
        %swap3A_487 = arith.index_cast %scan3A_444 : i32 to index
        %swap3A_488 = arith.constant 32 : index
        %swap3A_489 = tpu.vector_load %arg10[%swap3A_486, %swap3A_487, %swap3A_488] {strides = array<i32>} : memref<4x125x64xf32, #tpu.memory_space<vmem>>, vector<1x1x16xf32>,
        %swap3A_490 = vector.shape_cast %swap3A_489 : vector<1x1x16xf32> to vector<16xf32>
        %swap3A_491 = vector.shape_cast %mul3A_484 : vector<16xf32> to vector<1x1x16xf32>
        tpu.vector_store %arg10[%swap3A_486, %swap3A_487, %swap3A_488], %swap3A_491 {strides = array<i32>} : memref<4x125x64xf32, #tpu.memory_space<vmem>>, vector<1x1x16xf32>,
        %get3A_492 = arith.constant 0 : i32
        %get3A_493 = arith.index_cast %get3A_492 : i32 to index
        %get3A_494 = arith.index_cast %scan3A_444 : i32 to index
        %get3A_495 = arith.constant 48 : index
        %get3A_496 = tpu.vector_load %arg10[%get3A_493, %get3A_494, %get3A_495] {strides = array<i32>} : memref<4x125x64xf32, #tpu.memory_space<vmem>>, vector<1x1x16xf32>,
        %get3A_497 = vector.shape_cast %get3A_496 : vector<1x1x16xf32> to vector<16xf32>
        %mul3A_498 = arith.mulf %get3A_497, %get3A_450 : vector<16xf32>
        %swap3A_499 = arith.constant 0 : i32
        %swap3A_500 = arith.index_cast %swap3A_499 : i32 to index
        %swap3A_501 = arith.index_cast %scan3A_444 : i32 to index
        %swap3A_502 = arith.constant 48 : index
        %swap3A_503 = tpu.vector_load %arg10[%swap3A_500, %swap3A_501, %swap3A_502] {strides = array<i32>} : memref<4x125x64xf32, #tpu.memory_space<vmem>>, vector<1x1x16xf32>,
        %swap3A_504 = vector.shape_cast %swap3A_503 : vector<1x1x16xf32> to vector<16xf32>
        %swap3A_505 = vector.shape_cast %mul3A_498 : vector<16xf32> to vector<1x1x16xf32>
        tpu.vector_store %arg10[%swap3A_500, %swap3A_501, %swap3A_502], %swap3A_505 {strides = array<i32>} : memref<4x125x64xf32, #tpu.memory_space<vmem>>, vector<1x1x16xf32>,
        %scan3A_506 = arith.constant 0 : i32
        %scan3A_507 = arith.constant 1 : i32
        %scan3A_508 = arith.addi %scan3A_444, %scan3A_507 : i32
        %get3A_509 = arith.constant 0 : i32
        %get3A_510 = arith.index_cast %get3A_509 : i32 to index
        %get3A_511 = arith.index_cast %scan3A_508 : i32 to index
        %get3A_512 = arith.constant 0 : index
        %get3A_513 = tpu.vector_load %arg9[%get3A_510, %get3A_511, %get3A_512] {strides = array<i32>} : memref<4x125x16xf32, #tpu.memory_space<vmem>>, vector<1x1x16xf32>,
        %get3A_514 = vector.shape_cast %get3A_513 : vector<1x1x16xf32> to vector<16xf32>
        %get3A_515 = arith.constant 0 : i32
        %get3A_516 = arith.index_cast %get3A_515 : i32 to index
        %get3A_517 = arith.index_cast %scan3A_508 : i32 to index
        %get3A_518 = arith.constant 0 : index
        %get3A_519 = tpu.vector_load %arg10[%get3A_516, %get3A_517, %get3A_518] {strides = array<i32>} : memref<4x125x64xf32, #tpu.memory_space<vmem>>, vector<1x1x16xf32>,
        %get3A_520 = vector.shape_cast %get3A_519 : vector<1x1x16xf32> to vector<16xf32>
        %mul3A_521 = arith.mulf %get3A_520, %get3A_514 : vector<16xf32>
        %swap3A_522 = arith.constant 0 : i32
        %swap3A_523 = arith.index_cast %swap3A_522 : i32 to index
        %swap3A_524 = arith.index_cast %scan3A_508 : i32 to index
        %swap3A_525 = arith.constant 0 : index
        %swap3A_526 = tpu.vector_load %arg10[%swap3A_523, %swap3A_524, %swap3A_525] {strides = array<i32>} : memref<4x125x64xf32, #tpu.memory_space<vmem>>, vector<1x1x16xf32>,
        %swap3A_527 = vector.shape_cast %swap3A_526 : vector<1x1x16xf32> to vector<16xf32>
        %swap3A_528 = vector.shape_cast %mul3A_521 : vector<16xf32> to vector<1x1x16xf32>
        tpu.vector_store %arg10[%swap3A_523, %swap3A_524, %swap3A_525], %swap3A_528 {strides = array<i32>} : memref<4x125x64xf32, #tpu.memory_space<vmem>>, vector<1x1x16xf32>,
        %get3A_529 = arith.constant 0 : i32
        %get3A_530 = arith.index_cast %get3A_529 : i32 to index
        %get3A_531 = arith.index_cast %scan3A_508 : i32 to index
        %get3A_532 = arith.constant 16 : index
        %get3A_533 = tpu.vector_load %arg10[%get3A_530, %get3A_531, %get3A_532] {strides = array<i32>} : memref<4x125x64xf32, #tpu.memory_space<vmem>>, vector<1x1x16xf32>,
        %get3A_534 = vector.shape_cast %get3A_533 : vector<1x1x16xf32> to vector<16xf32>
        %mul3A_535 = arith.mulf %get3A_534, %get3A_514 : vector<16xf32>
        %swap3A_536 = arith.constant 0 : i32
        %swap3A_537 = arith.index_cast %swap3A_536 : i32 to index
        %swap3A_538 = arith.index_cast %scan3A_508 : i32 to index
        %swap3A_539 = arith.constant 16 : index
        %swap3A_540 = tpu.vector_load %arg10[%swap3A_537, %swap3A_538, %swap3A_539] {strides = array<i32>} : memref<4x125x64xf32, #tpu.memory_space<vmem>>, vector<1x1x16xf32>,
        %swap3A_541 = vector.shape_cast %swap3A_540 : vector<1x1x16xf32> to vector<16xf32>
        %swap3A_542 = vector.shape_cast %mul3A_535 : vector<16xf32> to vector<1x1x16xf32>
        tpu.vector_store %arg10[%swap3A_537, %swap3A_538, %swap3A_539], %swap3A_542 {strides = array<i32>} : memref<4x125x64xf32, #tpu.memory_space<vmem>>, vector<1x1x16xf32>,
        %get3A_543 = arith.constant 0 : i32
        %get3A_544 = arith.index_cast %get3A_543 : i32 to index
        %get3A_545 = arith.index_cast %scan3A_508 : i32 to index
        %get3A_546 = arith.constant 32 : index
        %get3A_547 = tpu.vector_load %arg10[%get3A_544, %get3A_545, %get3A_546] {strides = array<i32>} : memref<4x125x64xf32, #tpu.memory_space<vmem>>, vector<1x1x16xf32>,
        %get3A_548 = vector.shape_cast %get3A_547 : vector<1x1x16xf32> to vector<16xf32>
        %mul3A_549 = arith.mulf %get3A_548, %get3A_514 : vector<16xf32>
        %swap3A_550 = arith.constant 0 : i32
        %swap3A_551 = arith.index_cast %swap3A_550 : i32 to index
        %swap3A_552 = arith.index_cast %scan3A_508 : i32 to index
        %swap3A_553 = arith.constant 32 : index
        %swap3A_554 = tpu.vector_load %arg10[%swap3A_551, %swap3A_552, %swap3A_553] {strides = array<i32>} : memref<4x125x64xf32, #tpu.memory_space<vmem>>, vector<1x1x16xf32>,
        %swap3A_555 = vector.shape_cast %swap3A_554 : vector<1x1x16xf32> to vector<16xf32>
        %swap3A_556 = vector.shape_cast %mul3A_549 : vector<16xf32> to vector<1x1x16xf32>
        tpu.vector_store %arg10[%swap3A_551, %swap3A_552, %swap3A_553], %swap3A_556 {strides = array<i32>} : memref<4x125x64xf32, #tpu.memory_space<vmem>>, vector<1x1x16xf32>,
        %get3A_557 = arith.constant 0 : i32
        %get3A_558 = arith.index_cast %get3A_557 : i32 to index
        %get3A_559 = arith.index_cast %scan3A_508 : i32 to index
        %get3A_560 = arith.constant 48 : index
        %get3A_561 = tpu.vector_load %arg10[%get3A_558, %get3A_559, %get3A_560] {strides = array<i32>} : memref<4x125x64xf32, #tpu.memory_space<vmem>>, vector<1x1x16xf32>,
        %get3A_562 = vector.shape_cast %get3A_561 : vector<1x1x16xf32> to vector<16xf32>
        %mul3A_563 = arith.mulf %get3A_562, %get3A_514 : vector<16xf32>
        %swap3A_564 = arith.constant 0 : i32
        %swap3A_565 = arith.index_cast %swap3A_564 : i32 to index
        %swap3A_566 = arith.index_cast %scan3A_508 : i32 to index
        %swap3A_567 = arith.constant 48 : index
        %swap3A_568 = tpu.vector_load %arg10[%swap3A_565, %swap3A_566, %swap3A_567] {strides = array<i32>} : memref<4x125x64xf32, #tpu.memory_space<vmem>>, vector<1x1x16xf32>,
        %swap3A_569 = vector.shape_cast %swap3A_568 : vector<1x1x16xf32> to vector<16xf32>
        %swap3A_570 = vector.shape_cast %mul3A_563 : vector<16xf32> to vector<1x1x16xf32>
        tpu.vector_store %arg10[%swap3A_565, %swap3A_566, %swap3A_567], %swap3A_570 {strides = array<i32>} : memref<4x125x64xf32, #tpu.memory_space<vmem>>, vector<1x1x16xf32>,
        %scan3A_571 = arith.constant 0 : i32
        %scan3A_572 = arith.constant 2 : i32
        %scan3A_573 = arith.addi %scan3A_444, %scan3A_572 : i32
        %get3A_574 = arith.constant 0 : i32
        %get3A_575 = arith.index_cast %get3A_574 : i32 to index
        %get3A_576 = arith.index_cast %scan3A_573 : i32 to index
        %get3A_577 = arith.constant 0 : index
        %get3A_578 = tpu.vector_load %arg9[%get3A_575, %get3A_576, %get3A_577] {strides = array<i32>} : memref<4x125x16xf32, #tpu.memory_space<vmem>>, vector<1x1x16xf32>,
        %get3A_579 = vector.shape_cast %get3A_578 : vector<1x1x16xf32> to vector<16xf32>
        %get3A_580 = arith.constant 0 : i32
        %get3A_581 = arith.index_cast %get3A_580 : i32 to index
        %get3A_582 = arith.index_cast %scan3A_573 : i32 to index
        %get3A_583 = arith.constant 0 : index
        %get3A_584 = tpu.vector_load %arg10[%get3A_581, %get3A_582, %get3A_583] {strides = array<i32>} : memref<4x125x64xf32, #tpu.memory_space<vmem>>, vector<1x1x16xf32>,
        %get3A_585 = vector.shape_cast %get3A_584 : vector<1x1x16xf32> to vector<16xf32>
        %mul3A_586 = arith.mulf %get3A_585, %get3A_579 : vector<16xf32>
        %swap3A_587 = arith.constant 0 : i32
        %swap3A_588 = arith.index_cast %swap3A_587 : i32 to index
        %swap3A_589 = arith.index_cast %scan3A_573 : i32 to index
        %swap3A_590 = arith.constant 0 : index
        %swap3A_591 = tpu.vector_load %arg10[%swap3A_588, %swap3A_589, %swap3A_590] {strides = array<i32>} : memref<4x125x64xf32, #tpu.memory_space<vmem>>, vector<1x1x16xf32>,
        %swap3A_592 = vector.shape_cast %swap3A_591 : vector<1x1x16xf32> to vector<16xf32>
        %swap3A_593 = vector.shape_cast %mul3A_586 : vector<16xf32> to vector<1x1x16xf32>
        tpu.vector_store %arg10[%swap3A_588, %swap3A_589, %swap3A_590], %swap3A_593 {strides = array<i32>} : memref<4x125x64xf32, #tpu.memory_space<vmem>>, vector<1x1x16xf32>,
        %get3A_594 = arith.constant 0 : i32
        %get3A_595 = arith.index_cast %get3A_594 : i32 to index
        %get3A_596 = arith.index_cast %scan3A_573 : i32 to index
        %get3A_597 = arith.constant 16 : index
        %get3A_598 = tpu.vector_load %arg10[%get3A_595, %get3A_596, %get3A_597] {strides = array<i32>} : memref<4x125x64xf32, #tpu.memory_space<vmem>>, vector<1x1x16xf32>,
        %get3A_599 = vector.shape_cast %get3A_598 : vector<1x1x16xf32> to vector<16xf32>
        %mul3A_600 = arith.mulf %get3A_599, %get3A_579 : vector<16xf32>
        %swap3A_601 = arith.constant 0 : i32
        %swap3A_602 = arith.index_cast %swap3A_601 : i32 to index
        %swap3A_603 = arith.index_cast %scan3A_573 : i32 to index
        %swap3A_604 = arith.constant 16 : index
        %swap3A_605 = tpu.vector_load %arg10[%swap3A_602, %swap3A_603, %swap3A_604] {strides = array<i32>} : memref<4x125x64xf32, #tpu.memory_space<vmem>>, vector<1x1x16xf32>,
        %swap3A_606 = vector.shape_cast %swap3A_605 : vector<1x1x16xf32> to vector<16xf32>
        %swap3A_607 = vector.shape_cast %mul3A_600 : vector<16xf32> to vector<1x1x16xf32>
        tpu.vector_store %arg10[%swap3A_602, %swap3A_603, %swap3A_604], %swap3A_607 {strides = array<i32>} : memref<4x125x64xf32, #tpu.memory_space<vmem>>, vector<1x1x16xf32>,
        %get3A_608 = arith.constant 0 : i32
        %get3A_609 = arith.index_cast %get3A_608 : i32 to index
        %get3A_610 = arith.index_cast %scan3A_573 : i32 to index
        %get3A_611 = arith.constant 32 : index
        %get3A_612 = tpu.vector_load %arg10[%get3A_609, %get3A_610, %get3A_611] {strides = array<i32>} : memref<4x125x64xf32, #tpu.memory_space<vmem>>, vector<1x1x16xf32>,
        %get3A_613 = vector.shape_cast %get3A_612 : vector<1x1x16xf32> to vector<16xf32>
        %mul3A_614 = arith.mulf %get3A_613, %get3A_579 : vector<16xf32>
        %swap3A_615 = arith.constant 0 : i32
        %swap3A_616 = arith.index_cast %swap3A_615 : i32 to index
        %swap3A_617 = arith.index_cast %scan3A_573 : i32 to index
        %swap3A_618 = arith.constant 32 : index
        %swap3A_619 = tpu.vector_load %arg10[%swap3A_616, %swap3A_617, %swap3A_618] {strides = array<i32>} : memref<4x125x64xf32, #tpu.memory_space<vmem>>, vector<1x1x16xf32>,
        %swap3A_620 = vector.shape_cast %swap3A_619 : vector<1x1x16xf32> to vector<16xf32>
        %swap3A_621 = vector.shape_cast %mul3A_614 : vector<16xf32> to vector<1x1x16xf32>
        tpu.vector_store %arg10[%swap3A_616, %swap3A_617, %swap3A_618], %swap3A_621 {strides = array<i32>} : memref<4x125x64xf32, #tpu.memory_space<vmem>>, vector<1x1x16xf32>,
        %get3A_622 = arith.constant 0 : i32
        %get3A_623 = arith.index_cast %get3A_622 : i32 to index
        %get3A_624 = arith.index_cast %scan3A_573 : i32 to index
        %get3A_625 = arith.constant 48 : index
        %get3A_626 = tpu.vector_load %arg10[%get3A_623, %get3A_624, %get3A_625] {strides = array<i32>} : memref<4x125x64xf32, #tpu.memory_space<vmem>>, vector<1x1x16xf32>,
        %get3A_627 = vector.shape_cast %get3A_626 : vector<1x1x16xf32> to vector<16xf32>
        %mul3A_628 = arith.mulf %get3A_627, %get3A_579 : vector<16xf32>
        %swap3A_629 = arith.constant 0 : i32
        %swap3A_630 = arith.index_cast %swap3A_629 : i32 to index
        %swap3A_631 = arith.index_cast %scan3A_573 : i32 to index
        %swap3A_632 = arith.constant 48 : index
        %swap3A_633 = tpu.vector_load %arg10[%swap3A_630, %swap3A_631, %swap3A_632] {strides = array<i32>} : memref<4x125x64xf32, #tpu.memory_space<vmem>>, vector<1x1x16xf32>,
        %swap3A_634 = vector.shape_cast %swap3A_633 : vector<1x1x16xf32> to vector<16xf32>
        %swap3A_635 = vector.shape_cast %mul3A_628 : vector<16xf32> to vector<1x1x16xf32>
        tpu.vector_store %arg10[%swap3A_630, %swap3A_631, %swap3A_632], %swap3A_635 {strides = array<i32>} : memref<4x125x64xf32, #tpu.memory_space<vmem>>, vector<1x1x16xf32>,
        %scan3A_636 = arith.constant 0 : i32
        %scan3A_637 = arith.constant 3 : i32
        %scan3A_638 = arith.addi %scan3A_444, %scan3A_637 : i32
        %get3A_639 = arith.constant 0 : i32
        %get3A_640 = arith.index_cast %get3A_639 : i32 to index
        %get3A_641 = arith.index_cast %scan3A_638 : i32 to index
        %get3A_642 = arith.constant 0 : index
        %get3A_643 = tpu.vector_load %arg9[%get3A_640, %get3A_641, %get3A_642] {strides = array<i32>} : memref<4x125x16xf32, #tpu.memory_space<vmem>>, vector<1x1x16xf32>,
        %get3A_644 = vector.shape_cast %get3A_643 : vector<1x1x16xf32> to vector<16xf32>
        %get3A_645 = arith.constant 0 : i32
        %get3A_646 = arith.index_cast %get3A_645 : i32 to index
        %get3A_647 = arith.index_cast %scan3A_638 : i32 to index
        %get3A_648 = arith.constant 0 : index
        %get3A_649 = tpu.vector_load %arg10[%get3A_646, %get3A_647, %get3A_648] {strides = array<i32>} : memref<4x125x64xf32, #tpu.memory_space<vmem>>, vector<1x1x16xf32>,
        %get3A_650 = vector.shape_cast %get3A_649 : vector<1x1x16xf32> to vector<16xf32>
        %mul3A_651 = arith.mulf %get3A_650, %get3A_644 : vector<16xf32>
        %swap3A_652 = arith.constant 0 : i32
        %swap3A_653 = arith.index_cast %swap3A_652 : i32 to index
        %swap3A_654 = arith.index_cast %scan3A_638 : i32 to index
        %swap3A_655 = arith.constant 0 : index
        %swap3A_656 = tpu.vector_load %arg10[%swap3A_653, %swap3A_654, %swap3A_655] {strides = array<i32>} : memref<4x125x64xf32, #tpu.memory_space<vmem>>, vector<1x1x16xf32>,
        %swap3A_657 = vector.shape_cast %swap3A_656 : vector<1x1x16xf32> to vector<16xf32>
        %swap3A_658 = vector.shape_cast %mul3A_651 : vector<16xf32> to vector<1x1x16xf32>
        tpu.vector_store %arg10[%swap3A_653, %swap3A_654, %swap3A_655], %swap3A_658 {strides = array<i32>} : memref<4x125x64xf32, #tpu.memory_space<vmem>>, vector<1x1x16xf32>,
        %get3A_659 = arith.constant 0 : i32
        %get3A_660 = arith.index_cast %get3A_659 : i32 to index
        %get3A_661 = arith.index_cast %scan3A_638 : i32 to index
        %get3A_662 = arith.constant 16 : index
        %get3A_663 = tpu.vector_load %arg10[%get3A_660, %get3A_661, %get3A_662] {strides = array<i32>} : memref<4x125x64xf32, #tpu.memory_space<vmem>>, vector<1x1x16xf32>,
        %get3A_664 = vector.shape_cast %get3A_663 : vector<1x1x16xf32> to vector<16xf32>
        %mul3A_665 = arith.mulf %get3A_664, %get3A_644 : vector<16xf32>
        %swap3A_666 = arith.constant 0 : i32
        %swap3A_667 = arith.index_cast %swap3A_666 : i32 to index
        %swap3A_668 = arith.index_cast %scan3A_638 : i32 to index
        %swap3A_669 = arith.constant 16 : index
        %swap3A_670 = tpu.vector_load %arg10[%swap3A_667, %swap3A_668, %swap3A_669] {strides = array<i32>} : memref<4x125x64xf32, #tpu.memory_space<vmem>>, vector<1x1x16xf32>,
        %swap3A_671 = vector.shape_cast %swap3A_670 : vector<1x1x16xf32> to vector<16xf32>
        %swap3A_672 = vector.shape_cast %mul3A_665 : vector<16xf32> to vector<1x1x16xf32>
        tpu.vector_store %arg10[%swap3A_667, %swap3A_668, %swap3A_669], %swap3A_672 {strides = array<i32>} : memref<4x125x64xf32, #tpu.memory_space<vmem>>, vector<1x1x16xf32>,
        %get3A_673 = arith.constant 0 : i32
        %get3A_674 = arith.index_cast %get3A_673 : i32 to index
        %get3A_675 = arith.index_cast %scan3A_638 : i32 to index
        %get3A_676 = arith.constant 32 : index
        %get3A_677 = tpu.vector_load %arg10[%get3A_674, %get3A_675, %get3A_676] {strides = array<i32>} : memref<4x125x64xf32, #tpu.memory_space<vmem>>, vector<1x1x16xf32>,
        %get3A_678 = vector.shape_cast %get3A_677 : vector<1x1x16xf32> to vector<16xf32>
        %mul3A_679 = arith.mulf %get3A_678, %get3A_644 : vector<16xf32>
        %swap3A_680 = arith.constant 0 : i32
        %swap3A_681 = arith.index_cast %swap3A_680 : i32 to index
        %swap3A_682 = arith.index_cast %scan3A_638 : i32 to index
        %swap3A_683 = arith.constant 32 : index
        %swap3A_684 = tpu.vector_load %arg10[%swap3A_681, %swap3A_682, %swap3A_683] {strides = array<i32>} : memref<4x125x64xf32, #tpu.memory_space<vmem>>, vector<1x1x16xf32>,
        %swap3A_685 = vector.shape_cast %swap3A_684 : vector<1x1x16xf32> to vector<16xf32>
        %swap3A_686 = vector.shape_cast %mul3A_679 : vector<16xf32> to vector<1x1x16xf32>
        tpu.vector_store %arg10[%swap3A_681, %swap3A_682, %swap3A_683], %swap3A_686 {strides = array<i32>} : memref<4x125x64xf32, #tpu.memory_space<vmem>>, vector<1x1x16xf32>,
        %get3A_687 = arith.constant 0 : i32
        %get3A_688 = arith.index_cast %get3A_687 : i32 to index
        %get3A_689 = arith.index_cast %scan3A_638 : i32 to index
        %get3A_690 = arith.constant 48 : index
        %get3A_691 = tpu.vector_load %arg10[%get3A_688, %get3A_689, %get3A_690] {strides = array<i32>} : memref<4x125x64xf32, #tpu.memory_space<vmem>>, vector<1x1x16xf32>,
        %get3A_692 = vector.shape_cast %get3A_691 : vector<1x1x16xf32> to vector<16xf32>
        %mul3A_693 = arith.mulf %get3A_692, %get3A_644 : vector<16xf32>
        %swap3A_694 = arith.constant 0 : i32
        %swap3A_695 = arith.index_cast %swap3A_694 : i32 to index
        %swap3A_696 = arith.index_cast %scan3A_638 : i32 to index
        %swap3A_697 = arith.constant 48 : index
        %swap3A_698 = tpu.vector_load %arg10[%swap3A_695, %swap3A_696, %swap3A_697] {strides = array<i32>} : memref<4x125x64xf32, #tpu.memory_space<vmem>>, vector<1x1x16xf32>,
        %swap3A_699 = vector.shape_cast %swap3A_698 : vector<1x1x16xf32> to vector<16xf32>
        %swap3A_700 = vector.shape_cast %mul3A_693 : vector<16xf32> to vector<1x1x16xf32>
        tpu.vector_store %arg10[%swap3A_695, %swap3A_696, %swap3A_697], %swap3A_700 {strides = array<i32>} : memref<4x125x64xf32, #tpu.memory_space<vmem>>, vector<1x1x16xf32>,
        %scan3A_701 = arith.constant 0 : i32
        %scan3A_702 = arith.constant 4 : i32
        %scan3A_703 = arith.addi %scan3A_444, %scan3A_702 : i32
        %get3A_704 = arith.constant 0 : i32
        %get3A_705 = arith.index_cast %get3A_704 : i32 to index
        %get3A_706 = arith.index_cast %scan3A_703 : i32 to index
        %get3A_707 = arith.constant 0 : index
        %get3A_708 = tpu.vector_load %arg9[%get3A_705, %get3A_706, %get3A_707] {strides = array<i32>} : memref<4x125x16xf32, #tpu.memory_space<vmem>>, vector<1x1x16xf32>,
        %get3A_709 = vector.shape_cast %get3A_708 : vector<1x1x16xf32> to vector<16xf32>
        %get3A_710 = arith.constant 0 : i32
        %get3A_711 = arith.index_cast %get3A_710 : i32 to index
        %get3A_712 = arith.index_cast %scan3A_703 : i32 to index
        %get3A_713 = arith.constant 0 : index
        %get3A_714 = tpu.vector_load %arg10[%get3A_711, %get3A_712, %get3A_713] {strides = array<i32>} : memref<4x125x64xf32, #tpu.memory_space<vmem>>, vector<1x1x16xf32>,
        %get3A_715 = vector.shape_cast %get3A_714 : vector<1x1x16xf32> to vector<16xf32>
        %mul3A_716 = arith.mulf %get3A_715, %get3A_709 : vector<16xf32>
        %swap3A_717 = arith.constant 0 : i32
        %swap3A_718 = arith.index_cast %swap3A_717 : i32 to index
        %swap3A_719 = arith.index_cast %scan3A_703 : i32 to index
        %swap3A_720 = arith.constant 0 : index
        %swap3A_721 = tpu.vector_load %arg10[%swap3A_718, %swap3A_719, %swap3A_720] {strides = array<i32>} : memref<4x125x64xf32, #tpu.memory_space<vmem>>, vector<1x1x16xf32>,
        %swap3A_722 = vector.shape_cast %swap3A_721 : vector<1x1x16xf32> to vector<16xf32>
        %swap3A_723 = vector.shape_cast %mul3A_716 : vector<16xf32> to vector<1x1x16xf32>
        tpu.vector_store %arg10[%swap3A_718, %swap3A_719, %swap3A_720], %swap3A_723 {strides = array<i32>} : memref<4x125x64xf32, #tpu.memory_space<vmem>>, vector<1x1x16xf32>,
        %get3A_724 = arith.constant 0 : i32
        %get3A_725 = arith.index_cast %get3A_724 : i32 to index
        %get3A_726 = arith.index_cast %scan3A_703 : i32 to index
        %get3A_727 = arith.constant 16 : index
        %get3A_728 = tpu.vector_load %arg10[%get3A_725, %get3A_726, %get3A_727] {strides = array<i32>} : memref<4x125x64xf32, #tpu.memory_space<vmem>>, vector<1x1x16xf32>,
        %get3A_729 = vector.shape_cast %get3A_728 : vector<1x1x16xf32> to vector<16xf32>
        %mul3A_730 = arith.mulf %get3A_729, %get3A_709 : vector<16xf32>
        %swap3A_731 = arith.constant 0 : i32
        %swap3A_732 = arith.index_cast %swap3A_731 : i32 to index
        %swap3A_733 = arith.index_cast %scan3A_703 : i32 to index
        %swap3A_734 = arith.constant 16 : index
        %swap3A_735 = tpu.vector_load %arg10[%swap3A_732, %swap3A_733, %swap3A_734] {strides = array<i32>} : memref<4x125x64xf32, #tpu.memory_space<vmem>>, vector<1x1x16xf32>,
        %swap3A_736 = vector.shape_cast %swap3A_735 : vector<1x1x16xf32> to vector<16xf32>
        %swap3A_737 = vector.shape_cast %mul3A_730 : vector<16xf32> to vector<1x1x16xf32>
        tpu.vector_store %arg10[%swap3A_732, %swap3A_733, %swap3A_734], %swap3A_737 {strides = array<i32>} : memref<4x125x64xf32, #tpu.memory_space<vmem>>, vector<1x1x16xf32>,
        %get3A_738 = arith.constant 0 : i32
        %get3A_739 = arith.index_cast %get3A_738 : i32 to index
        %get3A_740 = arith.index_cast %scan3A_703 : i32 to index
        %get3A_741 = arith.constant 32 : index
        %get3A_742 = tpu.vector_load %arg10[%get3A_739, %get3A_740, %get3A_741] {strides = array<i32>} : memref<4x125x64xf32, #tpu.memory_space<vmem>>, vector<1x1x16xf32>,
        %get3A_743 = vector.shape_cast %get3A_742 : vector<1x1x16xf32> to vector<16xf32>
        %mul3A_744 = arith.mulf %get3A_743, %get3A_709 : vector<16xf32>
        %swap3A_745 = arith.constant 0 : i32
        %swap3A_746 = arith.index_cast %swap3A_745 : i32 to index
        %swap3A_747 = arith.index_cast %scan3A_703 : i32 to index
        %swap3A_748 = arith.constant 32 : index
        %swap3A_749 = tpu.vector_load %arg10[%swap3A_746, %swap3A_747, %swap3A_748] {strides = array<i32>} : memref<4x125x64xf32, #tpu.memory_space<vmem>>, vector<1x1x16xf32>,
        %swap3A_750 = vector.shape_cast %swap3A_749 : vector<1x1x16xf32> to vector<16xf32>
        %swap3A_751 = vector.shape_cast %mul3A_744 : vector<16xf32> to vector<1x1x16xf32>
        tpu.vector_store %arg10[%swap3A_746, %swap3A_747, %swap3A_748], %swap3A_751 {strides = array<i32>} : memref<4x125x64xf32, #tpu.memory_space<vmem>>, vector<1x1x16xf32>,
        %get3A_752 = arith.constant 0 : i32
        %get3A_753 = arith.index_cast %get3A_752 : i32 to index
        %get3A_754 = arith.index_cast %scan3A_703 : i32 to index
        %get3A_755 = arith.constant 48 : index
        %get3A_756 = tpu.vector_load %arg10[%get3A_753, %get3A_754, %get3A_755] {strides = array<i32>} : memref<4x125x64xf32, #tpu.memory_space<vmem>>, vector<1x1x16xf32>,
        %get3A_757 = vector.shape_cast %get3A_756 : vector<1x1x16xf32> to vector<16xf32>
        %mul3A_758 = arith.mulf %get3A_757, %get3A_709 : vector<16xf32>
        %swap3A_759 = arith.constant 0 : i32
        %swap3A_760 = arith.index_cast %swap3A_759 : i32 to index
        %swap3A_761 = arith.index_cast %scan3A_703 : i32 to index
        %swap3A_762 = arith.constant 48 : index
        %swap3A_763 = tpu.vector_load %arg10[%swap3A_760, %swap3A_761, %swap3A_762] {strides = array<i32>} : memref<4x125x64xf32, #tpu.memory_space<vmem>>, vector<1x1x16xf32>,
        %swap3A_764 = vector.shape_cast %swap3A_763 : vector<1x1x16xf32> to vector<16xf32>
        %swap3A_765 = vector.shape_cast %mul3A_758 : vector<16xf32> to vector<1x1x16xf32>
        tpu.vector_store %arg10[%swap3A_760, %swap3A_761, %swap3A_762], %swap3A_765 {strides = array<i32>} : memref<4x125x64xf32, #tpu.memory_space<vmem>>, vector<1x1x16xf32>,
        %scan3A_766 = arith.constant 0 : i32
        scf.yield %scan3A_766 : i32
      }
      %scan3A_223 = arith.constant 125 : i32
      %dma_start3A_224 = arith.constant 0 : i32
      %dma_start3A_225 = arith.constant 0 : i32
      %dma_start3A_226 = arith.constant 0 : i32
      %dma_start3A_227 = tpu.memref_slice %arg10[%dma_start3A_224, %dma_start3A_225, %dma_start3A_226] : memref<4x125x64xf32, #tpu.memory_space<vmem>> -> memref<1x125x64xf32, #tpu.memory_space<vmem>>
      %dma_start3A_228 = tpu.memref_squeeze %dma_start3A_227 : memref<1x125x64xf32, #tpu.memory_space<vmem>> -> memref<125x64xf32, #tpu.memory_space<vmem>>
      %dma_start3A_229 = arith.constant 0 : i32
      %dma_start3A_230 = tpu.memref_slice %arg8[%add3A_175, %dma_start3A_229] : memref<160x125xi32, #tpu.memory_space<vmem>> -> memref<1x125xi32, #tpu.memory_space<vmem>>
      %dma_start3A_231 = tpu.memref_squeeze %dma_start3A_230 : memref<1x125xi32, #tpu.memory_space<vmem>> -> memref<125xi32, #tpu.memory_space<vmem>>
      %dma_start3A_232 = arith.constant 0 : i32
      %dma_start3A_233 = arith.constant 0 : i32
      %dma_start3A_234 = tpu.memref_slice %arg12[%dma_start3A_232, %dma_start3A_233] : memref<10240x64xf32, #tpu.memory_space<vmem_shared>> -> memref<10240x64xf32, #tpu.memory_space<vmem_shared>>
      tpu.enqueue_indirect_dma source(%dma_start3A_228 : memref<125x64xf32, #tpu.memory_space<vmem>>) target(%dma_start3A_234 : memref<10240x64xf32, #tpu.memory_space<vmem_shared>>) offsets(%dma_start3A_231 : memref<125xi32, #tpu.memory_space<vmem>>) semaphore(%arg17 : memref<!tpu.dma_semaphore, #tpu.memory_space<semaphore_mem>>) {add = true}
      %add3A_235 = arith.constant 2 : i32
      %add3A_236 = arith.addi %add3A_175, %add3A_235 : i32
      %lt3A = arith.constant 160 : i32
      %lt3A_237 = arith.cmpi slt, %add3A_236, %lt3A : i32
      %convert_element_type3A = arith.extui %lt3A_237 : i1 to i32
      %cond3A = arith.constant 0 : i32
      %cond3A_238 = arith.cmpi ne, %convert_element_type3A, %cond3A : i32
      scf.if %cond3A_238 {
        %ge3A = arith.constant 4 : i32
        %ge3A_444 = arith.cmpi sge, %add3A_236, %ge3A : i32
        %convert_element_type3A_445 = arith.extui %ge3A_444 : i1 to i32
        %cond3A_446 = arith.constant 0 : i32
        %cond3A_447 = arith.cmpi ne, %convert_element_type3A_445, %cond3A_446 : i32
        scf.if %cond3A_447 {
          %dma_wait3A_483 = arith.constant 2 : i32
          %dma_wait3A_484 = arith.constant 0 : i32
          %dma_wait3A_485 = arith.constant 0 : i32
          %dma_wait3A_486 = tpu.memref_slice %arg10[%dma_wait3A_483, %dma_wait3A_484, %dma_wait3A_485] : memref<4x125x64xf32, #tpu.memory_space<vmem>> -> memref<1x125x64xf32, #tpu.memory_space<vmem>>
          %dma_wait3A_487 = tpu.memref_squeeze %dma_wait3A_486 : memref<1x125x64xf32, #tpu.memory_space<vmem>> -> memref<125x64xf32, #tpu.memory_space<vmem>>
          %dma_wait3A_488 = arith.constant 0 : i32
          %dma_wait3A_489 = arith.constant 0 : i32
          %dma_wait3A_490 = tpu.memref_slice %arg12[%dma_wait3A_488, %dma_wait3A_489] : memref<10240x64xf32, #tpu.memory_space<vmem_shared>> -> memref<125x64xf32, #tpu.memory_space<vmem_shared>>
          %dma_wait3A_491 = arith.constant 0 : i32
          %dma_wait3A_492 = arith.constant 0 : i32
          %dma_wait3A_493 = tpu.memref_slice %arg12[%dma_wait3A_491, %dma_wait3A_492] : memref<10240x64xf32, #tpu.memory_space<vmem_shared>> -> memref<125x64xf32, #tpu.memory_space<vmem_shared>>
          %dma_wait3A_494 = arith.constant 0 : i32
          %dma_wait3A_495 = arith.constant 0 : i32
          %dma_wait3A_496 = tpu.memref_slice %arg10[%dma_wait3A_483, %dma_wait3A_494, %dma_wait3A_495] : memref<4x125x64xf32, #tpu.memory_space<vmem>> -> memref<1x125x64xf32, #tpu.memory_space<vmem>>
          %dma_wait3A_497 = tpu.memref_squeeze %dma_wait3A_496 : memref<1x125x64xf32, #tpu.memory_space<vmem>> -> memref<125x64xf32, #tpu.memory_space<vmem>>
          tpu.wait_dma2 semaphore(%arg19 : memref<!tpu.dma_semaphore, #tpu.memory_space<semaphore_mem>>) src(%dma_wait3A_497 : memref<125x64xf32, #tpu.memory_space<vmem>>) dst(%dma_wait3A_493 : memref<125x64xf32, #tpu.memory_space<vmem_shared>>)
        } else {
        }
        %mul3A_448 = arith.constant 160 : i32
        %mul3A_449 = arith.muli %arg1, %mul3A_448 : i32
        %add3A_450 = arith.addi %mul3A_449, %add3A_236 : i32
        %dma_start3A_451 = arith.constant 2 : i32
        %dma_start3A_452 = arith.constant 0 : i32
        %dma_start3A_453 = arith.constant 0 : i32
        %dma_start3A_454 = tpu.memref_slice %arg9[%dma_start3A_451, %dma_start3A_452, %dma_start3A_453] : memref<4x125x16xf32, #tpu.memory_space<vmem>> -> memref<1x125x16xf32, #tpu.memory_space<vmem>>
        %dma_start3A_455 = tpu.memref_squeeze %dma_start3A_454 : memref<1x125x16xf32, #tpu.memory_space<vmem>> -> memref<125x16xf32, #tpu.memory_space<vmem>>
        %dma_start3A_456 = arith.constant 0 : i32
        %dma_start3A_457 = arith.constant 0 : i32
        %dma_start3A_458 = tpu.memref_slice %arg5[%add3A_450, %dma_start3A_456, %dma_start3A_457] : memref<2560x125x16xf32, #tpu.memory_space<hbm>> -> memref<1x125x16xf32, #tpu.memory_space<hbm>>
        %dma_start3A_459 = tpu.memref_squeeze %dma_start3A_458 : memref<1x125x16xf32, #tpu.memory_space<hbm>> -> memref<125x16xf32, #tpu.memory_space<hbm>>
        %dma_start3A_460 = arith.constant 0 : i32
        %dma_start3A_461 = arith.constant 0 : i32
        %dma_start3A_462 = tpu.memref_slice %arg9[%dma_start3A_451, %dma_start3A_460, %dma_start3A_461] : memref<4x125x16xf32, #tpu.memory_space<vmem>> -> memref<1x125x16xf32, #tpu.memory_space<vmem>>
        %dma_start3A_463 = tpu.memref_squeeze %dma_start3A_462 : memref<1x125x16xf32, #tpu.memory_space<vmem>> -> memref<125x16xf32, #tpu.memory_space<vmem>>
        %dma_start3A_464 = arith.constant 0 : i32
        %dma_start3A_465 = arith.constant 0 : i32
        %dma_start3A_466 = tpu.memref_slice %arg5[%add3A_450, %dma_start3A_464, %dma_start3A_465] : memref<2560x125x16xf32, #tpu.memory_space<hbm>> -> memref<1x125x16xf32, #tpu.memory_space<hbm>>
        %dma_start3A_467 = tpu.memref_squeeze %dma_start3A_466 : memref<1x125x16xf32, #tpu.memory_space<hbm>> -> memref<125x16xf32, #tpu.memory_space<hbm>>
        tpu.enqueue_dma source(%dma_start3A_467 : memref<125x16xf32, #tpu.memory_space<hbm>>) target(%dma_start3A_463 : memref<125x16xf32, #tpu.memory_space<vmem>>) target_semaphore(%arg15 : memref<!tpu.dma_semaphore, #tpu.memory_space<semaphore_mem>>)
        %dma_start3A_468 = arith.constant 2 : i32
        %dma_start3A_469 = arith.constant 0 : i32
        %dma_start3A_470 = arith.constant 0 : i32
        %dma_start3A_471 = tpu.memref_slice %arg10[%dma_start3A_468, %dma_start3A_469, %dma_start3A_470] : memref<4x125x64xf32, #tpu.memory_space<vmem>> -> memref<1x125x64xf32, #tpu.memory_space<vmem>>
        %dma_start3A_472 = tpu.memref_squeeze %dma_start3A_471 : memref<1x125x64xf32, #tpu.memory_space<vmem>> -> memref<125x64xf32, #tpu.memory_space<vmem>>
        %dma_start3A_473 = arith.constant 0 : i32
        %dma_start3A_474 = tpu.memref_slice %arg7[%add3A_236, %dma_start3A_473] : memref<160x125xi32, #tpu.memory_space<vmem>> -> memref<1x125xi32, #tpu.memory_space<vmem>>
        %dma_start3A_475 = tpu.memref_squeeze %dma_start3A_474 : memref<1x125xi32, #tpu.memory_space<vmem>> -> memref<125xi32, #tpu.memory_space<vmem>>
        %dma_start3A_476 = arith.constant 0 : i32
        %dma_start3A_477 = arith.constant 0 : i32
        %dma_start3A_478 = tpu.memref_slice %arg2[%arg0, %dma_start3A_476, %dma_start3A_477] : memref<2x10240x64xf32, #tpu.memory_space<hbm>> -> memref<1x10240x64xf32, #tpu.memory_space<hbm>>
        %dma_start3A_479 = tpu.memref_squeeze %dma_start3A_478 : memref<1x10240x64xf32, #tpu.memory_space<hbm>> -> memref<10240x64xf32, #tpu.memory_space<hbm>>
        %dma_start3A_480 = arith.constant 0 : i32
        %dma_start3A_481 = arith.constant 0 : i32
        %dma_start3A_482 = tpu.memref_slice %dma_start3A_479[%dma_start3A_480, %dma_start3A_481] : memref<10240x64xf32, #tpu.memory_space<hbm>> -> memref<10240x64xf32, #tpu.memory_space<hbm>>
        tpu.enqueue_indirect_dma source(%dma_start3A_482 : memref<10240x64xf32, #tpu.memory_space<hbm>>) target(%dma_start3A_472 : memref<125x64xf32, #tpu.memory_space<vmem>>) offsets(%dma_start3A_475 : memref<125xi32, #tpu.memory_space<vmem>>) semaphore(%arg15 : memref<!tpu.dma_semaphore, #tpu.memory_space<semaphore_mem>>)
      } else {
      }
      %add3A_239 = arith.constant 1 : i32
      %add3A_240 = arith.addi %mul3A_173, %add3A_239 : i32
      %dma_wait3A_241 = arith.constant 0 : i32
      %dma_wait3A_242 = arith.constant 1 : i32
      %dma_wait3A_243 = arith.constant 0 : i32
      %dma_wait3A_244 = arith.constant 0 : i32
      %dma_wait3A_245 = tpu.memref_slice %arg9[%dma_wait3A_242, %dma_wait3A_243, %dma_wait3A_244] : memref<4x125x16xf32, #tpu.memory_space<vmem>> -> memref<1x125x16xf32, #tpu.memory_space<vmem>>
      %dma_wait3A_246 = tpu.memref_squeeze %dma_wait3A_245 : memref<1x125x16xf32, #tpu.memory_space<vmem>> -> memref<125x16xf32, #tpu.memory_space<vmem>>
      %dma_wait3A_247 = arith.constant 0 : i32
      %dma_wait3A_248 = arith.constant 0 : i32
      %dma_wait3A_249 = tpu.memref_slice %arg5[%dma_wait3A_241, %dma_wait3A_247, %dma_wait3A_248] : memref<2560x125x16xf32, #tpu.memory_space<hbm>> -> memref<1x125x16xf32, #tpu.memory_space<hbm>>
      %dma_wait3A_250 = tpu.memref_squeeze %dma_wait3A_249 : memref<1x125x16xf32, #tpu.memory_space<hbm>> -> memref<125x16xf32, #tpu.memory_space<hbm>>
      %dma_wait3A_251 = arith.constant 0 : i32
      %dma_wait3A_252 = arith.constant 0 : i32
      %dma_wait3A_253 = tpu.memref_slice %arg9[%dma_wait3A_242, %dma_wait3A_251, %dma_wait3A_252] : memref<4x125x16xf32, #tpu.memory_space<vmem>> -> memref<1x125x16xf32, #tpu.memory_space<vmem>>
      %dma_wait3A_254 = tpu.memref_squeeze %dma_wait3A_253 : memref<1x125x16xf32, #tpu.memory_space<vmem>> -> memref<125x16xf32, #tpu.memory_space<vmem>>
      %dma_wait3A_255 = arith.constant 0 : i32
      %dma_wait3A_256 = arith.constant 0 : i32
      %dma_wait3A_257 = tpu.memref_slice %arg5[%dma_wait3A_241, %dma_wait3A_255, %dma_wait3A_256] : memref<2560x125x16xf32, #tpu.memory_space<hbm>> -> memref<1x125x16xf32, #tpu.memory_space<hbm>>
      %dma_wait3A_258 = tpu.memref_squeeze %dma_wait3A_257 : memref<1x125x16xf32, #tpu.memory_space<hbm>> -> memref<125x16xf32, #tpu.memory_space<hbm>>
      tpu.wait_dma2 semaphore(%arg14 : memref<!tpu.dma_semaphore, #tpu.memory_space<semaphore_mem>>) src(%dma_wait3A_258 : memref<125x16xf32, #tpu.memory_space<hbm>>) dst(%dma_wait3A_254 : memref<125x16xf32, #tpu.memory_space<vmem>>)
      %dma_wait3A_259 = arith.constant 1 : i32
      %dma_wait3A_260 = arith.constant 0 : i32
      %dma_wait3A_261 = arith.constant 0 : i32
      %dma_wait3A_262 = tpu.memref_slice %arg10[%dma_wait3A_259, %dma_wait3A_260, %dma_wait3A_261] : memref<4x125x64xf32, #tpu.memory_space<vmem>> -> memref<1x125x64xf32, #tpu.memory_space<vmem>>
      %dma_wait3A_263 = tpu.memref_squeeze %dma_wait3A_262 : memref<1x125x64xf32, #tpu.memory_space<vmem>> -> memref<125x64xf32, #tpu.memory_space<vmem>>
      %dma_wait3A_264 = arith.constant 0 : i32
      %dma_wait3A_265 = arith.constant 0 : i32
      %dma_wait3A_266 = tpu.memref_slice %arg2[%arg0, %dma_wait3A_264, %dma_wait3A_265] : memref<2x10240x64xf32, #tpu.memory_space<hbm>> -> memref<1x10240x64xf32, #tpu.memory_space<hbm>>
      %dma_wait3A_267 = tpu.memref_squeeze %dma_wait3A_266 : memref<1x10240x64xf32, #tpu.memory_space<hbm>> -> memref<10240x64xf32, #tpu.memory_space<hbm>>
      %dma_wait3A_268 = arith.constant 0 : i32
      %dma_wait3A_269 = arith.constant 0 : i32
      %dma_wait3A_270 = tpu.memref_slice %dma_wait3A_267[%dma_wait3A_268, %dma_wait3A_269] : memref<10240x64xf32, #tpu.memory_space<hbm>> -> memref<125x64xf32, #tpu.memory_space<hbm>>
      %dma_wait3A_271 = arith.constant 0 : i32
      %dma_wait3A_272 = arith.constant 0 : i32
      %dma_wait3A_273 = tpu.memref_slice %arg10[%dma_wait3A_259, %dma_wait3A_271, %dma_wait3A_272] : memref<4x125x64xf32, #tpu.memory_space<vmem>> -> memref<1x125x64xf32, #tpu.memory_space<vmem>>
      %dma_wait3A_274 = tpu.memref_squeeze %dma_wait3A_273 : memref<1x125x64xf32, #tpu.memory_space<vmem>> -> memref<125x64xf32, #tpu.memory_space<vmem>>
      %dma_wait3A_275 = arith.constant 0 : i32
      %dma_wait3A_276 = arith.constant 0 : i32
      %dma_wait3A_277 = tpu.memref_slice %arg2[%arg0, %dma_wait3A_275, %dma_wait3A_276] : memref<2x10240x64xf32, #tpu.memory_space<hbm>> -> memref<1x10240x64xf32, #tpu.memory_space<hbm>>
      %dma_wait3A_278 = tpu.memref_squeeze %dma_wait3A_277 : memref<1x10240x64xf32, #tpu.memory_space<hbm>> -> memref<10240x64xf32, #tpu.memory_space<hbm>>
      %dma_wait3A_279 = arith.constant 0 : i32
      %dma_wait3A_280 = arith.constant 0 : i32
      %dma_wait3A_281 = tpu.memref_slice %dma_wait3A_278[%dma_wait3A_279, %dma_wait3A_280] : memref<10240x64xf32, #tpu.memory_space<hbm>> -> memref<125x64xf32, #tpu.memory_space<hbm>>
      tpu.wait_dma2 semaphore(%arg14 : memref<!tpu.dma_semaphore, #tpu.memory_space<semaphore_mem>>) src(%dma_wait3A_281 : memref<125x64xf32, #tpu.memory_space<hbm>>) dst(%dma_wait3A_274 : memref<125x64xf32, #tpu.memory_space<vmem>>)
      %scan3A_282 = arith.constant 0 : i32
      %scan3A_283 = arith.constant 0 : i32
      %scan3A_284 = arith.constant 125 : i32
      %scan3A_285 = arith.addi %scan3A_283, %scan3A_284 : i32
      %scan3A_286 = arith.constant 5 : i32
      %scan3A_287 = scf.for %scan3A_444 = %scan3A_283 to %scan3A_285 step %scan3A_286 iter_args(%scan3A_445 = %scan3A_282) -> (i32)  : i32 {
        %get3A = arith.constant 1 : i32
        %get3A_446 = arith.index_cast %get3A : i32 to index
        %get3A_447 = arith.index_cast %scan3A_444 : i32 to index
        %get3A_448 = arith.constant 0 : index
        %get3A_449 = tpu.vector_load %arg9[%get3A_446, %get3A_447, %get3A_448] {strides = array<i32>} : memref<4x125x16xf32, #tpu.memory_space<vmem>>, vector<1x1x16xf32>,
        %get3A_450 = vector.shape_cast %get3A_449 : vector<1x1x16xf32> to vector<16xf32>
        %get3A_451 = arith.constant 1 : i32
        %get3A_452 = arith.index_cast %get3A_451 : i32 to index
        %get3A_453 = arith.index_cast %scan3A_444 : i32 to index
        %get3A_454 = arith.constant 0 : index
        %get3A_455 = tpu.vector_load %arg10[%get3A_452, %get3A_453, %get3A_454] {strides = array<i32>} : memref<4x125x64xf32, #tpu.memory_space<vmem>>, vector<1x1x16xf32>,
        %get3A_456 = vector.shape_cast %get3A_455 : vector<1x1x16xf32> to vector<16xf32>
        %mul3A_457 = arith.mulf %get3A_456, %get3A_450 : vector<16xf32>
        %swap3A = arith.constant 1 : i32
        %swap3A_458 = arith.index_cast %swap3A : i32 to index
        %swap3A_459 = arith.index_cast %scan3A_444 : i32 to index
        %swap3A_460 = arith.constant 0 : index
        %swap3A_461 = tpu.vector_load %arg10[%swap3A_458, %swap3A_459, %swap3A_460] {strides = array<i32>} : memref<4x125x64xf32, #tpu.memory_space<vmem>>, vector<1x1x16xf32>,
        %swap3A_462 = vector.shape_cast %swap3A_461 : vector<1x1x16xf32> to vector<16xf32>
        %swap3A_463 = vector.shape_cast %mul3A_457 : vector<16xf32> to vector<1x1x16xf32>
        tpu.vector_store %arg10[%swap3A_458, %swap3A_459, %swap3A_460], %swap3A_463 {strides = array<i32>} : memref<4x125x64xf32, #tpu.memory_space<vmem>>, vector<1x1x16xf32>,
        %get3A_464 = arith.constant 1 : i32
        %get3A_465 = arith.index_cast %get3A_464 : i32 to index
        %get3A_466 = arith.index_cast %scan3A_444 : i32 to index
        %get3A_467 = arith.constant 16 : index
        %get3A_468 = tpu.vector_load %arg10[%get3A_465, %get3A_466, %get3A_467] {strides = array<i32>} : memref<4x125x64xf32, #tpu.memory_space<vmem>>, vector<1x1x16xf32>,
        %get3A_469 = vector.shape_cast %get3A_468 : vector<1x1x16xf32> to vector<16xf32>
        %mul3A_470 = arith.mulf %get3A_469, %get3A_450 : vector<16xf32>
        %swap3A_471 = arith.constant 1 : i32
        %swap3A_472 = arith.index_cast %swap3A_471 : i32 to index
        %swap3A_473 = arith.index_cast %scan3A_444 : i32 to index
        %swap3A_474 = arith.constant 16 : index
        %swap3A_475 = tpu.vector_load %arg10[%swap3A_472, %swap3A_473, %swap3A_474] {strides = array<i32>} : memref<4x125x64xf32, #tpu.memory_space<vmem>>, vector<1x1x16xf32>,
        %swap3A_476 = vector.shape_cast %swap3A_475 : vector<1x1x16xf32> to vector<16xf32>
        %swap3A_477 = vector.shape_cast %mul3A_470 : vector<16xf32> to vector<1x1x16xf32>
        tpu.vector_store %arg10[%swap3A_472, %swap3A_473, %swap3A_474], %swap3A_477 {strides = array<i32>} : memref<4x125x64xf32, #tpu.memory_space<vmem>>, vector<1x1x16xf32>,
        %get3A_478 = arith.constant 1 : i32
        %get3A_479 = arith.index_cast %get3A_478 : i32 to index
        %get3A_480 = arith.index_cast %scan3A_444 : i32 to index
        %get3A_481 = arith.constant 32 : index
        %get3A_482 = tpu.vector_load %arg10[%get3A_479, %get3A_480, %get3A_481] {strides = array<i32>} : memref<4x125x64xf32, #tpu.memory_space<vmem>>, vector<1x1x16xf32>,
        %get3A_483 = vector.shape_cast %get3A_482 : vector<1x1x16xf32> to vector<16xf32>
        %mul3A_484 = arith.mulf %get3A_483, %get3A_450 : vector<16xf32>
        %swap3A_485 = arith.constant 1 : i32
        %swap3A_486 = arith.index_cast %swap3A_485 : i32 to index
        %swap3A_487 = arith.index_cast %scan3A_444 : i32 to index
        %swap3A_488 = arith.constant 32 : index
        %swap3A_489 = tpu.vector_load %arg10[%swap3A_486, %swap3A_487, %swap3A_488] {strides = array<i32>} : memref<4x125x64xf32, #tpu.memory_space<vmem>>, vector<1x1x16xf32>,
        %swap3A_490 = vector.shape_cast %swap3A_489 : vector<1x1x16xf32> to vector<16xf32>
        %swap3A_491 = vector.shape_cast %mul3A_484 : vector<16xf32> to vector<1x1x16xf32>
        tpu.vector_store %arg10[%swap3A_486, %swap3A_487, %swap3A_488], %swap3A_491 {strides = array<i32>} : memref<4x125x64xf32, #tpu.memory_space<vmem>>, vector<1x1x16xf32>,
        %get3A_492 = arith.constant 1 : i32
        %get3A_493 = arith.index_cast %get3A_492 : i32 to index
        %get3A_494 = arith.index_cast %scan3A_444 : i32 to index
        %get3A_495 = arith.constant 48 : index
        %get3A_496 = tpu.vector_load %arg10[%get3A_493, %get3A_494, %get3A_495] {strides = array<i32>} : memref<4x125x64xf32, #tpu.memory_space<vmem>>, vector<1x1x16xf32>,
        %get3A_497 = vector.shape_cast %get3A_496 : vector<1x1x16xf32> to vector<16xf32>
        %mul3A_498 = arith.mulf %get3A_497, %get3A_450 : vector<16xf32>
        %swap3A_499 = arith.constant 1 : i32
        %swap3A_500 = arith.index_cast %swap3A_499 : i32 to index
        %swap3A_501 = arith.index_cast %scan3A_444 : i32 to index
        %swap3A_502 = arith.constant 48 : index
        %swap3A_503 = tpu.vector_load %arg10[%swap3A_500, %swap3A_501, %swap3A_502] {strides = array<i32>} : memref<4x125x64xf32, #tpu.memory_space<vmem>>, vector<1x1x16xf32>,
        %swap3A_504 = vector.shape_cast %swap3A_503 : vector<1x1x16xf32> to vector<16xf32>
        %swap3A_505 = vector.shape_cast %mul3A_498 : vector<16xf32> to vector<1x1x16xf32>
        tpu.vector_store %arg10[%swap3A_500, %swap3A_501, %swap3A_502], %swap3A_505 {strides = array<i32>} : memref<4x125x64xf32, #tpu.memory_space<vmem>>, vector<1x1x16xf32>,
        %scan3A_506 = arith.constant 0 : i32
        %scan3A_507 = arith.constant 1 : i32
        %scan3A_508 = arith.addi %scan3A_444, %scan3A_507 : i32
        %get3A_509 = arith.constant 1 : i32
        %get3A_510 = arith.index_cast %get3A_509 : i32 to index
        %get3A_511 = arith.index_cast %scan3A_508 : i32 to index
        %get3A_512 = arith.constant 0 : index
        %get3A_513 = tpu.vector_load %arg9[%get3A_510, %get3A_511, %get3A_512] {strides = array<i32>} : memref<4x125x16xf32, #tpu.memory_space<vmem>>, vector<1x1x16xf32>,
        %get3A_514 = vector.shape_cast %get3A_513 : vector<1x1x16xf32> to vector<16xf32>
        %get3A_515 = arith.constant 1 : i32
        %get3A_516 = arith.index_cast %get3A_515 : i32 to index
        %get3A_517 = arith.index_cast %scan3A_508 : i32 to index
        %get3A_518 = arith.constant 0 : index
        %get3A_519 = tpu.vector_load %arg10[%get3A_516, %get3A_517, %get3A_518] {strides = array<i32>} : memref<4x125x64xf32, #tpu.memory_space<vmem>>, vector<1x1x16xf32>,
        %get3A_520 = vector.shape_cast %get3A_519 : vector<1x1x16xf32> to vector<16xf32>
        %mul3A_521 = arith.mulf %get3A_520, %get3A_514 : vector<16xf32>
        %swap3A_522 = arith.constant 1 : i32
        %swap3A_523 = arith.index_cast %swap3A_522 : i32 to index
        %swap3A_524 = arith.index_cast %scan3A_508 : i32 to index
        %swap3A_525 = arith.constant 0 : index
        %swap3A_526 = tpu.vector_load %arg10[%swap3A_523, %swap3A_524, %swap3A_525] {strides = array<i32>} : memref<4x125x64xf32, #tpu.memory_space<vmem>>, vector<1x1x16xf32>,
        %swap3A_527 = vector.shape_cast %swap3A_526 : vector<1x1x16xf32> to vector<16xf32>
        %swap3A_528 = vector.shape_cast %mul3A_521 : vector<16xf32> to vector<1x1x16xf32>
        tpu.vector_store %arg10[%swap3A_523, %swap3A_524, %swap3A_525], %swap3A_528 {strides = array<i32>} : memref<4x125x64xf32, #tpu.memory_space<vmem>>, vector<1x1x16xf32>,
        %get3A_529 = arith.constant 1 : i32
        %get3A_530 = arith.index_cast %get3A_529 : i32 to index
        %get3A_531 = arith.index_cast %scan3A_508 : i32 to index
        %get3A_532 = arith.constant 16 : index
        %get3A_533 = tpu.vector_load %arg10[%get3A_530, %get3A_531, %get3A_532] {strides = array<i32>} : memref<4x125x64xf32, #tpu.memory_space<vmem>>, vector<1x1x16xf32>,
        %get3A_534 = vector.shape_cast %get3A_533 : vector<1x1x16xf32> to vector<16xf32>
        %mul3A_535 = arith.mulf %get3A_534, %get3A_514 : vector<16xf32>
        %swap3A_536 = arith.constant 1 : i32
        %swap3A_537 = arith.index_cast %swap3A_536 : i32 to index
        %swap3A_538 = arith.index_cast %scan3A_508 : i32 to index
        %swap3A_539 = arith.constant 16 : index
        %swap3A_540 = tpu.vector_load %arg10[%swap3A_537, %swap3A_538, %swap3A_539] {strides = array<i32>} : memref<4x125x64xf32, #tpu.memory_space<vmem>>, vector<1x1x16xf32>,
        %swap3A_541 = vector.shape_cast %swap3A_540 : vector<1x1x16xf32> to vector<16xf32>
        %swap3A_542 = vector.shape_cast %mul3A_535 : vector<16xf32> to vector<1x1x16xf32>
        tpu.vector_store %arg10[%swap3A_537, %swap3A_538, %swap3A_539], %swap3A_542 {strides = array<i32>} : memref<4x125x64xf32, #tpu.memory_space<vmem>>, vector<1x1x16xf32>,
        %get3A_543 = arith.constant 1 : i32
        %get3A_544 = arith.index_cast %get3A_543 : i32 to index
        %get3A_545 = arith.index_cast %scan3A_508 : i32 to index
        %get3A_546 = arith.constant 32 : index
        %get3A_547 = tpu.vector_load %arg10[%get3A_544, %get3A_545, %get3A_546] {strides = array<i32>} : memref<4x125x64xf32, #tpu.memory_space<vmem>>, vector<1x1x16xf32>,
        %get3A_548 = vector.shape_cast %get3A_547 : vector<1x1x16xf32> to vector<16xf32>
        %mul3A_549 = arith.mulf %get3A_548, %get3A_514 : vector<16xf32>
        %swap3A_550 = arith.constant 1 : i32
        %swap3A_551 = arith.index_cast %swap3A_550 : i32 to index
        %swap3A_552 = arith.index_cast %scan3A_508 : i32 to index
        %swap3A_553 = arith.constant 32 : index
        %swap3A_554 = tpu.vector_load %arg10[%swap3A_551, %swap3A_552, %swap3A_553] {strides = array<i32>} : memref<4x125x64xf32, #tpu.memory_space<vmem>>, vector<1x1x16xf32>,
        %swap3A_555 = vector.shape_cast %swap3A_554 : vector<1x1x16xf32> to vector<16xf32>
        %swap3A_556 = vector.shape_cast %mul3A_549 : vector<16xf32> to vector<1x1x16xf32>
        tpu.vector_store %arg10[%swap3A_551, %swap3A_552, %swap3A_553], %swap3A_556 {strides = array<i32>} : memref<4x125x64xf32, #tpu.memory_space<vmem>>, vector<1x1x16xf32>,
        %get3A_557 = arith.constant 1 : i32
        %get3A_558 = arith.index_cast %get3A_557 : i32 to index
        %get3A_559 = arith.index_cast %scan3A_508 : i32 to index
        %get3A_560 = arith.constant 48 : index
        %get3A_561 = tpu.vector_load %arg10[%get3A_558, %get3A_559, %get3A_560] {strides = array<i32>} : memref<4x125x64xf32, #tpu.memory_space<vmem>>, vector<1x1x16xf32>,
        %get3A_562 = vector.shape_cast %get3A_561 : vector<1x1x16xf32> to vector<16xf32>
        %mul3A_563 = arith.mulf %get3A_562, %get3A_514 : vector<16xf32>
        %swap3A_564 = arith.constant 1 : i32
        %swap3A_565 = arith.index_cast %swap3A_564 : i32 to index
        %swap3A_566 = arith.index_cast %scan3A_508 : i32 to index
        %swap3A_567 = arith.constant 48 : index
        %swap3A_568 = tpu.vector_load %arg10[%swap3A_565, %swap3A_566, %swap3A_567] {strides = array<i32>} : memref<4x125x64xf32, #tpu.memory_space<vmem>>, vector<1x1x16xf32>,
        %swap3A_569 = vector.shape_cast %swap3A_568 : vector<1x1x16xf32> to vector<16xf32>
        %swap3A_570 = vector.shape_cast %mul3A_563 : vector<16xf32> to vector<1x1x16xf32>
        tpu.vector_store %arg10[%swap3A_565, %swap3A_566, %swap3A_567], %swap3A_570 {strides = array<i32>} : memref<4x125x64xf32, #tpu.memory_space<vmem>>, vector<1x1x16xf32>,
        %scan3A_571 = arith.constant 0 : i32
        %scan3A_572 = arith.constant 2 : i32
        %scan3A_573 = arith.addi %scan3A_444, %scan3A_572 : i32
        %get3A_574 = arith.constant 1 : i32
        %get3A_575 = arith.index_cast %get3A_574 : i32 to index
        %get3A_576 = arith.index_cast %scan3A_573 : i32 to index
        %get3A_577 = arith.constant 0 : index
        %get3A_578 = tpu.vector_load %arg9[%get3A_575, %get3A_576, %get3A_577] {strides = array<i32>} : memref<4x125x16xf32, #tpu.memory_space<vmem>>, vector<1x1x16xf32>,
        %get3A_579 = vector.shape_cast %get3A_578 : vector<1x1x16xf32> to vector<16xf32>
        %get3A_580 = arith.constant 1 : i32
        %get3A_581 = arith.index_cast %get3A_580 : i32 to index
        %get3A_582 = arith.index_cast %scan3A_573 : i32 to index
        %get3A_583 = arith.constant 0 : index
        %get3A_584 = tpu.vector_load %arg10[%get3A_581, %get3A_582, %get3A_583] {strides = array<i32>} : memref<4x125x64xf32, #tpu.memory_space<vmem>>, vector<1x1x16xf32>,
        %get3A_585 = vector.shape_cast %get3A_584 : vector<1x1x16xf32> to vector<16xf32>
        %mul3A_586 = arith.mulf %get3A_585, %get3A_579 : vector<16xf32>
        %swap3A_587 = arith.constant 1 : i32
        %swap3A_588 = arith.index_cast %swap3A_587 : i32 to index
        %swap3A_589 = arith.index_cast %scan3A_573 : i32 to index
        %swap3A_590 = arith.constant 0 : index
        %swap3A_591 = tpu.vector_load %arg10[%swap3A_588, %swap3A_589, %swap3A_590] {strides = array<i32>} : memref<4x125x64xf32, #tpu.memory_space<vmem>>, vector<1x1x16xf32>,
        %swap3A_592 = vector.shape_cast %swap3A_591 : vector<1x1x16xf32> to vector<16xf32>
        %swap3A_593 = vector.shape_cast %mul3A_586 : vector<16xf32> to vector<1x1x16xf32>
        tpu.vector_store %arg10[%swap3A_588, %swap3A_589, %swap3A_590], %swap3A_593 {strides = array<i32>} : memref<4x125x64xf32, #tpu.memory_space<vmem>>, vector<1x1x16xf32>,
        %get3A_594 = arith.constant 1 : i32
        %get3A_595 = arith.index_cast %get3A_594 : i32 to index
        %get3A_596 = arith.index_cast %scan3A_573 : i32 to index
        %get3A_597 = arith.constant 16 : index
        %get3A_598 = tpu.vector_load %arg10[%get3A_595, %get3A_596, %get3A_597] {strides = array<i32>} : memref<4x125x64xf32, #tpu.memory_space<vmem>>, vector<1x1x16xf32>,
        %get3A_599 = vector.shape_cast %get3A_598 : vector<1x1x16xf32> to vector<16xf32>
        %mul3A_600 = arith.mulf %get3A_599, %get3A_579 : vector<16xf32>
        %swap3A_601 = arith.constant 1 : i32
        %swap3A_602 = arith.index_cast %swap3A_601 : i32 to index
        %swap3A_603 = arith.index_cast %scan3A_573 : i32 to index
        %swap3A_604 = arith.constant 16 : index
        %swap3A_605 = tpu.vector_load %arg10[%swap3A_602, %swap3A_603, %swap3A_604] {strides = array<i32>} : memref<4x125x64xf32, #tpu.memory_space<vmem>>, vector<1x1x16xf32>,
        %swap3A_606 = vector.shape_cast %swap3A_605 : vector<1x1x16xf32> to vector<16xf32>
        %swap3A_607 = vector.shape_cast %mul3A_600 : vector<16xf32> to vector<1x1x16xf32>
        tpu.vector_store %arg10[%swap3A_602, %swap3A_603, %swap3A_604], %swap3A_607 {strides = array<i32>} : memref<4x125x64xf32, #tpu.memory_space<vmem>>, vector<1x1x16xf32>,
        %get3A_608 = arith.constant 1 : i32
        %get3A_609 = arith.index_cast %get3A_608 : i32 to index
        %get3A_610 = arith.index_cast %scan3A_573 : i32 to index
        %get3A_611 = arith.constant 32 : index
        %get3A_612 = tpu.vector_load %arg10[%get3A_609, %get3A_610, %get3A_611] {strides = array<i32>} : memref<4x125x64xf32, #tpu.memory_space<vmem>>, vector<1x1x16xf32>,
        %get3A_613 = vector.shape_cast %get3A_612 : vector<1x1x16xf32> to vector<16xf32>
        %mul3A_614 = arith.mulf %get3A_613, %get3A_579 : vector<16xf32>
        %swap3A_615 = arith.constant 1 : i32
        %swap3A_616 = arith.index_cast %swap3A_615 : i32 to index
        %swap3A_617 = arith.index_cast %scan3A_573 : i32 to index
        %swap3A_618 = arith.constant 32 : index
        %swap3A_619 = tpu.vector_load %arg10[%swap3A_616, %swap3A_617, %swap3A_618] {strides = array<i32>} : memref<4x125x64xf32, #tpu.memory_space<vmem>>, vector<1x1x16xf32>,
        %swap3A_620 = vector.shape_cast %swap3A_619 : vector<1x1x16xf32> to vector<16xf32>
        %swap3A_621 = vector.shape_cast %mul3A_614 : vector<16xf32> to vector<1x1x16xf32>
        tpu.vector_store %arg10[%swap3A_616, %swap3A_617, %swap3A_618], %swap3A_621 {strides = array<i32>} : memref<4x125x64xf32, #tpu.memory_space<vmem>>, vector<1x1x16xf32>,
        %get3A_622 = arith.constant 1 : i32
        %get3A_623 = arith.index_cast %get3A_622 : i32 to index
        %get3A_624 = arith.index_cast %scan3A_573 : i32 to index
        %get3A_625 = arith.constant 48 : index
        %get3A_626 = tpu.vector_load %arg10[%get3A_623, %get3A_624, %get3A_625] {strides = array<i32>} : memref<4x125x64xf32, #tpu.memory_space<vmem>>, vector<1x1x16xf32>,
        %get3A_627 = vector.shape_cast %get3A_626 : vector<1x1x16xf32> to vector<16xf32>
        %mul3A_628 = arith.mulf %get3A_627, %get3A_579 : vector<16xf32>
        %swap3A_629 = arith.constant 1 : i32
        %swap3A_630 = arith.index_cast %swap3A_629 : i32 to index
        %swap3A_631 = arith.index_cast %scan3A_573 : i32 to index
        %swap3A_632 = arith.constant 48 : index
        %swap3A_633 = tpu.vector_load %arg10[%swap3A_630, %swap3A_631, %swap3A_632] {strides = array<i32>} : memref<4x125x64xf32, #tpu.memory_space<vmem>>, vector<1x1x16xf32>,
        %swap3A_634 = vector.shape_cast %swap3A_633 : vector<1x1x16xf32> to vector<16xf32>
        %swap3A_635 = vector.shape_cast %mul3A_628 : vector<16xf32> to vector<1x1x16xf32>
        tpu.vector_store %arg10[%swap3A_630, %swap3A_631, %swap3A_632], %swap3A_635 {strides = array<i32>} : memref<4x125x64xf32, #tpu.memory_space<vmem>>, vector<1x1x16xf32>,
        %scan3A_636 = arith.constant 0 : i32
        %scan3A_637 = arith.constant 3 : i32
        %scan3A_638 = arith.addi %scan3A_444, %scan3A_637 : i32
        %get3A_639 = arith.constant 1 : i32
        %get3A_640 = arith.index_cast %get3A_639 : i32 to index
        %get3A_641 = arith.index_cast %scan3A_638 : i32 to index
        %get3A_642 = arith.constant 0 : index
        %get3A_643 = tpu.vector_load %arg9[%get3A_640, %get3A_641, %get3A_642] {strides = array<i32>} : memref<4x125x16xf32, #tpu.memory_space<vmem>>, vector<1x1x16xf32>,
        %get3A_644 = vector.shape_cast %get3A_643 : vector<1x1x16xf32> to vector<16xf32>
        %get3A_645 = arith.constant 1 : i32
        %get3A_646 = arith.index_cast %get3A_645 : i32 to index
        %get3A_647 = arith.index_cast %scan3A_638 : i32 to index
        %get3A_648 = arith.constant 0 : index
        %get3A_649 = tpu.vector_load %arg10[%get3A_646, %get3A_647, %get3A_648] {strides = array<i32>} : memref<4x125x64xf32, #tpu.memory_space<vmem>>, vector<1x1x16xf32>,
        %get3A_650 = vector.shape_cast %get3A_649 : vector<1x1x16xf32> to vector<16xf32>
        %mul3A_651 = arith.mulf %get3A_650, %get3A_644 : vector<16xf32>
        %swap3A_652 = arith.constant 1 : i32
        %swap3A_653 = arith.index_cast %swap3A_652 : i32 to index
        %swap3A_654 = arith.index_cast %scan3A_638 : i32 to index
        %swap3A_655 = arith.constant 0 : index
        %swap3A_656 = tpu.vector_load %arg10[%swap3A_653, %swap3A_654, %swap3A_655] {strides = array<i32>} : memref<4x125x64xf32, #tpu.memory_space<vmem>>, vector<1x1x16xf32>,
        %swap3A_657 = vector.shape_cast %swap3A_656 : vector<1x1x16xf32> to vector<16xf32>
        %swap3A_658 = vector.shape_cast %mul3A_651 : vector<16xf32> to vector<1x1x16xf32>
        tpu.vector_store %arg10[%swap3A_653, %swap3A_654, %swap3A_655], %swap3A_658 {strides = array<i32>} : memref<4x125x64xf32, #tpu.memory_space<vmem>>, vector<1x1x16xf32>,
        %get3A_659 = arith.constant 1 : i32
        %get3A_660 = arith.index_cast %get3A_659 : i32 to index
        %get3A_661 = arith.index_cast %scan3A_638 : i32 to index
        %get3A_662 = arith.constant 16 : index
        %get3A_663 = tpu.vector_load %arg10[%get3A_660, %get3A_661, %get3A_662] {strides = array<i32>} : memref<4x125x64xf32, #tpu.memory_space<vmem>>, vector<1x1x16xf32>,
        %get3A_664 = vector.shape_cast %get3A_663 : vector<1x1x16xf32> to vector<16xf32>
        %mul3A_665 = arith.mulf %get3A_664, %get3A_644 : vector<16xf32>
        %swap3A_666 = arith.constant 1 : i32
        %swap3A_667 = arith.index_cast %swap3A_666 : i32 to index
        %swap3A_668 = arith.index_cast %scan3A_638 : i32 to index
        %swap3A_669 = arith.constant 16 : index
        %swap3A_670 = tpu.vector_load %arg10[%swap3A_667, %swap3A_668, %swap3A_669] {strides = array<i32>} : memref<4x125x64xf32, #tpu.memory_space<vmem>>, vector<1x1x16xf32>,
        %swap3A_671 = vector.shape_cast %swap3A_670 : vector<1x1x16xf32> to vector<16xf32>
        %swap3A_672 = vector.shape_cast %mul3A_665 : vector<16xf32> to vector<1x1x16xf32>
        tpu.vector_store %arg10[%swap3A_667, %swap3A_668, %swap3A_669], %swap3A_672 {strides = array<i32>} : memref<4x125x64xf32, #tpu.memory_space<vmem>>, vector<1x1x16xf32>,
        %get3A_673 = arith.constant 1 : i32
        %get3A_674 = arith.index_cast %get3A_673 : i32 to index
        %get3A_675 = arith.index_cast %scan3A_638 : i32 to index
        %get3A_676 = arith.constant 32 : index
        %get3A_677 = tpu.vector_load %arg10[%get3A_674, %get3A_675, %get3A_676] {strides = array<i32>} : memref<4x125x64xf32, #tpu.memory_space<vmem>>, vector<1x1x16xf32>,
        %get3A_678 = vector.shape_cast %get3A_677 : vector<1x1x16xf32> to vector<16xf32>
        %mul3A_679 = arith.mulf %get3A_678, %get3A_644 : vector<16xf32>
        %swap3A_680 = arith.constant 1 : i32
        %swap3A_681 = arith.index_cast %swap3A_680 : i32 to index
        %swap3A_682 = arith.index_cast %scan3A_638 : i32 to index
        %swap3A_683 = arith.constant 32 : index
        %swap3A_684 = tpu.vector_load %arg10[%swap3A_681, %swap3A_682, %swap3A_683] {strides = array<i32>} : memref<4x125x64xf32, #tpu.memory_space<vmem>>, vector<1x1x16xf32>,
        %swap3A_685 = vector.shape_cast %swap3A_684 : vector<1x1x16xf32> to vector<16xf32>
        %swap3A_686 = vector.shape_cast %mul3A_679 : vector<16xf32> to vector<1x1x16xf32>
        tpu.vector_store %arg10[%swap3A_681, %swap3A_682, %swap3A_683], %swap3A_686 {strides = array<i32>} : memref<4x125x64xf32, #tpu.memory_space<vmem>>, vector<1x1x16xf32>,
        %get3A_687 = arith.constant 1 : i32
        %get3A_688 = arith.index_cast %get3A_687 : i32 to index
        %get3A_689 = arith.index_cast %scan3A_638 : i32 to index
        %get3A_690 = arith.constant 48 : index
        %get3A_691 = tpu.vector_load %arg10[%get3A_688, %get3A_689, %get3A_690] {strides = array<i32>} : memref<4x125x64xf32, #tpu.memory_space<vmem>>, vector<1x1x16xf32>,
        %get3A_692 = vector.shape_cast %get3A_691 : vector<1x1x16xf32> to vector<16xf32>
        %mul3A_693 = arith.mulf %get3A_692, %get3A_644 : vector<16xf32>
        %swap3A_694 = arith.constant 1 : i32
        %swap3A_695 = arith.index_cast %swap3A_694 : i32 to index
        %swap3A_696 = arith.index_cast %scan3A_638 : i32 to index
        %swap3A_697 = arith.constant 48 : index
        %swap3A_698 = tpu.vector_load %arg10[%swap3A_695, %swap3A_696, %swap3A_697] {strides = array<i32>} : memref<4x125x64xf32, #tpu.memory_space<vmem>>, vector<1x1x16xf32>,
        %swap3A_699 = vector.shape_cast %swap3A_698 : vector<1x1x16xf32> to vector<16xf32>
        %swap3A_700 = vector.shape_cast %mul3A_693 : vector<16xf32> to vector<1x1x16xf32>
        tpu.vector_store %arg10[%swap3A_695, %swap3A_696, %swap3A_697], %swap3A_700 {strides = array<i32>} : memref<4x125x64xf32, #tpu.memory_space<vmem>>, vector<1x1x16xf32>,
        %scan3A_701 = arith.constant 0 : i32
        %scan3A_702 = arith.constant 4 : i32
        %scan3A_703 = arith.addi %scan3A_444, %scan3A_702 : i32
        %get3A_704 = arith.constant 1 : i32
        %get3A_705 = arith.index_cast %get3A_704 : i32 to index
        %get3A_706 = arith.index_cast %scan3A_703 : i32 to index
        %get3A_707 = arith.constant 0 : index
        %get3A_708 = tpu.vector_load %arg9[%get3A_705, %get3A_706, %get3A_707] {strides = array<i32>} : memref<4x125x16xf32, #tpu.memory_space<vmem>>, vector<1x1x16xf32>,
        %get3A_709 = vector.shape_cast %get3A_708 : vector<1x1x16xf32> to vector<16xf32>
        %get3A_710 = arith.constant 1 : i32
        %get3A_711 = arith.index_cast %get3A_710 : i32 to index
        %get3A_712 = arith.index_cast %scan3A_703 : i32 to index
        %get3A_713 = arith.constant 0 : index
        %get3A_714 = tpu.vector_load %arg10[%get3A_711, %get3A_712, %get3A_713] {strides = array<i32>} : memref<4x125x64xf32, #tpu.memory_space<vmem>>, vector<1x1x16xf32>,
        %get3A_715 = vector.shape_cast %get3A_714 : vector<1x1x16xf32> to vector<16xf32>
        %mul3A_716 = arith.mulf %get3A_715, %get3A_709 : vector<16xf32>
        %swap3A_717 = arith.constant 1 : i32
        %swap3A_718 = arith.index_cast %swap3A_717 : i32 to index
        %swap3A_719 = arith.index_cast %scan3A_703 : i32 to index
        %swap3A_720 = arith.constant 0 : index
        %swap3A_721 = tpu.vector_load %arg10[%swap3A_718, %swap3A_719, %swap3A_720] {strides = array<i32>} : memref<4x125x64xf32, #tpu.memory_space<vmem>>, vector<1x1x16xf32>,
        %swap3A_722 = vector.shape_cast %swap3A_721 : vector<1x1x16xf32> to vector<16xf32>
        %swap3A_723 = vector.shape_cast %mul3A_716 : vector<16xf32> to vector<1x1x16xf32>
        tpu.vector_store %arg10[%swap3A_718, %swap3A_719, %swap3A_720], %swap3A_723 {strides = array<i32>} : memref<4x125x64xf32, #tpu.memory_space<vmem>>, vector<1x1x16xf32>,
        %get3A_724 = arith.constant 1 : i32
        %get3A_725 = arith.index_cast %get3A_724 : i32 to index
        %get3A_726 = arith.index_cast %scan3A_703 : i32 to index
        %get3A_727 = arith.constant 16 : index
        %get3A_728 = tpu.vector_load %arg10[%get3A_725, %get3A_726, %get3A_727] {strides = array<i32>} : memref<4x125x64xf32, #tpu.memory_space<vmem>>, vector<1x1x16xf32>,
        %get3A_729 = vector.shape_cast %get3A_728 : vector<1x1x16xf32> to vector<16xf32>
        %mul3A_730 = arith.mulf %get3A_729, %get3A_709 : vector<16xf32>
        %swap3A_731 = arith.constant 1 : i32
        %swap3A_732 = arith.index_cast %swap3A_731 : i32 to index
        %swap3A_733 = arith.index_cast %scan3A_703 : i32 to index
        %swap3A_734 = arith.constant 16 : index
        %swap3A_735 = tpu.vector_load %arg10[%swap3A_732, %swap3A_733, %swap3A_734] {strides = array<i32>} : memref<4x125x64xf32, #tpu.memory_space<vmem>>, vector<1x1x16xf32>,
        %swap3A_736 = vector.shape_cast %swap3A_735 : vector<1x1x16xf32> to vector<16xf32>
        %swap3A_737 = vector.shape_cast %mul3A_730 : vector<16xf32> to vector<1x1x16xf32>
        tpu.vector_store %arg10[%swap3A_732, %swap3A_733, %swap3A_734], %swap3A_737 {strides = array<i32>} : memref<4x125x64xf32, #tpu.memory_space<vmem>>, vector<1x1x16xf32>,
        %get3A_738 = arith.constant 1 : i32
        %get3A_739 = arith.index_cast %get3A_738 : i32 to index
        %get3A_740 = arith.index_cast %scan3A_703 : i32 to index
        %get3A_741 = arith.constant 32 : index
        %get3A_742 = tpu.vector_load %arg10[%get3A_739, %get3A_740, %get3A_741] {strides = array<i32>} : memref<4x125x64xf32, #tpu.memory_space<vmem>>, vector<1x1x16xf32>,
        %get3A_743 = vector.shape_cast %get3A_742 : vector<1x1x16xf32> to vector<16xf32>
        %mul3A_744 = arith.mulf %get3A_743, %get3A_709 : vector<16xf32>
        %swap3A_745 = arith.constant 1 : i32
        %swap3A_746 = arith.index_cast %swap3A_745 : i32 to index
        %swap3A_747 = arith.index_cast %scan3A_703 : i32 to index
        %swap3A_748 = arith.constant 32 : index
        %swap3A_749 = tpu.vector_load %arg10[%swap3A_746, %swap3A_747, %swap3A_748] {strides = array<i32>} : memref<4x125x64xf32, #tpu.memory_space<vmem>>, vector<1x1x16xf32>,
        %swap3A_750 = vector.shape_cast %swap3A_749 : vector<1x1x16xf32> to vector<16xf32>
        %swap3A_751 = vector.shape_cast %mul3A_744 : vector<16xf32> to vector<1x1x16xf32>
        tpu.vector_store %arg10[%swap3A_746, %swap3A_747, %swap3A_748], %swap3A_751 {strides = array<i32>} : memref<4x125x64xf32, #tpu.memory_space<vmem>>, vector<1x1x16xf32>,
        %get3A_752 = arith.constant 1 : i32
        %get3A_753 = arith.index_cast %get3A_752 : i32 to index
        %get3A_754 = arith.index_cast %scan3A_703 : i32 to index
        %get3A_755 = arith.constant 48 : index
        %get3A_756 = tpu.vector_load %arg10[%get3A_753, %get3A_754, %get3A_755] {strides = array<i32>} : memref<4x125x64xf32, #tpu.memory_space<vmem>>, vector<1x1x16xf32>,
        %get3A_757 = vector.shape_cast %get3A_756 : vector<1x1x16xf32> to vector<16xf32>
        %mul3A_758 = arith.mulf %get3A_757, %get3A_709 : vector<16xf32>
        %swap3A_759 = arith.constant 1 : i32
        %swap3A_760 = arith.index_cast %swap3A_759 : i32 to index
        %swap3A_761 = arith.index_cast %scan3A_703 : i32 to index
        %swap3A_762 = arith.constant 48 : index
        %swap3A_763 = tpu.vector_load %arg10[%swap3A_760, %swap3A_761, %swap3A_762] {strides = array<i32>} : memref<4x125x64xf32, #tpu.memory_space<vmem>>, vector<1x1x16xf32>,
        %swap3A_764 = vector.shape_cast %swap3A_763 : vector<1x1x16xf32> to vector<16xf32>
        %swap3A_765 = vector.shape_cast %mul3A_758 : vector<16xf32> to vector<1x1x16xf32>
        tpu.vector_store %arg10[%swap3A_760, %swap3A_761, %swap3A_762], %swap3A_765 {strides = array<i32>} : memref<4x125x64xf32, #tpu.memory_space<vmem>>, vector<1x1x16xf32>,
        %scan3A_766 = arith.constant 0 : i32
        scf.yield %scan3A_766 : i32
      }
      %scan3A_288 = arith.constant 125 : i32
      %dma_start3A_289 = arith.constant 1 : i32
      %dma_start3A_290 = arith.constant 0 : i32
      %dma_start3A_291 = arith.constant 0 : i32
      %dma_start3A_292 = tpu.memref_slice %arg10[%dma_start3A_289, %dma_start3A_290, %dma_start3A_291] : memref<4x125x64xf32, #tpu.memory_space<vmem>> -> memref<1x125x64xf32, #tpu.memory_space<vmem>>
      %dma_start3A_293 = tpu.memref_squeeze %dma_start3A_292 : memref<1x125x64xf32, #tpu.memory_space<vmem>> -> memref<125x64xf32, #tpu.memory_space<vmem>>
      %dma_start3A_294 = arith.constant 0 : i32
      %dma_start3A_295 = tpu.memref_slice %arg8[%add3A_240, %dma_start3A_294] : memref<160x125xi32, #tpu.memory_space<vmem>> -> memref<1x125xi32, #tpu.memory_space<vmem>>
      %dma_start3A_296 = tpu.memref_squeeze %dma_start3A_295 : memref<1x125xi32, #tpu.memory_space<vmem>> -> memref<125xi32, #tpu.memory_space<vmem>>
      %dma_start3A_297 = arith.constant 0 : i32
      %dma_start3A_298 = arith.constant 0 : i32
      %dma_start3A_299 = tpu.memref_slice %arg12[%dma_start3A_297, %dma_start3A_298] : memref<10240x64xf32, #tpu.memory_space<vmem_shared>> -> memref<10240x64xf32, #tpu.memory_space<vmem_shared>>
      tpu.enqueue_indirect_dma source(%dma_start3A_293 : memref<125x64xf32, #tpu.memory_space<vmem>>) target(%dma_start3A_299 : memref<10240x64xf32, #tpu.memory_space<vmem_shared>>) offsets(%dma_start3A_296 : memref<125xi32, #tpu.memory_space<vmem>>) semaphore(%arg18 : memref<!tpu.dma_semaphore, #tpu.memory_space<semaphore_mem>>) {add = true}
      %add3A_300 = arith.constant 2 : i32
      %add3A_301 = arith.addi %add3A_240, %add3A_300 : i32
      %lt3A_302 = arith.constant 160 : i32
      %lt3A_303 = arith.cmpi slt, %add3A_301, %lt3A_302 : i32
      %convert_element_type3A_304 = arith.extui %lt3A_303 : i1 to i32
      %cond3A_305 = arith.constant 0 : i32
      %cond3A_306 = arith.cmpi ne, %convert_element_type3A_304, %cond3A_305 : i32
      scf.if %cond3A_306 {
        %ge3A = arith.constant 4 : i32
        %ge3A_444 = arith.cmpi sge, %add3A_301, %ge3A : i32
        %convert_element_type3A_445 = arith.extui %ge3A_444 : i1 to i32
        %cond3A_446 = arith.constant 0 : i32
        %cond3A_447 = arith.cmpi ne, %convert_element_type3A_445, %cond3A_446 : i32
        scf.if %cond3A_447 {
          %dma_wait3A_483 = arith.constant 3 : i32
          %dma_wait3A_484 = arith.constant 0 : i32
          %dma_wait3A_485 = arith.constant 0 : i32
          %dma_wait3A_486 = tpu.memref_slice %arg10[%dma_wait3A_483, %dma_wait3A_484, %dma_wait3A_485] : memref<4x125x64xf32, #tpu.memory_space<vmem>> -> memref<1x125x64xf32, #tpu.memory_space<vmem>>
          %dma_wait3A_487 = tpu.memref_squeeze %dma_wait3A_486 : memref<1x125x64xf32, #tpu.memory_space<vmem>> -> memref<125x64xf32, #tpu.memory_space<vmem>>
          %dma_wait3A_488 = arith.constant 0 : i32
          %dma_wait3A_489 = arith.constant 0 : i32
          %dma_wait3A_490 = tpu.memref_slice %arg12[%dma_wait3A_488, %dma_wait3A_489] : memref<10240x64xf32, #tpu.memory_space<vmem_shared>> -> memref<125x64xf32, #tpu.memory_space<vmem_shared>>
          %dma_wait3A_491 = arith.constant 0 : i32
          %dma_wait3A_492 = arith.constant 0 : i32
          %dma_wait3A_493 = tpu.memref_slice %arg12[%dma_wait3A_491, %dma_wait3A_492] : memref<10240x64xf32, #tpu.memory_space<vmem_shared>> -> memref<125x64xf32, #tpu.memory_space<vmem_shared>>
          %dma_wait3A_494 = arith.constant 0 : i32
          %dma_wait3A_495 = arith.constant 0 : i32
          %dma_wait3A_496 = tpu.memref_slice %arg10[%dma_wait3A_483, %dma_wait3A_494, %dma_wait3A_495] : memref<4x125x64xf32, #tpu.memory_space<vmem>> -> memref<1x125x64xf32, #tpu.memory_space<vmem>>
          %dma_wait3A_497 = tpu.memref_squeeze %dma_wait3A_496 : memref<1x125x64xf32, #tpu.memory_space<vmem>> -> memref<125x64xf32, #tpu.memory_space<vmem>>
          tpu.wait_dma2 semaphore(%arg20 : memref<!tpu.dma_semaphore, #tpu.memory_space<semaphore_mem>>) src(%dma_wait3A_497 : memref<125x64xf32, #tpu.memory_space<vmem>>) dst(%dma_wait3A_493 : memref<125x64xf32, #tpu.memory_space<vmem_shared>>)
        } else {
        }
        %mul3A_448 = arith.constant 160 : i32
        %mul3A_449 = arith.muli %arg1, %mul3A_448 : i32
        %add3A_450 = arith.addi %mul3A_449, %add3A_301 : i32
        %dma_start3A_451 = arith.constant 3 : i32
        %dma_start3A_452 = arith.constant 0 : i32
        %dma_start3A_453 = arith.constant 0 : i32
        %dma_start3A_454 = tpu.memref_slice %arg9[%dma_start3A_451, %dma_start3A_452, %dma_start3A_453] : memref<4x125x16xf32, #tpu.memory_space<vmem>> -> memref<1x125x16xf32, #tpu.memory_space<vmem>>
        %dma_start3A_455 = tpu.memref_squeeze %dma_start3A_454 : memref<1x125x16xf32, #tpu.memory_space<vmem>> -> memref<125x16xf32, #tpu.memory_space<vmem>>
        %dma_start3A_456 = arith.constant 0 : i32
        %dma_start3A_457 = arith.constant 0 : i32
        %dma_start3A_458 = tpu.memref_slice %arg5[%add3A_450, %dma_start3A_456, %dma_start3A_457] : memref<2560x125x16xf32, #tpu.memory_space<hbm>> -> memref<1x125x16xf32, #tpu.memory_space<hbm>>
        %dma_start3A_459 = tpu.memref_squeeze %dma_start3A_458 : memref<1x125x16xf32, #tpu.memory_space<hbm>> -> memref<125x16xf32, #tpu.memory_space<hbm>>
        %dma_start3A_460 = arith.constant 0 : i32
        %dma_start3A_461 = arith.constant 0 : i32
        %dma_start3A_462 = tpu.memref_slice %arg9[%dma_start3A_451, %dma_start3A_460, %dma_start3A_461] : memref<4x125x16xf32, #tpu.memory_space<vmem>> -> memref<1x125x16xf32, #tpu.memory_space<vmem>>
        %dma_start3A_463 = tpu.memref_squeeze %dma_start3A_462 : memref<1x125x16xf32, #tpu.memory_space<vmem>> -> memref<125x16xf32, #tpu.memory_space<vmem>>
        %dma_start3A_464 = arith.constant 0 : i32
        %dma_start3A_465 = arith.constant 0 : i32
        %dma_start3A_466 = tpu.memref_slice %arg5[%add3A_450, %dma_start3A_464, %dma_start3A_465] : memref<2560x125x16xf32, #tpu.memory_space<hbm>> -> memref<1x125x16xf32, #tpu.memory_space<hbm>>
        %dma_start3A_467 = tpu.memref_squeeze %dma_start3A_466 : memref<1x125x16xf32, #tpu.memory_space<hbm>> -> memref<125x16xf32, #tpu.memory_space<hbm>>
        tpu.enqueue_dma source(%dma_start3A_467 : memref<125x16xf32, #tpu.memory_space<hbm>>) target(%dma_start3A_463 : memref<125x16xf32, #tpu.memory_space<vmem>>) target_semaphore(%arg16 : memref<!tpu.dma_semaphore, #tpu.memory_space<semaphore_mem>>)
        %dma_start3A_468 = arith.constant 3 : i32
        %dma_start3A_469 = arith.constant 0 : i32
        %dma_start3A_470 = arith.constant 0 : i32
        %dma_start3A_471 = tpu.memref_slice %arg10[%dma_start3A_468, %dma_start3A_469, %dma_start3A_470] : memref<4x125x64xf32, #tpu.memory_space<vmem>> -> memref<1x125x64xf32, #tpu.memory_space<vmem>>
        %dma_start3A_472 = tpu.memref_squeeze %dma_start3A_471 : memref<1x125x64xf32, #tpu.memory_space<vmem>> -> memref<125x64xf32, #tpu.memory_space<vmem>>
        %dma_start3A_473 = arith.constant 0 : i32
        %dma_start3A_474 = tpu.memref_slice %arg7[%add3A_301, %dma_start3A_473] : memref<160x125xi32, #tpu.memory_space<vmem>> -> memref<1x125xi32, #tpu.memory_space<vmem>>
        %dma_start3A_475 = tpu.memref_squeeze %dma_start3A_474 : memref<1x125xi32, #tpu.memory_space<vmem>> -> memref<125xi32, #tpu.memory_space<vmem>>
        %dma_start3A_476 = arith.constant 0 : i32
        %dma_start3A_477 = arith.constant 0 : i32
        %dma_start3A_478 = tpu.memref_slice %arg2[%arg0, %dma_start3A_476, %dma_start3A_477] : memref<2x10240x64xf32, #tpu.memory_space<hbm>> -> memref<1x10240x64xf32, #tpu.memory_space<hbm>>
        %dma_start3A_479 = tpu.memref_squeeze %dma_start3A_478 : memref<1x10240x64xf32, #tpu.memory_space<hbm>> -> memref<10240x64xf32, #tpu.memory_space<hbm>>
        %dma_start3A_480 = arith.constant 0 : i32
        %dma_start3A_481 = arith.constant 0 : i32
        %dma_start3A_482 = tpu.memref_slice %dma_start3A_479[%dma_start3A_480, %dma_start3A_481] : memref<10240x64xf32, #tpu.memory_space<hbm>> -> memref<10240x64xf32, #tpu.memory_space<hbm>>
        tpu.enqueue_indirect_dma source(%dma_start3A_482 : memref<10240x64xf32, #tpu.memory_space<hbm>>) target(%dma_start3A_472 : memref<125x64xf32, #tpu.memory_space<vmem>>) offsets(%dma_start3A_475 : memref<125xi32, #tpu.memory_space<vmem>>) semaphore(%arg16 : memref<!tpu.dma_semaphore, #tpu.memory_space<semaphore_mem>>)
      } else {
      }
      %add3A_307 = arith.constant 2 : i32
      %add3A_308 = arith.addi %mul3A_173, %add3A_307 : i32
      %dma_wait3A_309 = arith.constant 0 : i32
      %dma_wait3A_310 = arith.constant 2 : i32
      %dma_wait3A_311 = arith.constant 0 : i32
      %dma_wait3A_312 = arith.constant 0 : i32
      %dma_wait3A_313 = tpu.memref_slice %arg9[%dma_wait3A_310, %dma_wait3A_311, %dma_wait3A_312] : memref<4x125x16xf32, #tpu.memory_space<vmem>> -> memref<1x125x16xf32, #tpu.memory_space<vmem>>
      %dma_wait3A_314 = tpu.memref_squeeze %dma_wait3A_313 : memref<1x125x16xf32, #tpu.memory_space<vmem>> -> memref<125x16xf32, #tpu.memory_space<vmem>>
      %dma_wait3A_315 = arith.constant 0 : i32
      %dma_wait3A_316 = arith.constant 0 : i32
      %dma_wait3A_317 = tpu.memref_slice %arg5[%dma_wait3A_309, %dma_wait3A_315, %dma_wait3A_316] : memref<2560x125x16xf32, #tpu.memory_space<hbm>> -> memref<1x125x16xf32, #tpu.memory_space<hbm>>
      %dma_wait3A_318 = tpu.memref_squeeze %dma_wait3A_317 : memref<1x125x16xf32, #tpu.memory_space<hbm>> -> memref<125x16xf32, #tpu.memory_space<hbm>>
      %dma_wait3A_319 = arith.constant 0 : i32
      %dma_wait3A_320 = arith.constant 0 : i32
      %dma_wait3A_321 = tpu.memref_slice %arg9[%dma_wait3A_310, %dma_wait3A_319, %dma_wait3A_320] : memref<4x125x16xf32, #tpu.memory_space<vmem>> -> memref<1x125x16xf32, #tpu.memory_space<vmem>>
      %dma_wait3A_322 = tpu.memref_squeeze %dma_wait3A_321 : memref<1x125x16xf32, #tpu.memory_space<vmem>> -> memref<125x16xf32, #tpu.memory_space<vmem>>
      %dma_wait3A_323 = arith.constant 0 : i32
      %dma_wait3A_324 = arith.constant 0 : i32
      %dma_wait3A_325 = tpu.memref_slice %arg5[%dma_wait3A_309, %dma_wait3A_323, %dma_wait3A_324] : memref<2560x125x16xf32, #tpu.memory_space<hbm>> -> memref<1x125x16xf32, #tpu.memory_space<hbm>>
      %dma_wait3A_326 = tpu.memref_squeeze %dma_wait3A_325 : memref<1x125x16xf32, #tpu.memory_space<hbm>> -> memref<125x16xf32, #tpu.memory_space<hbm>>
      tpu.wait_dma2 semaphore(%arg15 : memref<!tpu.dma_semaphore, #tpu.memory_space<semaphore_mem>>) src(%dma_wait3A_326 : memref<125x16xf32, #tpu.memory_space<hbm>>) dst(%dma_wait3A_322 : memref<125x16xf32, #tpu.memory_space<vmem>>)
      %dma_wait3A_327 = arith.constant 2 : i32
      %dma_wait3A_328 = arith.constant 0 : i32
      %dma_wait3A_329 = arith.constant 0 : i32
      %dma_wait3A_330 = tpu.memref_slice %arg10[%dma_wait3A_327, %dma_wait3A_328, %dma_wait3A_329] : memref<4x125x64xf32, #tpu.memory_space<vmem>> -> memref<1x125x64xf32, #tpu.memory_space<vmem>>
      %dma_wait3A_331 = tpu.memref_squeeze %dma_wait3A_330 : memref<1x125x64xf32, #tpu.memory_space<vmem>> -> memref<125x64xf32, #tpu.memory_space<vmem>>
      %dma_wait3A_332 = arith.constant 0 : i32
      %dma_wait3A_333 = arith.constant 0 : i32
      %dma_wait3A_334 = tpu.memref_slice %arg2[%arg0, %dma_wait3A_332, %dma_wait3A_333] : memref<2x10240x64xf32, #tpu.memory_space<hbm>> -> memref<1x10240x64xf32, #tpu.memory_space<hbm>>
      %dma_wait3A_335 = tpu.memref_squeeze %dma_wait3A_334 : memref<1x10240x64xf32, #tpu.memory_space<hbm>> -> memref<10240x64xf32, #tpu.memory_space<hbm>>
      %dma_wait3A_336 = arith.constant 0 : i32
      %dma_wait3A_337 = arith.constant 0 : i32
      %dma_wait3A_338 = tpu.memref_slice %dma_wait3A_335[%dma_wait3A_336, %dma_wait3A_337] : memref<10240x64xf32, #tpu.memory_space<hbm>> -> memref<125x64xf32, #tpu.memory_space<hbm>>
      %dma_wait3A_339 = arith.constant 0 : i32
      %dma_wait3A_340 = arith.constant 0 : i32
      %dma_wait3A_341 = tpu.memref_slice %arg10[%dma_wait3A_327, %dma_wait3A_339, %dma_wait3A_340] : memref<4x125x64xf32, #tpu.memory_space<vmem>> -> memref<1x125x64xf32, #tpu.memory_space<vmem>>
      %dma_wait3A_342 = tpu.memref_squeeze %dma_wait3A_341 : memref<1x125x64xf32, #tpu.memory_space<vmem>> -> memref<125x64xf32, #tpu.memory_space<vmem>>
      %dma_wait3A_343 = arith.constant 0 : i32
      %dma_wait3A_344 = arith.constant 0 : i32
      %dma_wait3A_345 = tpu.memref_slice %arg2[%arg0, %dma_wait3A_343, %dma_wait3A_344] : memref<2x10240x64xf32, #tpu.memory_space<hbm>> -> memref<1x10240x64xf32, #tpu.memory_space<hbm>>
      %dma_wait3A_346 = tpu.memref_squeeze %dma_wait3A_345 : memref<1x10240x64xf32, #tpu.memory_space<hbm>> -> memref<10240x64xf32, #tpu.memory_space<hbm>>
      %dma_wait3A_347 = arith.constant 0 : i32
      %dma_wait3A_348 = arith.constant 0 : i32
      %dma_wait3A_349 = tpu.memref_slice %dma_wait3A_346[%dma_wait3A_347, %dma_wait3A_348] : memref<10240x64xf32, #tpu.memory_space<hbm>> -> memref<125x64xf32, #tpu.memory_space<hbm>>
      tpu.wait_dma2 semaphore(%arg15 : memref<!tpu.dma_semaphore, #tpu.memory_space<semaphore_mem>>) src(%dma_wait3A_349 : memref<125x64xf32, #tpu.memory_space<hbm>>) dst(%dma_wait3A_342 : memref<125x64xf32, #tpu.memory_space<vmem>>)
      %scan3A_350 = arith.constant 0 : i32
      %scan3A_351 = arith.constant 0 : i32
      %scan3A_352 = arith.constant 125 : i32
      %scan3A_353 = arith.addi %scan3A_351, %scan3A_352 : i32
      %scan3A_354 = arith.constant 5 : i32
      %scan3A_355 = scf.for %scan3A_444 = %scan3A_351 to %scan3A_353 step %scan3A_354 iter_args(%scan3A_445 = %scan3A_350) -> (i32)  : i32 {
        %get3A = arith.constant 2 : i32
        %get3A_446 = arith.index_cast %get3A : i32 to index
        %get3A_447 = arith.index_cast %scan3A_444 : i32 to index
        %get3A_448 = arith.constant 0 : index
        %get3A_449 = tpu.vector_load %arg9[%get3A_446, %get3A_447, %get3A_448] {strides = array<i32>} : memref<4x125x16xf32, #tpu.memory_space<vmem>>, vector<1x1x16xf32>,
        %get3A_450 = vector.shape_cast %get3A_449 : vector<1x1x16xf32> to vector<16xf32>
        %get3A_451 = arith.constant 2 : i32
        %get3A_452 = arith.index_cast %get3A_451 : i32 to index
        %get3A_453 = arith.index_cast %scan3A_444 : i32 to index
        %get3A_454 = arith.constant 0 : index
        %get3A_455 = tpu.vector_load %arg10[%get3A_452, %get3A_453, %get3A_454] {strides = array<i32>} : memref<4x125x64xf32, #tpu.memory_space<vmem>>, vector<1x1x16xf32>,
        %get3A_456 = vector.shape_cast %get3A_455 : vector<1x1x16xf32> to vector<16xf32>
        %mul3A_457 = arith.mulf %get3A_456, %get3A_450 : vector<16xf32>
        %swap3A = arith.constant 2 : i32
        %swap3A_458 = arith.index_cast %swap3A : i32 to index
        %swap3A_459 = arith.index_cast %scan3A_444 : i32 to index
        %swap3A_460 = arith.constant 0 : index
        %swap3A_461 = tpu.vector_load %arg10[%swap3A_458, %swap3A_459, %swap3A_460] {strides = array<i32>} : memref<4x125x64xf32, #tpu.memory_space<vmem>>, vector<1x1x16xf32>,
        %swap3A_462 = vector.shape_cast %swap3A_461 : vector<1x1x16xf32> to vector<16xf32>
        %swap3A_463 = vector.shape_cast %mul3A_457 : vector<16xf32> to vector<1x1x16xf32>
        tpu.vector_store %arg10[%swap3A_458, %swap3A_459, %swap3A_460], %swap3A_463 {strides = array<i32>} : memref<4x125x64xf32, #tpu.memory_space<vmem>>, vector<1x1x16xf32>,
        %get3A_464 = arith.constant 2 : i32
        %get3A_465 = arith.index_cast %get3A_464 : i32 to index
        %get3A_466 = arith.index_cast %scan3A_444 : i32 to index
        %get3A_467 = arith.constant 16 : index
        %get3A_468 = tpu.vector_load %arg10[%get3A_465, %get3A_466, %get3A_467] {strides = array<i32>} : memref<4x125x64xf32, #tpu.memory_space<vmem>>, vector<1x1x16xf32>,
        %get3A_469 = vector.shape_cast %get3A_468 : vector<1x1x16xf32> to vector<16xf32>
        %mul3A_470 = arith.mulf %get3A_469, %get3A_450 : vector<16xf32>
        %swap3A_471 = arith.constant 2 : i32
        %swap3A_472 = arith.index_cast %swap3A_471 : i32 to index
        %swap3A_473 = arith.index_cast %scan3A_444 : i32 to index
        %swap3A_474 = arith.constant 16 : index
        %swap3A_475 = tpu.vector_load %arg10[%swap3A_472, %swap3A_473, %swap3A_474] {strides = array<i32>} : memref<4x125x64xf32, #tpu.memory_space<vmem>>, vector<1x1x16xf32>,
        %swap3A_476 = vector.shape_cast %swap3A_475 : vector<1x1x16xf32> to vector<16xf32>
        %swap3A_477 = vector.shape_cast %mul3A_470 : vector<16xf32> to vector<1x1x16xf32>
        tpu.vector_store %arg10[%swap3A_472, %swap3A_473, %swap3A_474], %swap3A_477 {strides = array<i32>} : memref<4x125x64xf32, #tpu.memory_space<vmem>>, vector<1x1x16xf32>,
        %get3A_478 = arith.constant 2 : i32
        %get3A_479 = arith.index_cast %get3A_478 : i32 to index
        %get3A_480 = arith.index_cast %scan3A_444 : i32 to index
        %get3A_481 = arith.constant 32 : index
        %get3A_482 = tpu.vector_load %arg10[%get3A_479, %get3A_480, %get3A_481] {strides = array<i32>} : memref<4x125x64xf32, #tpu.memory_space<vmem>>, vector<1x1x16xf32>,
        %get3A_483 = vector.shape_cast %get3A_482 : vector<1x1x16xf32> to vector<16xf32>
        %mul3A_484 = arith.mulf %get3A_483, %get3A_450 : vector<16xf32>
        %swap3A_485 = arith.constant 2 : i32
        %swap3A_486 = arith.index_cast %swap3A_485 : i32 to index
        %swap3A_487 = arith.index_cast %scan3A_444 : i32 to index
        %swap3A_488 = arith.constant 32 : index
        %swap3A_489 = tpu.vector_load %arg10[%swap3A_486, %swap3A_487, %swap3A_488] {strides = array<i32>} : memref<4x125x64xf32, #tpu.memory_space<vmem>>, vector<1x1x16xf32>,
        %swap3A_490 = vector.shape_cast %swap3A_489 : vector<1x1x16xf32> to vector<16xf32>
        %swap3A_491 = vector.shape_cast %mul3A_484 : vector<16xf32> to vector<1x1x16xf32>
        tpu.vector_store %arg10[%swap3A_486, %swap3A_487, %swap3A_488], %swap3A_491 {strides = array<i32>} : memref<4x125x64xf32, #tpu.memory_space<vmem>>, vector<1x1x16xf32>,
        %get3A_492 = arith.constant 2 : i32
        %get3A_493 = arith.index_cast %get3A_492 : i32 to index
        %get3A_494 = arith.index_cast %scan3A_444 : i32 to index
        %get3A_495 = arith.constant 48 : index
        %get3A_496 = tpu.vector_load %arg10[%get3A_493, %get3A_494, %get3A_495] {strides = array<i32>} : memref<4x125x64xf32, #tpu.memory_space<vmem>>, vector<1x1x16xf32>,
        %get3A_497 = vector.shape_cast %get3A_496 : vector<1x1x16xf32> to vector<16xf32>
        %mul3A_498 = arith.mulf %get3A_497, %get3A_450 : vector<16xf32>
        %swap3A_499 = arith.constant 2 : i32
        %swap3A_500 = arith.index_cast %swap3A_499 : i32 to index
        %swap3A_501 = arith.index_cast %scan3A_444 : i32 to index
        %swap3A_502 = arith.constant 48 : index
        %swap3A_503 = tpu.vector_load %arg10[%swap3A_500, %swap3A_501, %swap3A_502] {strides = array<i32>} : memref<4x125x64xf32, #tpu.memory_space<vmem>>, vector<1x1x16xf32>,
        %swap3A_504 = vector.shape_cast %swap3A_503 : vector<1x1x16xf32> to vector<16xf32>
        %swap3A_505 = vector.shape_cast %mul3A_498 : vector<16xf32> to vector<1x1x16xf32>
        tpu.vector_store %arg10[%swap3A_500, %swap3A_501, %swap3A_502], %swap3A_505 {strides = array<i32>} : memref<4x125x64xf32, #tpu.memory_space<vmem>>, vector<1x1x16xf32>,
        %scan3A_506 = arith.constant 0 : i32
        %scan3A_507 = arith.constant 1 : i32
        %scan3A_508 = arith.addi %scan3A_444, %scan3A_507 : i32
        %get3A_509 = arith.constant 2 : i32
        %get3A_510 = arith.index_cast %get3A_509 : i32 to index
        %get3A_511 = arith.index_cast %scan3A_508 : i32 to index
        %get3A_512 = arith.constant 0 : index
        %get3A_513 = tpu.vector_load %arg9[%get3A_510, %get3A_511, %get3A_512] {strides = array<i32>} : memref<4x125x16xf32, #tpu.memory_space<vmem>>, vector<1x1x16xf32>,
        %get3A_514 = vector.shape_cast %get3A_513 : vector<1x1x16xf32> to vector<16xf32>
        %get3A_515 = arith.constant 2 : i32
        %get3A_516 = arith.index_cast %get3A_515 : i32 to index
        %get3A_517 = arith.index_cast %scan3A_508 : i32 to index
        %get3A_518 = arith.constant 0 : index
        %get3A_519 = tpu.vector_load %arg10[%get3A_516, %get3A_517, %get3A_518] {strides = array<i32>} : memref<4x125x64xf32, #tpu.memory_space<vmem>>, vector<1x1x16xf32>,
        %get3A_520 = vector.shape_cast %get3A_519 : vector<1x1x16xf32> to vector<16xf32>
        %mul3A_521 = arith.mulf %get3A_520, %get3A_514 : vector<16xf32>
        %swap3A_522 = arith.constant 2 : i32
        %swap3A_523 = arith.index_cast %swap3A_522 : i32 to index
        %swap3A_524 = arith.index_cast %scan3A_508 : i32 to index
        %swap3A_525 = arith.constant 0 : index
        %swap3A_526 = tpu.vector_load %arg10[%swap3A_523, %swap3A_524, %swap3A_525] {strides = array<i32>} : memref<4x125x64xf32, #tpu.memory_space<vmem>>, vector<1x1x16xf32>,
        %swap3A_527 = vector.shape_cast %swap3A_526 : vector<1x1x16xf32> to vector<16xf32>
        %swap3A_528 = vector.shape_cast %mul3A_521 : vector<16xf32> to vector<1x1x16xf32>
        tpu.vector_store %arg10[%swap3A_523, %swap3A_524, %swap3A_525], %swap3A_528 {strides = array<i32>} : memref<4x125x64xf32, #tpu.memory_space<vmem>>, vector<1x1x16xf32>,
        %get3A_529 = arith.constant 2 : i32
        %get3A_530 = arith.index_cast %get3A_529 : i32 to index
        %get3A_531 = arith.index_cast %scan3A_508 : i32 to index
        %get3A_532 = arith.constant 16 : index
        %get3A_533 = tpu.vector_load %arg10[%get3A_530, %get3A_531, %get3A_532] {strides = array<i32>} : memref<4x125x64xf32, #tpu.memory_space<vmem>>, vector<1x1x16xf32>,
        %get3A_534 = vector.shape_cast %get3A_533 : vector<1x1x16xf32> to vector<16xf32>
        %mul3A_535 = arith.mulf %get3A_534, %get3A_514 : vector<16xf32>
        %swap3A_536 = arith.constant 2 : i32
        %swap3A_537 = arith.index_cast %swap3A_536 : i32 to index
        %swap3A_538 = arith.index_cast %scan3A_508 : i32 to index
        %swap3A_539 = arith.constant 16 : index
        %swap3A_540 = tpu.vector_load %arg10[%swap3A_537, %swap3A_538, %swap3A_539] {strides = array<i32>} : memref<4x125x64xf32, #tpu.memory_space<vmem>>, vector<1x1x16xf32>,
        %swap3A_541 = vector.shape_cast %swap3A_540 : vector<1x1x16xf32> to vector<16xf32>
        %swap3A_542 = vector.shape_cast %mul3A_535 : vector<16xf32> to vector<1x1x16xf32>
        tpu.vector_store %arg10[%swap3A_537, %swap3A_538, %swap3A_539], %swap3A_542 {strides = array<i32>} : memref<4x125x64xf32, #tpu.memory_space<vmem>>, vector<1x1x16xf32>,
        %get3A_543 = arith.constant 2 : i32
        %get3A_544 = arith.index_cast %get3A_543 : i32 to index
        %get3A_545 = arith.index_cast %scan3A_508 : i32 to index
        %get3A_546 = arith.constant 32 : index
        %get3A_547 = tpu.vector_load %arg10[%get3A_544, %get3A_545, %get3A_546] {strides = array<i32>} : memref<4x125x64xf32, #tpu.memory_space<vmem>>, vector<1x1x16xf32>,
        %get3A_548 = vector.shape_cast %get3A_547 : vector<1x1x16xf32> to vector<16xf32>
        %mul3A_549 = arith.mulf %get3A_548, %get3A_514 : vector<16xf32>
        %swap3A_550 = arith.constant 2 : i32
        %swap3A_551 = arith.index_cast %swap3A_550 : i32 to index
        %swap3A_552 = arith.index_cast %scan3A_508 : i32 to index
        %swap3A_553 = arith.constant 32 : index
        %swap3A_554 = tpu.vector_load %arg10[%swap3A_551, %swap3A_552, %swap3A_553] {strides = array<i32>} : memref<4x125x64xf32, #tpu.memory_space<vmem>>, vector<1x1x16xf32>,
        %swap3A_555 = vector.shape_cast %swap3A_554 : vector<1x1x16xf32> to vector<16xf32>
        %swap3A_556 = vector.shape_cast %mul3A_549 : vector<16xf32> to vector<1x1x16xf32>
        tpu.vector_store %arg10[%swap3A_551, %swap3A_552, %swap3A_553], %swap3A_556 {strides = array<i32>} : memref<4x125x64xf32, #tpu.memory_space<vmem>>, vector<1x1x16xf32>,
        %get3A_557 = arith.constant 2 : i32
        %get3A_558 = arith.index_cast %get3A_557 : i32 to index
        %get3A_559 = arith.index_cast %scan3A_508 : i32 to index
        %get3A_560 = arith.constant 48 : index
        %get3A_561 = tpu.vector_load %arg10[%get3A_558, %get3A_559, %get3A_560] {strides = array<i32>} : memref<4x125x64xf32, #tpu.memory_space<vmem>>, vector<1x1x16xf32>,
        %get3A_562 = vector.shape_cast %get3A_561 : vector<1x1x16xf32> to vector<16xf32>
        %mul3A_563 = arith.mulf %get3A_562, %get3A_514 : vector<16xf32>
        %swap3A_564 = arith.constant 2 : i32
        %swap3A_565 = arith.index_cast %swap3A_564 : i32 to index
        %swap3A_566 = arith.index_cast %scan3A_508 : i32 to index
        %swap3A_567 = arith.constant 48 : index
        %swap3A_568 = tpu.vector_load %arg10[%swap3A_565, %swap3A_566, %swap3A_567] {strides = array<i32>} : memref<4x125x64xf32, #tpu.memory_space<vmem>>, vector<1x1x16xf32>,
        %swap3A_569 = vector.shape_cast %swap3A_568 : vector<1x1x16xf32> to vector<16xf32>
        %swap3A_570 = vector.shape_cast %mul3A_563 : vector<16xf32> to vector<1x1x16xf32>
        tpu.vector_store %arg10[%swap3A_565, %swap3A_566, %swap3A_567], %swap3A_570 {strides = array<i32>} : memref<4x125x64xf32, #tpu.memory_space<vmem>>, vector<1x1x16xf32>,
        %scan3A_571 = arith.constant 0 : i32
        %scan3A_572 = arith.constant 2 : i32
        %scan3A_573 = arith.addi %scan3A_444, %scan3A_572 : i32
        %get3A_574 = arith.constant 2 : i32
        %get3A_575 = arith.index_cast %get3A_574 : i32 to index
        %get3A_576 = arith.index_cast %scan3A_573 : i32 to index
        %get3A_577 = arith.constant 0 : index
        %get3A_578 = tpu.vector_load %arg9[%get3A_575, %get3A_576, %get3A_577] {strides = array<i32>} : memref<4x125x16xf32, #tpu.memory_space<vmem>>, vector<1x1x16xf32>,
        %get3A_579 = vector.shape_cast %get3A_578 : vector<1x1x16xf32> to vector<16xf32>
        %get3A_580 = arith.constant 2 : i32
        %get3A_581 = arith.index_cast %get3A_580 : i32 to index
        %get3A_582 = arith.index_cast %scan3A_573 : i32 to index
        %get3A_583 = arith.constant 0 : index
        %get3A_584 = tpu.vector_load %arg10[%get3A_581, %get3A_582, %get3A_583] {strides = array<i32>} : memref<4x125x64xf32, #tpu.memory_space<vmem>>, vector<1x1x16xf32>,
        %get3A_585 = vector.shape_cast %get3A_584 : vector<1x1x16xf32> to vector<16xf32>
        %mul3A_586 = arith.mulf %get3A_585, %get3A_579 : vector<16xf32>
        %swap3A_587 = arith.constant 2 : i32
        %swap3A_588 = arith.index_cast %swap3A_587 : i32 to index
        %swap3A_589 = arith.index_cast %scan3A_573 : i32 to index
        %swap3A_590 = arith.constant 0 : index
        %swap3A_591 = tpu.vector_load %arg10[%swap3A_588, %swap3A_589, %swap3A_590] {strides = array<i32>} : memref<4x125x64xf32, #tpu.memory_space<vmem>>, vector<1x1x16xf32>,
        %swap3A_592 = vector.shape_cast %swap3A_591 : vector<1x1x16xf32> to vector<16xf32>
        %swap3A_593 = vector.shape_cast %mul3A_586 : vector<16xf32> to vector<1x1x16xf32>
        tpu.vector_store %arg10[%swap3A_588, %swap3A_589, %swap3A_590], %swap3A_593 {strides = array<i32>} : memref<4x125x64xf32, #tpu.memory_space<vmem>>, vector<1x1x16xf32>,
        %get3A_594 = arith.constant 2 : i32
        %get3A_595 = arith.index_cast %get3A_594 : i32 to index
        %get3A_596 = arith.index_cast %scan3A_573 : i32 to index
        %get3A_597 = arith.constant 16 : index
        %get3A_598 = tpu.vector_load %arg10[%get3A_595, %get3A_596, %get3A_597] {strides = array<i32>} : memref<4x125x64xf32, #tpu.memory_space<vmem>>, vector<1x1x16xf32>,
        %get3A_599 = vector.shape_cast %get3A_598 : vector<1x1x16xf32> to vector<16xf32>
        %mul3A_600 = arith.mulf %get3A_599, %get3A_579 : vector<16xf32>
        %swap3A_601 = arith.constant 2 : i32
        %swap3A_602 = arith.index_cast %swap3A_601 : i32 to index
        %swap3A_603 = arith.index_cast %scan3A_573 : i32 to index
        %swap3A_604 = arith.constant 16 : index
        %swap3A_605 = tpu.vector_load %arg10[%swap3A_602, %swap3A_603, %swap3A_604] {strides = array<i32>} : memref<4x125x64xf32, #tpu.memory_space<vmem>>, vector<1x1x16xf32>,
        %swap3A_606 = vector.shape_cast %swap3A_605 : vector<1x1x16xf32> to vector<16xf32>
        %swap3A_607 = vector.shape_cast %mul3A_600 : vector<16xf32> to vector<1x1x16xf32>
        tpu.vector_store %arg10[%swap3A_602, %swap3A_603, %swap3A_604], %swap3A_607 {strides = array<i32>} : memref<4x125x64xf32, #tpu.memory_space<vmem>>, vector<1x1x16xf32>,
        %get3A_608 = arith.constant 2 : i32
        %get3A_609 = arith.index_cast %get3A_608 : i32 to index
        %get3A_610 = arith.index_cast %scan3A_573 : i32 to index
        %get3A_611 = arith.constant 32 : index
        %get3A_612 = tpu.vector_load %arg10[%get3A_609, %get3A_610, %get3A_611] {strides = array<i32>} : memref<4x125x64xf32, #tpu.memory_space<vmem>>, vector<1x1x16xf32>,
        %get3A_613 = vector.shape_cast %get3A_612 : vector<1x1x16xf32> to vector<16xf32>
        %mul3A_614 = arith.mulf %get3A_613, %get3A_579 : vector<16xf32>
        %swap3A_615 = arith.constant 2 : i32
        %swap3A_616 = arith.index_cast %swap3A_615 : i32 to index
        %swap3A_617 = arith.index_cast %scan3A_573 : i32 to index
        %swap3A_618 = arith.constant 32 : index
        %swap3A_619 = tpu.vector_load %arg10[%swap3A_616, %swap3A_617, %swap3A_618] {strides = array<i32>} : memref<4x125x64xf32, #tpu.memory_space<vmem>>, vector<1x1x16xf32>,
        %swap3A_620 = vector.shape_cast %swap3A_619 : vector<1x1x16xf32> to vector<16xf32>
        %swap3A_621 = vector.shape_cast %mul3A_614 : vector<16xf32> to vector<1x1x16xf32>
        tpu.vector_store %arg10[%swap3A_616, %swap3A_617, %swap3A_618], %swap3A_621 {strides = array<i32>} : memref<4x125x64xf32, #tpu.memory_space<vmem>>, vector<1x1x16xf32>,
        %get3A_622 = arith.constant 2 : i32
        %get3A_623 = arith.index_cast %get3A_622 : i32 to index
        %get3A_624 = arith.index_cast %scan3A_573 : i32 to index
        %get3A_625 = arith.constant 48 : index
        %get3A_626 = tpu.vector_load %arg10[%get3A_623, %get3A_624, %get3A_625] {strides = array<i32>} : memref<4x125x64xf32, #tpu.memory_space<vmem>>, vector<1x1x16xf32>,
        %get3A_627 = vector.shape_cast %get3A_626 : vector<1x1x16xf32> to vector<16xf32>
        %mul3A_628 = arith.mulf %get3A_627, %get3A_579 : vector<16xf32>
        %swap3A_629 = arith.constant 2 : i32
        %swap3A_630 = arith.index_cast %swap3A_629 : i32 to index
        %swap3A_631 = arith.index_cast %scan3A_573 : i32 to index
        %swap3A_632 = arith.constant 48 : index
        %swap3A_633 = tpu.vector_load %arg10[%swap3A_630, %swap3A_631, %swap3A_632] {strides = array<i32>} : memref<4x125x64xf32, #tpu.memory_space<vmem>>, vector<1x1x16xf32>,
        %swap3A_634 = vector.shape_cast %swap3A_633 : vector<1x1x16xf32> to vector<16xf32>
        %swap3A_635 = vector.shape_cast %mul3A_628 : vector<16xf32> to vector<1x1x16xf32>
        tpu.vector_store %arg10[%swap3A_630, %swap3A_631, %swap3A_632], %swap3A_635 {strides = array<i32>} : memref<4x125x64xf32, #tpu.memory_space<vmem>>, vector<1x1x16xf32>,
        %scan3A_636 = arith.constant 0 : i32
        %scan3A_637 = arith.constant 3 : i32
        %scan3A_638 = arith.addi %scan3A_444, %scan3A_637 : i32
        %get3A_639 = arith.constant 2 : i32
        %get3A_640 = arith.index_cast %get3A_639 : i32 to index
        %get3A_641 = arith.index_cast %scan3A_638 : i32 to index
        %get3A_642 = arith.constant 0 : index
        %get3A_643 = tpu.vector_load %arg9[%get3A_640, %get3A_641, %get3A_642] {strides = array<i32>} : memref<4x125x16xf32, #tpu.memory_space<vmem>>, vector<1x1x16xf32>,
        %get3A_644 = vector.shape_cast %get3A_643 : vector<1x1x16xf32> to vector<16xf32>
        %get3A_645 = arith.constant 2 : i32
        %get3A_646 = arith.index_cast %get3A_645 : i32 to index
        %get3A_647 = arith.index_cast %scan3A_638 : i32 to index
        %get3A_648 = arith.constant 0 : index
        %get3A_649 = tpu.vector_load %arg10[%get3A_646, %get3A_647, %get3A_648] {strides = array<i32>} : memref<4x125x64xf32, #tpu.memory_space<vmem>>, vector<1x1x16xf32>,
        %get3A_650 = vector.shape_cast %get3A_649 : vector<1x1x16xf32> to vector<16xf32>
        %mul3A_651 = arith.mulf %get3A_650, %get3A_644 : vector<16xf32>
        %swap3A_652 = arith.constant 2 : i32
        %swap3A_653 = arith.index_cast %swap3A_652 : i32 to index
        %swap3A_654 = arith.index_cast %scan3A_638 : i32 to index
        %swap3A_655 = arith.constant 0 : index
        %swap3A_656 = tpu.vector_load %arg10[%swap3A_653, %swap3A_654, %swap3A_655] {strides = array<i32>} : memref<4x125x64xf32, #tpu.memory_space<vmem>>, vector<1x1x16xf32>,
        %swap3A_657 = vector.shape_cast %swap3A_656 : vector<1x1x16xf32> to vector<16xf32>
        %swap3A_658 = vector.shape_cast %mul3A_651 : vector<16xf32> to vector<1x1x16xf32>
        tpu.vector_store %arg10[%swap3A_653, %swap3A_654, %swap3A_655], %swap3A_658 {strides = array<i32>} : memref<4x125x64xf32, #tpu.memory_space<vmem>>, vector<1x1x16xf32>,
        %get3A_659 = arith.constant 2 : i32
        %get3A_660 = arith.index_cast %get3A_659 : i32 to index
        %get3A_661 = arith.index_cast %scan3A_638 : i32 to index
        %get3A_662 = arith.constant 16 : index
        %get3A_663 = tpu.vector_load %arg10[%get3A_660, %get3A_661, %get3A_662] {strides = array<i32>} : memref<4x125x64xf32, #tpu.memory_space<vmem>>, vector<1x1x16xf32>,
        %get3A_664 = vector.shape_cast %get3A_663 : vector<1x1x16xf32> to vector<16xf32>
        %mul3A_665 = arith.mulf %get3A_664, %get3A_644 : vector<16xf32>
        %swap3A_666 = arith.constant 2 : i32
        %swap3A_667 = arith.index_cast %swap3A_666 : i32 to index
        %swap3A_668 = arith.index_cast %scan3A_638 : i32 to index
        %swap3A_669 = arith.constant 16 : index
        %swap3A_670 = tpu.vector_load %arg10[%swap3A_667, %swap3A_668, %swap3A_669] {strides = array<i32>} : memref<4x125x64xf32, #tpu.memory_space<vmem>>, vector<1x1x16xf32>,
        %swap3A_671 = vector.shape_cast %swap3A_670 : vector<1x1x16xf32> to vector<16xf32>
        %swap3A_672 = vector.shape_cast %mul3A_665 : vector<16xf32> to vector<1x1x16xf32>
        tpu.vector_store %arg10[%swap3A_667, %swap3A_668, %swap3A_669], %swap3A_672 {strides = array<i32>} : memref<4x125x64xf32, #tpu.memory_space<vmem>>, vector<1x1x16xf32>,
        %get3A_673 = arith.constant 2 : i32
        %get3A_674 = arith.index_cast %get3A_673 : i32 to index
        %get3A_675 = arith.index_cast %scan3A_638 : i32 to index
        %get3A_676 = arith.constant 32 : index
        %get3A_677 = tpu.vector_load %arg10[%get3A_674, %get3A_675, %get3A_676] {strides = array<i32>} : memref<4x125x64xf32, #tpu.memory_space<vmem>>, vector<1x1x16xf32>,
        %get3A_678 = vector.shape_cast %get3A_677 : vector<1x1x16xf32> to vector<16xf32>
        %mul3A_679 = arith.mulf %get3A_678, %get3A_644 : vector<16xf32>
        %swap3A_680 = arith.constant 2 : i32
        %swap3A_681 = arith.index_cast %swap3A_680 : i32 to index
        %swap3A_682 = arith.index_cast %scan3A_638 : i32 to index
        %swap3A_683 = arith.constant 32 : index
        %swap3A_684 = tpu.vector_load %arg10[%swap3A_681, %swap3A_682, %swap3A_683] {strides = array<i32>} : memref<4x125x64xf32, #tpu.memory_space<vmem>>, vector<1x1x16xf32>,
        %swap3A_685 = vector.shape_cast %swap3A_684 : vector<1x1x16xf32> to vector<16xf32>
        %swap3A_686 = vector.shape_cast %mul3A_679 : vector<16xf32> to vector<1x1x16xf32>
        tpu.vector_store %arg10[%swap3A_681, %swap3A_682, %swap3A_683], %swap3A_686 {strides = array<i32>} : memref<4x125x64xf32, #tpu.memory_space<vmem>>, vector<1x1x16xf32>,
        %get3A_687 = arith.constant 2 : i32
        %get3A_688 = arith.index_cast %get3A_687 : i32 to index
        %get3A_689 = arith.index_cast %scan3A_638 : i32 to index
        %get3A_690 = arith.constant 48 : index
        %get3A_691 = tpu.vector_load %arg10[%get3A_688, %get3A_689, %get3A_690] {strides = array<i32>} : memref<4x125x64xf32, #tpu.memory_space<vmem>>, vector<1x1x16xf32>,
        %get3A_692 = vector.shape_cast %get3A_691 : vector<1x1x16xf32> to vector<16xf32>
        %mul3A_693 = arith.mulf %get3A_692, %get3A_644 : vector<16xf32>
        %swap3A_694 = arith.constant 2 : i32
        %swap3A_695 = arith.index_cast %swap3A_694 : i32 to index
        %swap3A_696 = arith.index_cast %scan3A_638 : i32 to index
        %swap3A_697 = arith.constant 48 : index
        %swap3A_698 = tpu.vector_load %arg10[%swap3A_695, %swap3A_696, %swap3A_697] {strides = array<i32>} : memref<4x125x64xf32, #tpu.memory_space<vmem>>, vector<1x1x16xf32>,
        %swap3A_699 = vector.shape_cast %swap3A_698 : vector<1x1x16xf32> to vector<16xf32>
        %swap3A_700 = vector.shape_cast %mul3A_693 : vector<16xf32> to vector<1x1x16xf32>
        tpu.vector_store %arg10[%swap3A_695, %swap3A_696, %swap3A_697], %swap3A_700 {strides = array<i32>} : memref<4x125x64xf32, #tpu.memory_space<vmem>>, vector<1x1x16xf32>,
        %scan3A_701 = arith.constant 0 : i32
        %scan3A_702 = arith.constant 4 : i32
        %scan3A_703 = arith.addi %scan3A_444, %scan3A_702 : i32
        %get3A_704 = arith.constant 2 : i32
        %get3A_705 = arith.index_cast %get3A_704 : i32 to index
        %get3A_706 = arith.index_cast %scan3A_703 : i32 to index
        %get3A_707 = arith.constant 0 : index
        %get3A_708 = tpu.vector_load %arg9[%get3A_705, %get3A_706, %get3A_707] {strides = array<i32>} : memref<4x125x16xf32, #tpu.memory_space<vmem>>, vector<1x1x16xf32>,
        %get3A_709 = vector.shape_cast %get3A_708 : vector<1x1x16xf32> to vector<16xf32>
        %get3A_710 = arith.constant 2 : i32
        %get3A_711 = arith.index_cast %get3A_710 : i32 to index
        %get3A_712 = arith.index_cast %scan3A_703 : i32 to index
        %get3A_713 = arith.constant 0 : index
        %get3A_714 = tpu.vector_load %arg10[%get3A_711, %get3A_712, %get3A_713] {strides = array<i32>} : memref<4x125x64xf32, #tpu.memory_space<vmem>>, vector<1x1x16xf32>,
        %get3A_715 = vector.shape_cast %get3A_714 : vector<1x1x16xf32> to vector<16xf32>
        %mul3A_716 = arith.mulf %get3A_715, %get3A_709 : vector<16xf32>
        %swap3A_717 = arith.constant 2 : i32
        %swap3A_718 = arith.index_cast %swap3A_717 : i32 to index
        %swap3A_719 = arith.index_cast %scan3A_703 : i32 to index
        %swap3A_720 = arith.constant 0 : index
        %swap3A_721 = tpu.vector_load %arg10[%swap3A_718, %swap3A_719, %swap3A_720] {strides = array<i32>} : memref<4x125x64xf32, #tpu.memory_space<vmem>>, vector<1x1x16xf32>,
        %swap3A_722 = vector.shape_cast %swap3A_721 : vector<1x1x16xf32> to vector<16xf32>
        %swap3A_723 = vector.shape_cast %mul3A_716 : vector<16xf32> to vector<1x1x16xf32>
        tpu.vector_store %arg10[%swap3A_718, %swap3A_719, %swap3A_720], %swap3A_723 {strides = array<i32>} : memref<4x125x64xf32, #tpu.memory_space<vmem>>, vector<1x1x16xf32>,
        %get3A_724 = arith.constant 2 : i32
        %get3A_725 = arith.index_cast %get3A_724 : i32 to index
        %get3A_726 = arith.index_cast %scan3A_703 : i32 to index
        %get3A_727 = arith.constant 16 : index
        %get3A_728 = tpu.vector_load %arg10[%get3A_725, %get3A_726, %get3A_727] {strides = array<i32>} : memref<4x125x64xf32, #tpu.memory_space<vmem>>, vector<1x1x16xf32>,
        %get3A_729 = vector.shape_cast %get3A_728 : vector<1x1x16xf32> to vector<16xf32>
        %mul3A_730 = arith.mulf %get3A_729, %get3A_709 : vector<16xf32>
        %swap3A_731 = arith.constant 2 : i32
        %swap3A_732 = arith.index_cast %swap3A_731 : i32 to index
        %swap3A_733 = arith.index_cast %scan3A_703 : i32 to index
        %swap3A_734 = arith.constant 16 : index
        %swap3A_735 = tpu.vector_load %arg10[%swap3A_732, %swap3A_733, %swap3A_734] {strides = array<i32>} : memref<4x125x64xf32, #tpu.memory_space<vmem>>, vector<1x1x16xf32>,
        %swap3A_736 = vector.shape_cast %swap3A_735 : vector<1x1x16xf32> to vector<16xf32>
        %swap3A_737 = vector.shape_cast %mul3A_730 : vector<16xf32> to vector<1x1x16xf32>
        tpu.vector_store %arg10[%swap3A_732, %swap3A_733, %swap3A_734], %swap3A_737 {strides = array<i32>} : memref<4x125x64xf32, #tpu.memory_space<vmem>>, vector<1x1x16xf32>,
        %get3A_738 = arith.constant 2 : i32
        %get3A_739 = arith.index_cast %get3A_738 : i32 to index
        %get3A_740 = arith.index_cast %scan3A_703 : i32 to index
        %get3A_741 = arith.constant 32 : index
        %get3A_742 = tpu.vector_load %arg10[%get3A_739, %get3A_740, %get3A_741] {strides = array<i32>} : memref<4x125x64xf32, #tpu.memory_space<vmem>>, vector<1x1x16xf32>,
        %get3A_743 = vector.shape_cast %get3A_742 : vector<1x1x16xf32> to vector<16xf32>
        %mul3A_744 = arith.mulf %get3A_743, %get3A_709 : vector<16xf32>
        %swap3A_745 = arith.constant 2 : i32
        %swap3A_746 = arith.index_cast %swap3A_745 : i32 to index
        %swap3A_747 = arith.index_cast %scan3A_703 : i32 to index
        %swap3A_748 = arith.constant 32 : index
        %swap3A_749 = tpu.vector_load %arg10[%swap3A_746, %swap3A_747, %swap3A_748] {strides = array<i32>} : memref<4x125x64xf32, #tpu.memory_space<vmem>>, vector<1x1x16xf32>,
        %swap3A_750 = vector.shape_cast %swap3A_749 : vector<1x1x16xf32> to vector<16xf32>
        %swap3A_751 = vector.shape_cast %mul3A_744 : vector<16xf32> to vector<1x1x16xf32>
        tpu.vector_store %arg10[%swap3A_746, %swap3A_747, %swap3A_748], %swap3A_751 {strides = array<i32>} : memref<4x125x64xf32, #tpu.memory_space<vmem>>, vector<1x1x16xf32>,
        %get3A_752 = arith.constant 2 : i32
        %get3A_753 = arith.index_cast %get3A_752 : i32 to index
        %get3A_754 = arith.index_cast %scan3A_703 : i32 to index
        %get3A_755 = arith.constant 48 : index
        %get3A_756 = tpu.vector_load %arg10[%get3A_753, %get3A_754, %get3A_755] {strides = array<i32>} : memref<4x125x64xf32, #tpu.memory_space<vmem>>, vector<1x1x16xf32>,
        %get3A_757 = vector.shape_cast %get3A_756 : vector<1x1x16xf32> to vector<16xf32>
        %mul3A_758 = arith.mulf %get3A_757, %get3A_709 : vector<16xf32>
        %swap3A_759 = arith.constant 2 : i32
        %swap3A_760 = arith.index_cast %swap3A_759 : i32 to index
        %swap3A_761 = arith.index_cast %scan3A_703 : i32 to index
        %swap3A_762 = arith.constant 48 : index
        %swap3A_763 = tpu.vector_load %arg10[%swap3A_760, %swap3A_761, %swap3A_762] {strides = array<i32>} : memref<4x125x64xf32, #tpu.memory_space<vmem>>, vector<1x1x16xf32>,
        %swap3A_764 = vector.shape_cast %swap3A_763 : vector<1x1x16xf32> to vector<16xf32>
        %swap3A_765 = vector.shape_cast %mul3A_758 : vector<16xf32> to vector<1x1x16xf32>
        tpu.vector_store %arg10[%swap3A_760, %swap3A_761, %swap3A_762], %swap3A_765 {strides = array<i32>} : memref<4x125x64xf32, #tpu.memory_space<vmem>>, vector<1x1x16xf32>,
        %scan3A_766 = arith.constant 0 : i32
        scf.yield %scan3A_766 : i32
      }
      %scan3A_356 = arith.constant 125 : i32
      %dma_start3A_357 = arith.constant 2 : i32
      %dma_start3A_358 = arith.constant 0 : i32
      %dma_start3A_359 = arith.constant 0 : i32
      %dma_start3A_360 = tpu.memref_slice %arg10[%dma_start3A_357, %dma_start3A_358, %dma_start3A_359] : memref<4x125x64xf32, #tpu.memory_space<vmem>> -> memref<1x125x64xf32, #tpu.memory_space<vmem>>
      %dma_start3A_361 = tpu.memref_squeeze %dma_start3A_360 : memref<1x125x64xf32, #tpu.memory_space<vmem>> -> memref<125x64xf32, #tpu.memory_space<vmem>>
      %dma_start3A_362 = arith.constant 0 : i32
      %dma_start3A_363 = tpu.memref_slice %arg8[%add3A_308, %dma_start3A_362] : memref<160x125xi32, #tpu.memory_space<vmem>> -> memref<1x125xi32, #tpu.memory_space<vmem>>
      %dma_start3A_364 = tpu.memref_squeeze %dma_start3A_363 : memref<1x125xi32, #tpu.memory_space<vmem>> -> memref<125xi32, #tpu.memory_space<vmem>>
      %dma_start3A_365 = arith.constant 0 : i32
      %dma_start3A_366 = arith.constant 0 : i32
      %dma_start3A_367 = tpu.memref_slice %arg12[%dma_start3A_365, %dma_start3A_366] : memref<10240x64xf32, #tpu.memory_space<vmem_shared>> -> memref<10240x64xf32, #tpu.memory_space<vmem_shared>>
      tpu.enqueue_indirect_dma source(%dma_start3A_361 : memref<125x64xf32, #tpu.memory_space<vmem>>) target(%dma_start3A_367 : memref<10240x64xf32, #tpu.memory_space<vmem_shared>>) offsets(%dma_start3A_364 : memref<125xi32, #tpu.memory_space<vmem>>) semaphore(%arg19 : memref<!tpu.dma_semaphore, #tpu.memory_space<semaphore_mem>>) {add = true}
      %add3A_368 = arith.constant 2 : i32
      %add3A_369 = arith.addi %add3A_308, %add3A_368 : i32
      %lt3A_370 = arith.constant 160 : i32
      %lt3A_371 = arith.cmpi slt, %add3A_369, %lt3A_370 : i32
      %convert_element_type3A_372 = arith.extui %lt3A_371 : i1 to i32
      %cond3A_373 = arith.constant 0 : i32
      %cond3A_374 = arith.cmpi ne, %convert_element_type3A_372, %cond3A_373 : i32
      scf.if %cond3A_374 {
        %ge3A = arith.constant 4 : i32
        %ge3A_444 = arith.cmpi sge, %add3A_369, %ge3A : i32
        %convert_element_type3A_445 = arith.extui %ge3A_444 : i1 to i32
        %cond3A_446 = arith.constant 0 : i32
        %cond3A_447 = arith.cmpi ne, %convert_element_type3A_445, %cond3A_446 : i32
        scf.if %cond3A_447 {
          %dma_wait3A_483 = arith.constant 0 : i32
          %dma_wait3A_484 = arith.constant 0 : i32
          %dma_wait3A_485 = arith.constant 0 : i32
          %dma_wait3A_486 = tpu.memref_slice %arg10[%dma_wait3A_483, %dma_wait3A_484, %dma_wait3A_485] : memref<4x125x64xf32, #tpu.memory_space<vmem>> -> memref<1x125x64xf32, #tpu.memory_space<vmem>>
          %dma_wait3A_487 = tpu.memref_squeeze %dma_wait3A_486 : memref<1x125x64xf32, #tpu.memory_space<vmem>> -> memref<125x64xf32, #tpu.memory_space<vmem>>
          %dma_wait3A_488 = arith.constant 0 : i32
          %dma_wait3A_489 = arith.constant 0 : i32
          %dma_wait3A_490 = tpu.memref_slice %arg12[%dma_wait3A_488, %dma_wait3A_489] : memref<10240x64xf32, #tpu.memory_space<vmem_shared>> -> memref<125x64xf32, #tpu.memory_space<vmem_shared>>
          %dma_wait3A_491 = arith.constant 0 : i32
          %dma_wait3A_492 = arith.constant 0 : i32
          %dma_wait3A_493 = tpu.memref_slice %arg12[%dma_wait3A_491, %dma_wait3A_492] : memref<10240x64xf32, #tpu.memory_space<vmem_shared>> -> memref<125x64xf32, #tpu.memory_space<vmem_shared>>
          %dma_wait3A_494 = arith.constant 0 : i32
          %dma_wait3A_495 = arith.constant 0 : i32
          %dma_wait3A_496 = tpu.memref_slice %arg10[%dma_wait3A_483, %dma_wait3A_494, %dma_wait3A_495] : memref<4x125x64xf32, #tpu.memory_space<vmem>> -> memref<1x125x64xf32, #tpu.memory_space<vmem>>
          %dma_wait3A_497 = tpu.memref_squeeze %dma_wait3A_496 : memref<1x125x64xf32, #tpu.memory_space<vmem>> -> memref<125x64xf32, #tpu.memory_space<vmem>>
          tpu.wait_dma2 semaphore(%arg17 : memref<!tpu.dma_semaphore, #tpu.memory_space<semaphore_mem>>) src(%dma_wait3A_497 : memref<125x64xf32, #tpu.memory_space<vmem>>) dst(%dma_wait3A_493 : memref<125x64xf32, #tpu.memory_space<vmem_shared>>)
        } else {
        }
        %mul3A_448 = arith.constant 160 : i32
        %mul3A_449 = arith.muli %arg1, %mul3A_448 : i32
        %add3A_450 = arith.addi %mul3A_449, %add3A_369 : i32
        %dma_start3A_451 = arith.constant 0 : i32
        %dma_start3A_452 = arith.constant 0 : i32
        %dma_start3A_453 = arith.constant 0 : i32
        %dma_start3A_454 = tpu.memref_slice %arg9[%dma_start3A_451, %dma_start3A_452, %dma_start3A_453] : memref<4x125x16xf32, #tpu.memory_space<vmem>> -> memref<1x125x16xf32, #tpu.memory_space<vmem>>
        %dma_start3A_455 = tpu.memref_squeeze %dma_start3A_454 : memref<1x125x16xf32, #tpu.memory_space<vmem>> -> memref<125x16xf32, #tpu.memory_space<vmem>>
        %dma_start3A_456 = arith.constant 0 : i32
        %dma_start3A_457 = arith.constant 0 : i32
        %dma_start3A_458 = tpu.memref_slice %arg5[%add3A_450, %dma_start3A_456, %dma_start3A_457] : memref<2560x125x16xf32, #tpu.memory_space<hbm>> -> memref<1x125x16xf32, #tpu.memory_space<hbm>>
        %dma_start3A_459 = tpu.memref_squeeze %dma_start3A_458 : memref<1x125x16xf32, #tpu.memory_space<hbm>> -> memref<125x16xf32, #tpu.memory_space<hbm>>
        %dma_start3A_460 = arith.constant 0 : i32
        %dma_start3A_461 = arith.constant 0 : i32
        %dma_start3A_462 = tpu.memref_slice %arg9[%dma_start3A_451, %dma_start3A_460, %dma_start3A_461] : memref<4x125x16xf32, #tpu.memory_space<vmem>> -> memref<1x125x16xf32, #tpu.memory_space<vmem>>
        %dma_start3A_463 = tpu.memref_squeeze %dma_start3A_462 : memref<1x125x16xf32, #tpu.memory_space<vmem>> -> memref<125x16xf32, #tpu.memory_space<vmem>>
        %dma_start3A_464 = arith.constant 0 : i32
        %dma_start3A_465 = arith.constant 0 : i32
        %dma_start3A_466 = tpu.memref_slice %arg5[%add3A_450, %dma_start3A_464, %dma_start3A_465] : memref<2560x125x16xf32, #tpu.memory_space<hbm>> -> memref<1x125x16xf32, #tpu.memory_space<hbm>>
        %dma_start3A_467 = tpu.memref_squeeze %dma_start3A_466 : memref<1x125x16xf32, #tpu.memory_space<hbm>> -> memref<125x16xf32, #tpu.memory_space<hbm>>
        tpu.enqueue_dma source(%dma_start3A_467 : memref<125x16xf32, #tpu.memory_space<hbm>>) target(%dma_start3A_463 : memref<125x16xf32, #tpu.memory_space<vmem>>) target_semaphore(%arg13 : memref<!tpu.dma_semaphore, #tpu.memory_space<semaphore_mem>>)
        %dma_start3A_468 = arith.constant 0 : i32
        %dma_start3A_469 = arith.constant 0 : i32
        %dma_start3A_470 = arith.constant 0 : i32
        %dma_start3A_471 = tpu.memref_slice %arg10[%dma_start3A_468, %dma_start3A_469, %dma_start3A_470] : memref<4x125x64xf32, #tpu.memory_space<vmem>> -> memref<1x125x64xf32, #tpu.memory_space<vmem>>
        %dma_start3A_472 = tpu.memref_squeeze %dma_start3A_471 : memref<1x125x64xf32, #tpu.memory_space<vmem>> -> memref<125x64xf32, #tpu.memory_space<vmem>>
        %dma_start3A_473 = arith.constant 0 : i32
        %dma_start3A_474 = tpu.memref_slice %arg7[%add3A_369, %dma_start3A_473] : memref<160x125xi32, #tpu.memory_space<vmem>> -> memref<1x125xi32, #tpu.memory_space<vmem>>
        %dma_start3A_475 = tpu.memref_squeeze %dma_start3A_474 : memref<1x125xi32, #tpu.memory_space<vmem>> -> memref<125xi32, #tpu.memory_space<vmem>>
        %dma_start3A_476 = arith.constant 0 : i32
        %dma_start3A_477 = arith.constant 0 : i32
        %dma_start3A_478 = tpu.memref_slice %arg2[%arg0, %dma_start3A_476, %dma_start3A_477] : memref<2x10240x64xf32, #tpu.memory_space<hbm>> -> memref<1x10240x64xf32, #tpu.memory_space<hbm>>
        %dma_start3A_479 = tpu.memref_squeeze %dma_start3A_478 : memref<1x10240x64xf32, #tpu.memory_space<hbm>> -> memref<10240x64xf32, #tpu.memory_space<hbm>>
        %dma_start3A_480 = arith.constant 0 : i32
        %dma_start3A_481 = arith.constant 0 : i32
        %dma_start3A_482 = tpu.memref_slice %dma_start3A_479[%dma_start3A_480, %dma_start3A_481] : memref<10240x64xf32, #tpu.memory_space<hbm>> -> memref<10240x64xf32, #tpu.memory_space<hbm>>
        tpu.enqueue_indirect_dma source(%dma_start3A_482 : memref<10240x64xf32, #tpu.memory_space<hbm>>) target(%dma_start3A_472 : memref<125x64xf32, #tpu.memory_space<vmem>>) offsets(%dma_start3A_475 : memref<125xi32, #tpu.memory_space<vmem>>) semaphore(%arg13 : memref<!tpu.dma_semaphore, #tpu.memory_space<semaphore_mem>>)
      } else {
      }
      %add3A_375 = arith.constant 3 : i32
      %add3A_376 = arith.addi %mul3A_173, %add3A_375 : i32
      %dma_wait3A_377 = arith.constant 0 : i32
      %dma_wait3A_378 = arith.constant 3 : i32
      %dma_wait3A_379 = arith.constant 0 : i32
      %dma_wait3A_380 = arith.constant 0 : i32
      %dma_wait3A_381 = tpu.memref_slice %arg9[%dma_wait3A_378, %dma_wait3A_379, %dma_wait3A_380] : memref<4x125x16xf32, #tpu.memory_space<vmem>> -> memref<1x125x16xf32, #tpu.memory_space<vmem>>
      %dma_wait3A_382 = tpu.memref_squeeze %dma_wait3A_381 : memref<1x125x16xf32, #tpu.memory_space<vmem>> -> memref<125x16xf32, #tpu.memory_space<vmem>>
      %dma_wait3A_383 = arith.constant 0 : i32
      %dma_wait3A_384 = arith.constant 0 : i32
      %dma_wait3A_385 = tpu.memref_slice %arg5[%dma_wait3A_377, %dma_wait3A_383, %dma_wait3A_384] : memref<2560x125x16xf32, #tpu.memory_space<hbm>> -> memref<1x125x16xf32, #tpu.memory_space<hbm>>
      %dma_wait3A_386 = tpu.memref_squeeze %dma_wait3A_385 : memref<1x125x16xf32, #tpu.memory_space<hbm>> -> memref<125x16xf32, #tpu.memory_space<hbm>>
      %dma_wait3A_387 = arith.constant 0 : i32
      %dma_wait3A_388 = arith.constant 0 : i32
      %dma_wait3A_389 = tpu.memref_slice %arg9[%dma_wait3A_378, %dma_wait3A_387, %dma_wait3A_388] : memref<4x125x16xf32, #tpu.memory_space<vmem>> -> memref<1x125x16xf32, #tpu.memory_space<vmem>>
      %dma_wait3A_390 = tpu.memref_squeeze %dma_wait3A_389 : memref<1x125x16xf32, #tpu.memory_space<vmem>> -> memref<125x16xf32, #tpu.memory_space<vmem>>
      %dma_wait3A_391 = arith.constant 0 : i32
      %dma_wait3A_392 = arith.constant 0 : i32
      %dma_wait3A_393 = tpu.memref_slice %arg5[%dma_wait3A_377, %dma_wait3A_391, %dma_wait3A_392] : memref<2560x125x16xf32, #tpu.memory_space<hbm>> -> memref<1x125x16xf32, #tpu.memory_space<hbm>>
      %dma_wait3A_394 = tpu.memref_squeeze %dma_wait3A_393 : memref<1x125x16xf32, #tpu.memory_space<hbm>> -> memref<125x16xf32, #tpu.memory_space<hbm>>
      tpu.wait_dma2 semaphore(%arg16 : memref<!tpu.dma_semaphore, #tpu.memory_space<semaphore_mem>>) src(%dma_wait3A_394 : memref<125x16xf32, #tpu.memory_space<hbm>>) dst(%dma_wait3A_390 : memref<125x16xf32, #tpu.memory_space<vmem>>)
      %dma_wait3A_395 = arith.constant 3 : i32
      %dma_wait3A_396 = arith.constant 0 : i32
      %dma_wait3A_397 = arith.constant 0 : i32
      %dma_wait3A_398 = tpu.memref_slice %arg10[%dma_wait3A_395, %dma_wait3A_396, %dma_wait3A_397] : memref<4x125x64xf32, #tpu.memory_space<vmem>> -> memref<1x125x64xf32, #tpu.memory_space<vmem>>
      %dma_wait3A_399 = tpu.memref_squeeze %dma_wait3A_398 : memref<1x125x64xf32, #tpu.memory_space<vmem>> -> memref<125x64xf32, #tpu.memory_space<vmem>>
      %dma_wait3A_400 = arith.constant 0 : i32
      %dma_wait3A_401 = arith.constant 0 : i32
      %dma_wait3A_402 = tpu.memref_slice %arg2[%arg0, %dma_wait3A_400, %dma_wait3A_401] : memref<2x10240x64xf32, #tpu.memory_space<hbm>> -> memref<1x10240x64xf32, #tpu.memory_space<hbm>>
      %dma_wait3A_403 = tpu.memref_squeeze %dma_wait3A_402 : memref<1x10240x64xf32, #tpu.memory_space<hbm>> -> memref<10240x64xf32, #tpu.memory_space<hbm>>
      %dma_wait3A_404 = arith.constant 0 : i32
      %dma_wait3A_405 = arith.constant 0 : i32
      %dma_wait3A_406 = tpu.memref_slice %dma_wait3A_403[%dma_wait3A_404, %dma_wait3A_405] : memref<10240x64xf32, #tpu.memory_space<hbm>> -> memref<125x64xf32, #tpu.memory_space<hbm>>
      %dma_wait3A_407 = arith.constant 0 : i32
      %dma_wait3A_408 = arith.constant 0 : i32
      %dma_wait3A_409 = tpu.memref_slice %arg10[%dma_wait3A_395, %dma_wait3A_407, %dma_wait3A_408] : memref<4x125x64xf32, #tpu.memory_space<vmem>> -> memref<1x125x64xf32, #tpu.memory_space<vmem>>
      %dma_wait3A_410 = tpu.memref_squeeze %dma_wait3A_409 : memref<1x125x64xf32, #tpu.memory_space<vmem>> -> memref<125x64xf32, #tpu.memory_space<vmem>>
      %dma_wait3A_411 = arith.constant 0 : i32
      %dma_wait3A_412 = arith.constant 0 : i32
      %dma_wait3A_413 = tpu.memref_slice %arg2[%arg0, %dma_wait3A_411, %dma_wait3A_412] : memref<2x10240x64xf32, #tpu.memory_space<hbm>> -> memref<1x10240x64xf32, #tpu.memory_space<hbm>>
      %dma_wait3A_414 = tpu.memref_squeeze %dma_wait3A_413 : memref<1x10240x64xf32, #tpu.memory_space<hbm>> -> memref<10240x64xf32, #tpu.memory_space<hbm>>
      %dma_wait3A_415 = arith.constant 0 : i32
      %dma_wait3A_416 = arith.constant 0 : i32
      %dma_wait3A_417 = tpu.memref_slice %dma_wait3A_414[%dma_wait3A_415, %dma_wait3A_416] : memref<10240x64xf32, #tpu.memory_space<hbm>> -> memref<125x64xf32, #tpu.memory_space<hbm>>
      tpu.wait_dma2 semaphore(%arg16 : memref<!tpu.dma_semaphore, #tpu.memory_space<semaphore_mem>>) src(%dma_wait3A_417 : memref<125x64xf32, #tpu.memory_space<hbm>>) dst(%dma_wait3A_410 : memref<125x64xf32, #tpu.memory_space<vmem>>)
      %scan3A_418 = arith.constant 0 : i32
      %scan3A_419 = arith.constant 0 : i32
      %scan3A_420 = arith.constant 125 : i32
      %scan3A_421 = arith.addi %scan3A_419, %scan3A_420 : i32
      %scan3A_422 = arith.constant 5 : i32
      %scan3A_423 = scf.for %scan3A_444 = %scan3A_419 to %scan3A_421 step %scan3A_422 iter_args(%scan3A_445 = %scan3A_418) -> (i32)  : i32 {
        %get3A = arith.constant 3 : i32
        %get3A_446 = arith.index_cast %get3A : i32 to index
        %get3A_447 = arith.index_cast %scan3A_444 : i32 to index
        %get3A_448 = arith.constant 0 : index
        %get3A_449 = tpu.vector_load %arg9[%get3A_446, %get3A_447, %get3A_448] {strides = array<i32>} : memref<4x125x16xf32, #tpu.memory_space<vmem>>, vector<1x1x16xf32>,
        %get3A_450 = vector.shape_cast %get3A_449 : vector<1x1x16xf32> to vector<16xf32>
        %get3A_451 = arith.constant 3 : i32
        %get3A_452 = arith.index_cast %get3A_451 : i32 to index
        %get3A_453 = arith.index_cast %scan3A_444 : i32 to index
        %get3A_454 = arith.constant 0 : index
        %get3A_455 = tpu.vector_load %arg10[%get3A_452, %get3A_453, %get3A_454] {strides = array<i32>} : memref<4x125x64xf32, #tpu.memory_space<vmem>>, vector<1x1x16xf32>,
        %get3A_456 = vector.shape_cast %get3A_455 : vector<1x1x16xf32> to vector<16xf32>
        %mul3A_457 = arith.mulf %get3A_456, %get3A_450 : vector<16xf32>
        %swap3A = arith.constant 3 : i32
        %swap3A_458 = arith.index_cast %swap3A : i32 to index
        %swap3A_459 = arith.index_cast %scan3A_444 : i32 to index
        %swap3A_460 = arith.constant 0 : index
        %swap3A_461 = tpu.vector_load %arg10[%swap3A_458, %swap3A_459, %swap3A_460] {strides = array<i32>} : memref<4x125x64xf32, #tpu.memory_space<vmem>>, vector<1x1x16xf32>,
        %swap3A_462 = vector.shape_cast %swap3A_461 : vector<1x1x16xf32> to vector<16xf32>
        %swap3A_463 = vector.shape_cast %mul3A_457 : vector<16xf32> to vector<1x1x16xf32>
        tpu.vector_store %arg10[%swap3A_458, %swap3A_459, %swap3A_460], %swap3A_463 {strides = array<i32>} : memref<4x125x64xf32, #tpu.memory_space<vmem>>, vector<1x1x16xf32>,
        %get3A_464 = arith.constant 3 : i32
        %get3A_465 = arith.index_cast %get3A_464 : i32 to index
        %get3A_466 = arith.index_cast %scan3A_444 : i32 to index
        %get3A_467 = arith.constant 16 : index
        %get3A_468 = tpu.vector_load %arg10[%get3A_465, %get3A_466, %get3A_467] {strides = array<i32>} : memref<4x125x64xf32, #tpu.memory_space<vmem>>, vector<1x1x16xf32>,
        %get3A_469 = vector.shape_cast %get3A_468 : vector<1x1x16xf32> to vector<16xf32>
        %mul3A_470 = arith.mulf %get3A_469, %get3A_450 : vector<16xf32>
        %swap3A_471 = arith.constant 3 : i32
        %swap3A_472 = arith.index_cast %swap3A_471 : i32 to index
        %swap3A_473 = arith.index_cast %scan3A_444 : i32 to index
        %swap3A_474 = arith.constant 16 : index
        %swap3A_475 = tpu.vector_load %arg10[%swap3A_472, %swap3A_473, %swap3A_474] {strides = array<i32>} : memref<4x125x64xf32, #tpu.memory_space<vmem>>, vector<1x1x16xf32>,
        %swap3A_476 = vector.shape_cast %swap3A_475 : vector<1x1x16xf32> to vector<16xf32>
        %swap3A_477 = vector.shape_cast %mul3A_470 : vector<16xf32> to vector<1x1x16xf32>
        tpu.vector_store %arg10[%swap3A_472, %swap3A_473, %swap3A_474], %swap3A_477 {strides = array<i32>} : memref<4x125x64xf32, #tpu.memory_space<vmem>>, vector<1x1x16xf32>,
        %get3A_478 = arith.constant 3 : i32
        %get3A_479 = arith.index_cast %get3A_478 : i32 to index
        %get3A_480 = arith.index_cast %scan3A_444 : i32 to index
        %get3A_481 = arith.constant 32 : index
        %get3A_482 = tpu.vector_load %arg10[%get3A_479, %get3A_480, %get3A_481] {strides = array<i32>} : memref<4x125x64xf32, #tpu.memory_space<vmem>>, vector<1x1x16xf32>,
        %get3A_483 = vector.shape_cast %get3A_482 : vector<1x1x16xf32> to vector<16xf32>
        %mul3A_484 = arith.mulf %get3A_483, %get3A_450 : vector<16xf32>
        %swap3A_485 = arith.constant 3 : i32
        %swap3A_486 = arith.index_cast %swap3A_485 : i32 to index
        %swap3A_487 = arith.index_cast %scan3A_444 : i32 to index
        %swap3A_488 = arith.constant 32 : index
        %swap3A_489 = tpu.vector_load %arg10[%swap3A_486, %swap3A_487, %swap3A_488] {strides = array<i32>} : memref<4x125x64xf32, #tpu.memory_space<vmem>>, vector<1x1x16xf32>,
        %swap3A_490 = vector.shape_cast %swap3A_489 : vector<1x1x16xf32> to vector<16xf32>
        %swap3A_491 = vector.shape_cast %mul3A_484 : vector<16xf32> to vector<1x1x16xf32>
        tpu.vector_store %arg10[%swap3A_486, %swap3A_487, %swap3A_488], %swap3A_491 {strides = array<i32>} : memref<4x125x64xf32, #tpu.memory_space<vmem>>, vector<1x1x16xf32>,
        %get3A_492 = arith.constant 3 : i32
        %get3A_493 = arith.index_cast %get3A_492 : i32 to index
        %get3A_494 = arith.index_cast %scan3A_444 : i32 to index
        %get3A_495 = arith.constant 48 : index
        %get3A_496 = tpu.vector_load %arg10[%get3A_493, %get3A_494, %get3A_495] {strides = array<i32>} : memref<4x125x64xf32, #tpu.memory_space<vmem>>, vector<1x1x16xf32>,
        %get3A_497 = vector.shape_cast %get3A_496 : vector<1x1x16xf32> to vector<16xf32>
        %mul3A_498 = arith.mulf %get3A_497, %get3A_450 : vector<16xf32>
        %swap3A_499 = arith.constant 3 : i32
        %swap3A_500 = arith.index_cast %swap3A_499 : i32 to index
        %swap3A_501 = arith.index_cast %scan3A_444 : i32 to index
        %swap3A_502 = arith.constant 48 : index
        %swap3A_503 = tpu.vector_load %arg10[%swap3A_500, %swap3A_501, %swap3A_502] {strides = array<i32>} : memref<4x125x64xf32, #tpu.memory_space<vmem>>, vector<1x1x16xf32>,
        %swap3A_504 = vector.shape_cast %swap3A_503 : vector<1x1x16xf32> to vector<16xf32>
        %swap3A_505 = vector.shape_cast %mul3A_498 : vector<16xf32> to vector<1x1x16xf32>
        tpu.vector_store %arg10[%swap3A_500, %swap3A_501, %swap3A_502], %swap3A_505 {strides = array<i32>} : memref<4x125x64xf32, #tpu.memory_space<vmem>>, vector<1x1x16xf32>,
        %scan3A_506 = arith.constant 0 : i32
        %scan3A_507 = arith.constant 1 : i32
        %scan3A_508 = arith.addi %scan3A_444, %scan3A_507 : i32
        %get3A_509 = arith.constant 3 : i32
        %get3A_510 = arith.index_cast %get3A_509 : i32 to index
        %get3A_511 = arith.index_cast %scan3A_508 : i32 to index
        %get3A_512 = arith.constant 0 : index
        %get3A_513 = tpu.vector_load %arg9[%get3A_510, %get3A_511, %get3A_512] {strides = array<i32>} : memref<4x125x16xf32, #tpu.memory_space<vmem>>, vector<1x1x16xf32>,
        %get3A_514 = vector.shape_cast %get3A_513 : vector<1x1x16xf32> to vector<16xf32>
        %get3A_515 = arith.constant 3 : i32
        %get3A_516 = arith.index_cast %get3A_515 : i32 to index
        %get3A_517 = arith.index_cast %scan3A_508 : i32 to index
        %get3A_518 = arith.constant 0 : index
        %get3A_519 = tpu.vector_load %arg10[%get3A_516, %get3A_517, %get3A_518] {strides = array<i32>} : memref<4x125x64xf32, #tpu.memory_space<vmem>>, vector<1x1x16xf32>,
        %get3A_520 = vector.shape_cast %get3A_519 : vector<1x1x16xf32> to vector<16xf32>
        %mul3A_521 = arith.mulf %get3A_520, %get3A_514 : vector<16xf32>
        %swap3A_522 = arith.constant 3 : i32
        %swap3A_523 = arith.index_cast %swap3A_522 : i32 to index
        %swap3A_524 = arith.index_cast %scan3A_508 : i32 to index
        %swap3A_525 = arith.constant 0 : index
        %swap3A_526 = tpu.vector_load %arg10[%swap3A_523, %swap3A_524, %swap3A_525] {strides = array<i32>} : memref<4x125x64xf32, #tpu.memory_space<vmem>>, vector<1x1x16xf32>,
        %swap3A_527 = vector.shape_cast %swap3A_526 : vector<1x1x16xf32> to vector<16xf32>
        %swap3A_528 = vector.shape_cast %mul3A_521 : vector<16xf32> to vector<1x1x16xf32>
        tpu.vector_store %arg10[%swap3A_523, %swap3A_524, %swap3A_525], %swap3A_528 {strides = array<i32>} : memref<4x125x64xf32, #tpu.memory_space<vmem>>, vector<1x1x16xf32>,
        %get3A_529 = arith.constant 3 : i32
        %get3A_530 = arith.index_cast %get3A_529 : i32 to index
        %get3A_531 = arith.index_cast %scan3A_508 : i32 to index
        %get3A_532 = arith.constant 16 : index
        %get3A_533 = tpu.vector_load %arg10[%get3A_530, %get3A_531, %get3A_532] {strides = array<i32>} : memref<4x125x64xf32, #tpu.memory_space<vmem>>, vector<1x1x16xf32>,
        %get3A_534 = vector.shape_cast %get3A_533 : vector<1x1x16xf32> to vector<16xf32>
        %mul3A_535 = arith.mulf %get3A_534, %get3A_514 : vector<16xf32>
        %swap3A_536 = arith.constant 3 : i32
        %swap3A_537 = arith.index_cast %swap3A_536 : i32 to index
        %swap3A_538 = arith.index_cast %scan3A_508 : i32 to index
        %swap3A_539 = arith.constant 16 : index
        %swap3A_540 = tpu.vector_load %arg10[%swap3A_537, %swap3A_538, %swap3A_539] {strides = array<i32>} : memref<4x125x64xf32, #tpu.memory_space<vmem>>, vector<1x1x16xf32>,
        %swap3A_541 = vector.shape_cast %swap3A_540 : vector<1x1x16xf32> to vector<16xf32>
        %swap3A_542 = vector.shape_cast %mul3A_535 : vector<16xf32> to vector<1x1x16xf32>
        tpu.vector_store %arg10[%swap3A_537, %swap3A_538, %swap3A_539], %swap3A_542 {strides = array<i32>} : memref<4x125x64xf32, #tpu.memory_space<vmem>>, vector<1x1x16xf32>,
        %get3A_543 = arith.constant 3 : i32
        %get3A_544 = arith.index_cast %get3A_543 : i32 to index
        %get3A_545 = arith.index_cast %scan3A_508 : i32 to index
        %get3A_546 = arith.constant 32 : index
        %get3A_547 = tpu.vector_load %arg10[%get3A_544, %get3A_545, %get3A_546] {strides = array<i32>} : memref<4x125x64xf32, #tpu.memory_space<vmem>>, vector<1x1x16xf32>,
        %get3A_548 = vector.shape_cast %get3A_547 : vector<1x1x16xf32> to vector<16xf32>
        %mul3A_549 = arith.mulf %get3A_548, %get3A_514 : vector<16xf32>
        %swap3A_550 = arith.constant 3 : i32
        %swap3A_551 = arith.index_cast %swap3A_550 : i32 to index
        %swap3A_552 = arith.index_cast %scan3A_508 : i32 to index
        %swap3A_553 = arith.constant 32 : index
        %swap3A_554 = tpu.vector_load %arg10[%swap3A_551, %swap3A_552, %swap3A_553] {strides = array<i32>} : memref<4x125x64xf32, #tpu.memory_space<vmem>>, vector<1x1x16xf32>,
        %swap3A_555 = vector.shape_cast %swap3A_554 : vector<1x1x16xf32> to vector<16xf32>
        %swap3A_556 = vector.shape_cast %mul3A_549 : vector<16xf32> to vector<1x1x16xf32>
        tpu.vector_store %arg10[%swap3A_551, %swap3A_552, %swap3A_553], %swap3A_556 {strides = array<i32>} : memref<4x125x64xf32, #tpu.memory_space<vmem>>, vector<1x1x16xf32>,
        %get3A_557 = arith.constant 3 : i32
        %get3A_558 = arith.index_cast %get3A_557 : i32 to index
        %get3A_559 = arith.index_cast %scan3A_508 : i32 to index
        %get3A_560 = arith.constant 48 : index
        %get3A_561 = tpu.vector_load %arg10[%get3A_558, %get3A_559, %get3A_560] {strides = array<i32>} : memref<4x125x64xf32, #tpu.memory_space<vmem>>, vector<1x1x16xf32>,
        %get3A_562 = vector.shape_cast %get3A_561 : vector<1x1x16xf32> to vector<16xf32>
        %mul3A_563 = arith.mulf %get3A_562, %get3A_514 : vector<16xf32>
        %swap3A_564 = arith.constant 3 : i32
        %swap3A_565 = arith.index_cast %swap3A_564 : i32 to index
        %swap3A_566 = arith.index_cast %scan3A_508 : i32 to index
        %swap3A_567 = arith.constant 48 : index
        %swap3A_568 = tpu.vector_load %arg10[%swap3A_565, %swap3A_566, %swap3A_567] {strides = array<i32>} : memref<4x125x64xf32, #tpu.memory_space<vmem>>, vector<1x1x16xf32>,
        %swap3A_569 = vector.shape_cast %swap3A_568 : vector<1x1x16xf32> to vector<16xf32>
        %swap3A_570 = vector.shape_cast %mul3A_563 : vector<16xf32> to vector<1x1x16xf32>
        tpu.vector_store %arg10[%swap3A_565, %swap3A_566, %swap3A_567], %swap3A_570 {strides = array<i32>} : memref<4x125x64xf32, #tpu.memory_space<vmem>>, vector<1x1x16xf32>,
        %scan3A_571 = arith.constant 0 : i32
        %scan3A_572 = arith.constant 2 : i32
        %scan3A_573 = arith.addi %scan3A_444, %scan3A_572 : i32
        %get3A_574 = arith.constant 3 : i32
        %get3A_575 = arith.index_cast %get3A_574 : i32 to index
        %get3A_576 = arith.index_cast %scan3A_573 : i32 to index
        %get3A_577 = arith.constant 0 : index
        %get3A_578 = tpu.vector_load %arg9[%get3A_575, %get3A_576, %get3A_577] {strides = array<i32>} : memref<4x125x16xf32, #tpu.memory_space<vmem>>, vector<1x1x16xf32>,
        %get3A_579 = vector.shape_cast %get3A_578 : vector<1x1x16xf32> to vector<16xf32>
        %get3A_580 = arith.constant 3 : i32
        %get3A_581 = arith.index_cast %get3A_580 : i32 to index
        %get3A_582 = arith.index_cast %scan3A_573 : i32 to index
        %get3A_583 = arith.constant 0 : index
        %get3A_584 = tpu.vector_load %arg10[%get3A_581, %get3A_582, %get3A_583] {strides = array<i32>} : memref<4x125x64xf32, #tpu.memory_space<vmem>>, vector<1x1x16xf32>,
        %get3A_585 = vector.shape_cast %get3A_584 : vector<1x1x16xf32> to vector<16xf32>
        %mul3A_586 = arith.mulf %get3A_585, %get3A_579 : vector<16xf32>
        %swap3A_587 = arith.constant 3 : i32
        %swap3A_588 = arith.index_cast %swap3A_587 : i32 to index
        %swap3A_589 = arith.index_cast %scan3A_573 : i32 to index
        %swap3A_590 = arith.constant 0 : index
        %swap3A_591 = tpu.vector_load %arg10[%swap3A_588, %swap3A_589, %swap3A_590] {strides = array<i32>} : memref<4x125x64xf32, #tpu.memory_space<vmem>>, vector<1x1x16xf32>,
        %swap3A_592 = vector.shape_cast %swap3A_591 : vector<1x1x16xf32> to vector<16xf32>
        %swap3A_593 = vector.shape_cast %mul3A_586 : vector<16xf32> to vector<1x1x16xf32>
        tpu.vector_store %arg10[%swap3A_588, %swap3A_589, %swap3A_590], %swap3A_593 {strides = array<i32>} : memref<4x125x64xf32, #tpu.memory_space<vmem>>, vector<1x1x16xf32>,
        %get3A_594 = arith.constant 3 : i32
        %get3A_595 = arith.index_cast %get3A_594 : i32 to index
        %get3A_596 = arith.index_cast %scan3A_573 : i32 to index
        %get3A_597 = arith.constant 16 : index
        %get3A_598 = tpu.vector_load %arg10[%get3A_595, %get3A_596, %get3A_597] {strides = array<i32>} : memref<4x125x64xf32, #tpu.memory_space<vmem>>, vector<1x1x16xf32>,
        %get3A_599 = vector.shape_cast %get3A_598 : vector<1x1x16xf32> to vector<16xf32>
        %mul3A_600 = arith.mulf %get3A_599, %get3A_579 : vector<16xf32>
        %swap3A_601 = arith.constant 3 : i32
        %swap3A_602 = arith.index_cast %swap3A_601 : i32 to index
        %swap3A_603 = arith.index_cast %scan3A_573 : i32 to index
        %swap3A_604 = arith.constant 16 : index
        %swap3A_605 = tpu.vector_load %arg10[%swap3A_602, %swap3A_603, %swap3A_604] {strides = array<i32>} : memref<4x125x64xf32, #tpu.memory_space<vmem>>, vector<1x1x16xf32>,
        %swap3A_606 = vector.shape_cast %swap3A_605 : vector<1x1x16xf32> to vector<16xf32>
        %swap3A_607 = vector.shape_cast %mul3A_600 : vector<16xf32> to vector<1x1x16xf32>
        tpu.vector_store %arg10[%swap3A_602, %swap3A_603, %swap3A_604], %swap3A_607 {strides = array<i32>} : memref<4x125x64xf32, #tpu.memory_space<vmem>>, vector<1x1x16xf32>,
        %get3A_608 = arith.constant 3 : i32
        %get3A_609 = arith.index_cast %get3A_608 : i32 to index
        %get3A_610 = arith.index_cast %scan3A_573 : i32 to index
        %get3A_611 = arith.constant 32 : index
        %get3A_612 = tpu.vector_load %arg10[%get3A_609, %get3A_610, %get3A_611] {strides = array<i32>} : memref<4x125x64xf32, #tpu.memory_space<vmem>>, vector<1x1x16xf32>,
        %get3A_613 = vector.shape_cast %get3A_612 : vector<1x1x16xf32> to vector<16xf32>
        %mul3A_614 = arith.mulf %get3A_613, %get3A_579 : vector<16xf32>
        %swap3A_615 = arith.constant 3 : i32
        %swap3A_616 = arith.index_cast %swap3A_615 : i32 to index
        %swap3A_617 = arith.index_cast %scan3A_573 : i32 to index
        %swap3A_618 = arith.constant 32 : index
        %swap3A_619 = tpu.vector_load %arg10[%swap3A_616, %swap3A_617, %swap3A_618] {strides = array<i32>} : memref<4x125x64xf32, #tpu.memory_space<vmem>>, vector<1x1x16xf32>,
        %swap3A_620 = vector.shape_cast %swap3A_619 : vector<1x1x16xf32> to vector<16xf32>
        %swap3A_621 = vector.shape_cast %mul3A_614 : vector<16xf32> to vector<1x1x16xf32>
        tpu.vector_store %arg10[%swap3A_616, %swap3A_617, %swap3A_618], %swap3A_621 {strides = array<i32>} : memref<4x125x64xf32, #tpu.memory_space<vmem>>, vector<1x1x16xf32>,
        %get3A_622 = arith.constant 3 : i32
        %get3A_623 = arith.index_cast %get3A_622 : i32 to index
        %get3A_624 = arith.index_cast %scan3A_573 : i32 to index
        %get3A_625 = arith.constant 48 : index
        %get3A_626 = tpu.vector_load %arg10[%get3A_623, %get3A_624, %get3A_625] {strides = array<i32>} : memref<4x125x64xf32, #tpu.memory_space<vmem>>, vector<1x1x16xf32>,
        %get3A_627 = vector.shape_cast %get3A_626 : vector<1x1x16xf32> to vector<16xf32>
        %mul3A_628 = arith.mulf %get3A_627, %get3A_579 : vector<16xf32>
        %swap3A_629 = arith.constant 3 : i32
        %swap3A_630 = arith.index_cast %swap3A_629 : i32 to index
        %swap3A_631 = arith.index_cast %scan3A_573 : i32 to index
        %swap3A_632 = arith.constant 48 : index
        %swap3A_633 = tpu.vector_load %arg10[%swap3A_630, %swap3A_631, %swap3A_632] {strides = array<i32>} : memref<4x125x64xf32, #tpu.memory_space<vmem>>, vector<1x1x16xf32>,
        %swap3A_634 = vector.shape_cast %swap3A_633 : vector<1x1x16xf32> to vector<16xf32>
        %swap3A_635 = vector.shape_cast %mul3A_628 : vector<16xf32> to vector<1x1x16xf32>
        tpu.vector_store %arg10[%swap3A_630, %swap3A_631, %swap3A_632], %swap3A_635 {strides = array<i32>} : memref<4x125x64xf32, #tpu.memory_space<vmem>>, vector<1x1x16xf32>,
        %scan3A_636 = arith.constant 0 : i32
        %scan3A_637 = arith.constant 3 : i32
        %scan3A_638 = arith.addi %scan3A_444, %scan3A_637 : i32
        %get3A_639 = arith.constant 3 : i32
        %get3A_640 = arith.index_cast %get3A_639 : i32 to index
        %get3A_641 = arith.index_cast %scan3A_638 : i32 to index
        %get3A_642 = arith.constant 0 : index
        %get3A_643 = tpu.vector_load %arg9[%get3A_640, %get3A_641, %get3A_642] {strides = array<i32>} : memref<4x125x16xf32, #tpu.memory_space<vmem>>, vector<1x1x16xf32>,
        %get3A_644 = vector.shape_cast %get3A_643 : vector<1x1x16xf32> to vector<16xf32>
        %get3A_645 = arith.constant 3 : i32
        %get3A_646 = arith.index_cast %get3A_645 : i32 to index
        %get3A_647 = arith.index_cast %scan3A_638 : i32 to index
        %get3A_648 = arith.constant 0 : index
        %get3A_649 = tpu.vector_load %arg10[%get3A_646, %get3A_647, %get3A_648] {strides = array<i32>} : memref<4x125x64xf32, #tpu.memory_space<vmem>>, vector<1x1x16xf32>,
        %get3A_650 = vector.shape_cast %get3A_649 : vector<1x1x16xf32> to vector<16xf32>
        %mul3A_651 = arith.mulf %get3A_650, %get3A_644 : vector<16xf32>
        %swap3A_652 = arith.constant 3 : i32
        %swap3A_653 = arith.index_cast %swap3A_652 : i32 to index
        %swap3A_654 = arith.index_cast %scan3A_638 : i32 to index
        %swap3A_655 = arith.constant 0 : index
        %swap3A_656 = tpu.vector_load %arg10[%swap3A_653, %swap3A_654, %swap3A_655] {strides = array<i32>} : memref<4x125x64xf32, #tpu.memory_space<vmem>>, vector<1x1x16xf32>,
        %swap3A_657 = vector.shape_cast %swap3A_656 : vector<1x1x16xf32> to vector<16xf32>
        %swap3A_658 = vector.shape_cast %mul3A_651 : vector<16xf32> to vector<1x1x16xf32>
        tpu.vector_store %arg10[%swap3A_653, %swap3A_654, %swap3A_655], %swap3A_658 {strides = array<i32>} : memref<4x125x64xf32, #tpu.memory_space<vmem>>, vector<1x1x16xf32>,
        %get3A_659 = arith.constant 3 : i32
        %get3A_660 = arith.index_cast %get3A_659 : i32 to index
        %get3A_661 = arith.index_cast %scan3A_638 : i32 to index
        %get3A_662 = arith.constant 16 : index
        %get3A_663 = tpu.vector_load %arg10[%get3A_660, %get3A_661, %get3A_662] {strides = array<i32>} : memref<4x125x64xf32, #tpu.memory_space<vmem>>, vector<1x1x16xf32>,
        %get3A_664 = vector.shape_cast %get3A_663 : vector<1x1x16xf32> to vector<16xf32>
        %mul3A_665 = arith.mulf %get3A_664, %get3A_644 : vector<16xf32>
        %swap3A_666 = arith.constant 3 : i32
        %swap3A_667 = arith.index_cast %swap3A_666 : i32 to index
        %swap3A_668 = arith.index_cast %scan3A_638 : i32 to index
        %swap3A_669 = arith.constant 16 : index
        %swap3A_670 = tpu.vector_load %arg10[%swap3A_667, %swap3A_668, %swap3A_669] {strides = array<i32>} : memref<4x125x64xf32, #tpu.memory_space<vmem>>, vector<1x1x16xf32>,
        %swap3A_671 = vector.shape_cast %swap3A_670 : vector<1x1x16xf32> to vector<16xf32>
        %swap3A_672 = vector.shape_cast %mul3A_665 : vector<16xf32> to vector<1x1x16xf32>
        tpu.vector_store %arg10[%swap3A_667, %swap3A_668, %swap3A_669], %swap3A_672 {strides = array<i32>} : memref<4x125x64xf32, #tpu.memory_space<vmem>>, vector<1x1x16xf32>,
        %get3A_673 = arith.constant 3 : i32
        %get3A_674 = arith.index_cast %get3A_673 : i32 to index
        %get3A_675 = arith.index_cast %scan3A_638 : i32 to index
        %get3A_676 = arith.constant 32 : index
        %get3A_677 = tpu.vector_load %arg10[%get3A_674, %get3A_675, %get3A_676] {strides = array<i32>} : memref<4x125x64xf32, #tpu.memory_space<vmem>>, vector<1x1x16xf32>,
        %get3A_678 = vector.shape_cast %get3A_677 : vector<1x1x16xf32> to vector<16xf32>
        %mul3A_679 = arith.mulf %get3A_678, %get3A_644 : vector<16xf32>
        %swap3A_680 = arith.constant 3 : i32
        %swap3A_681 = arith.index_cast %swap3A_680 : i32 to index
        %swap3A_682 = arith.index_cast %scan3A_638 : i32 to index
        %swap3A_683 = arith.constant 32 : index
        %swap3A_684 = tpu.vector_load %arg10[%swap3A_681, %swap3A_682, %swap3A_683] {strides = array<i32>} : memref<4x125x64xf32, #tpu.memory_space<vmem>>, vector<1x1x16xf32>,
        %swap3A_685 = vector.shape_cast %swap3A_684 : vector<1x1x16xf32> to vector<16xf32>
        %swap3A_686 = vector.shape_cast %mul3A_679 : vector<16xf32> to vector<1x1x16xf32>
        tpu.vector_store %arg10[%swap3A_681, %swap3A_682, %swap3A_683], %swap3A_686 {strides = array<i32>} : memref<4x125x64xf32, #tpu.memory_space<vmem>>, vector<1x1x16xf32>,
        %get3A_687 = arith.constant 3 : i32
        %get3A_688 = arith.index_cast %get3A_687 : i32 to index
        %get3A_689 = arith.index_cast %scan3A_638 : i32 to index
        %get3A_690 = arith.constant 48 : index
        %get3A_691 = tpu.vector_load %arg10[%get3A_688, %get3A_689, %get3A_690] {strides = array<i32>} : memref<4x125x64xf32, #tpu.memory_space<vmem>>, vector<1x1x16xf32>,
        %get3A_692 = vector.shape_cast %get3A_691 : vector<1x1x16xf32> to vector<16xf32>
        %mul3A_693 = arith.mulf %get3A_692, %get3A_644 : vector<16xf32>
        %swap3A_694 = arith.constant 3 : i32
        %swap3A_695 = arith.index_cast %swap3A_694 : i32 to index
        %swap3A_696 = arith.index_cast %scan3A_638 : i32 to index
        %swap3A_697 = arith.constant 48 : index
        %swap3A_698 = tpu.vector_load %arg10[%swap3A_695, %swap3A_696, %swap3A_697] {strides = array<i32>} : memref<4x125x64xf32, #tpu.memory_space<vmem>>, vector<1x1x16xf32>,
        %swap3A_699 = vector.shape_cast %swap3A_698 : vector<1x1x16xf32> to vector<16xf32>
        %swap3A_700 = vector.shape_cast %mul3A_693 : vector<16xf32> to vector<1x1x16xf32>
        tpu.vector_store %arg10[%swap3A_695, %swap3A_696, %swap3A_697], %swap3A_700 {strides = array<i32>} : memref<4x125x64xf32, #tpu.memory_space<vmem>>, vector<1x1x16xf32>,
        %scan3A_701 = arith.constant 0 : i32
        %scan3A_702 = arith.constant 4 : i32
        %scan3A_703 = arith.addi %scan3A_444, %scan3A_702 : i32
        %get3A_704 = arith.constant 3 : i32
        %get3A_705 = arith.index_cast %get3A_704 : i32 to index
        %get3A_706 = arith.index_cast %scan3A_703 : i32 to index
        %get3A_707 = arith.constant 0 : index
        %get3A_708 = tpu.vector_load %arg9[%get3A_705, %get3A_706, %get3A_707] {strides = array<i32>} : memref<4x125x16xf32, #tpu.memory_space<vmem>>, vector<1x1x16xf32>,
        %get3A_709 = vector.shape_cast %get3A_708 : vector<1x1x16xf32> to vector<16xf32>
        %get3A_710 = arith.constant 3 : i32
        %get3A_711 = arith.index_cast %get3A_710 : i32 to index
        %get3A_712 = arith.index_cast %scan3A_703 : i32 to index
        %get3A_713 = arith.constant 0 : index
        %get3A_714 = tpu.vector_load %arg10[%get3A_711, %get3A_712, %get3A_713] {strides = array<i32>} : memref<4x125x64xf32, #tpu.memory_space<vmem>>, vector<1x1x16xf32>,
        %get3A_715 = vector.shape_cast %get3A_714 : vector<1x1x16xf32> to vector<16xf32>
        %mul3A_716 = arith.mulf %get3A_715, %get3A_709 : vector<16xf32>
        %swap3A_717 = arith.constant 3 : i32
        %swap3A_718 = arith.index_cast %swap3A_717 : i32 to index
        %swap3A_719 = arith.index_cast %scan3A_703 : i32 to index
        %swap3A_720 = arith.constant 0 : index
        %swap3A_721 = tpu.vector_load %arg10[%swap3A_718, %swap3A_719, %swap3A_720] {strides = array<i32>} : memref<4x125x64xf32, #tpu.memory_space<vmem>>, vector<1x1x16xf32>,
        %swap3A_722 = vector.shape_cast %swap3A_721 : vector<1x1x16xf32> to vector<16xf32>
        %swap3A_723 = vector.shape_cast %mul3A_716 : vector<16xf32> to vector<1x1x16xf32>
        tpu.vector_store %arg10[%swap3A_718, %swap3A_719, %swap3A_720], %swap3A_723 {strides = array<i32>} : memref<4x125x64xf32, #tpu.memory_space<vmem>>, vector<1x1x16xf32>,
        %get3A_724 = arith.constant 3 : i32
        %get3A_725 = arith.index_cast %get3A_724 : i32 to index
        %get3A_726 = arith.index_cast %scan3A_703 : i32 to index
        %get3A_727 = arith.constant 16 : index
        %get3A_728 = tpu.vector_load %arg10[%get3A_725, %get3A_726, %get3A_727] {strides = array<i32>} : memref<4x125x64xf32, #tpu.memory_space<vmem>>, vector<1x1x16xf32>,
        %get3A_729 = vector.shape_cast %get3A_728 : vector<1x1x16xf32> to vector<16xf32>
        %mul3A_730 = arith.mulf %get3A_729, %get3A_709 : vector<16xf32>
        %swap3A_731 = arith.constant 3 : i32
        %swap3A_732 = arith.index_cast %swap3A_731 : i32 to index
        %swap3A_733 = arith.index_cast %scan3A_703 : i32 to index
        %swap3A_734 = arith.constant 16 : index
        %swap3A_735 = tpu.vector_load %arg10[%swap3A_732, %swap3A_733, %swap3A_734] {strides = array<i32>} : memref<4x125x64xf32, #tpu.memory_space<vmem>>, vector<1x1x16xf32>,
        %swap3A_736 = vector.shape_cast %swap3A_735 : vector<1x1x16xf32> to vector<16xf32>
        %swap3A_737 = vector.shape_cast %mul3A_730 : vector<16xf32> to vector<1x1x16xf32>
        tpu.vector_store %arg10[%swap3A_732, %swap3A_733, %swap3A_734], %swap3A_737 {strides = array<i32>} : memref<4x125x64xf32, #tpu.memory_space<vmem>>, vector<1x1x16xf32>,
        %get3A_738 = arith.constant 3 : i32
        %get3A_739 = arith.index_cast %get3A_738 : i32 to index
        %get3A_740 = arith.index_cast %scan3A_703 : i32 to index
        %get3A_741 = arith.constant 32 : index
        %get3A_742 = tpu.vector_load %arg10[%get3A_739, %get3A_740, %get3A_741] {strides = array<i32>} : memref<4x125x64xf32, #tpu.memory_space<vmem>>, vector<1x1x16xf32>,
        %get3A_743 = vector.shape_cast %get3A_742 : vector<1x1x16xf32> to vector<16xf32>
        %mul3A_744 = arith.mulf %get3A_743, %get3A_709 : vector<16xf32>
        %swap3A_745 = arith.constant 3 : i32
        %swap3A_746 = arith.index_cast %swap3A_745 : i32 to index
        %swap3A_747 = arith.index_cast %scan3A_703 : i32 to index
        %swap3A_748 = arith.constant 32 : index
        %swap3A_749 = tpu.vector_load %arg10[%swap3A_746, %swap3A_747, %swap3A_748] {strides = array<i32>} : memref<4x125x64xf32, #tpu.memory_space<vmem>>, vector<1x1x16xf32>,
        %swap3A_750 = vector.shape_cast %swap3A_749 : vector<1x1x16xf32> to vector<16xf32>
        %swap3A_751 = vector.shape_cast %mul3A_744 : vector<16xf32> to vector<1x1x16xf32>
        tpu.vector_store %arg10[%swap3A_746, %swap3A_747, %swap3A_748], %swap3A_751 {strides = array<i32>} : memref<4x125x64xf32, #tpu.memory_space<vmem>>, vector<1x1x16xf32>,
        %get3A_752 = arith.constant 3 : i32
        %get3A_753 = arith.index_cast %get3A_752 : i32 to index
        %get3A_754 = arith.index_cast %scan3A_703 : i32 to index
        %get3A_755 = arith.constant 48 : index
        %get3A_756 = tpu.vector_load %arg10[%get3A_753, %get3A_754, %get3A_755] {strides = array<i32>} : memref<4x125x64xf32, #tpu.memory_space<vmem>>, vector<1x1x16xf32>,
        %get3A_757 = vector.shape_cast %get3A_756 : vector<1x1x16xf32> to vector<16xf32>
        %mul3A_758 = arith.mulf %get3A_757, %get3A_709 : vector<16xf32>
        %swap3A_759 = arith.constant 3 : i32
        %swap3A_760 = arith.index_cast %swap3A_759 : i32 to index
        %swap3A_761 = arith.index_cast %scan3A_703 : i32 to index
        %swap3A_762 = arith.constant 48 : index
        %swap3A_763 = tpu.vector_load %arg10[%swap3A_760, %swap3A_761, %swap3A_762] {strides = array<i32>} : memref<4x125x64xf32, #tpu.memory_space<vmem>>, vector<1x1x16xf32>,
        %swap3A_764 = vector.shape_cast %swap3A_763 : vector<1x1x16xf32> to vector<16xf32>
        %swap3A_765 = vector.shape_cast %mul3A_758 : vector<16xf32> to vector<1x1x16xf32>
        tpu.vector_store %arg10[%swap3A_760, %swap3A_761, %swap3A_762], %swap3A_765 {strides = array<i32>} : memref<4x125x64xf32, #tpu.memory_space<vmem>>, vector<1x1x16xf32>,
        %scan3A_766 = arith.constant 0 : i32
        scf.yield %scan3A_766 : i32
      }
      %scan3A_424 = arith.constant 125 : i32
      %dma_start3A_425 = arith.constant 3 : i32
      %dma_start3A_426 = arith.constant 0 : i32
      %dma_start3A_427 = arith.constant 0 : i32
      %dma_start3A_428 = tpu.memref_slice %arg10[%dma_start3A_425, %dma_start3A_426, %dma_start3A_427] : memref<4x125x64xf32, #tpu.memory_space<vmem>> -> memref<1x125x64xf32, #tpu.memory_space<vmem>>
      %dma_start3A_429 = tpu.memref_squeeze %dma_start3A_428 : memref<1x125x64xf32, #tpu.memory_space<vmem>> -> memref<125x64xf32, #tpu.memory_space<vmem>>
      %dma_start3A_430 = arith.constant 0 : i32
      %dma_start3A_431 = tpu.memref_slice %arg8[%add3A_376, %dma_start3A_430] : memref<160x125xi32, #tpu.memory_space<vmem>> -> memref<1x125xi32, #tpu.memory_space<vmem>>
      %dma_start3A_432 = tpu.memref_squeeze %dma_start3A_431 : memref<1x125xi32, #tpu.memory_space<vmem>> -> memref<125xi32, #tpu.memory_space<vmem>>
      %dma_start3A_433 = arith.constant 0 : i32
      %dma_start3A_434 = arith.constant 0 : i32
      %dma_start3A_435 = tpu.memref_slice %arg12[%dma_start3A_433, %dma_start3A_434] : memref<10240x64xf32, #tpu.memory_space<vmem_shared>> -> memref<10240x64xf32, #tpu.memory_space<vmem_shared>>
      tpu.enqueue_indirect_dma source(%dma_start3A_429 : memref<125x64xf32, #tpu.memory_space<vmem>>) target(%dma_start3A_435 : memref<10240x64xf32, #tpu.memory_space<vmem_shared>>) offsets(%dma_start3A_432 : memref<125xi32, #tpu.memory_space<vmem>>) semaphore(%arg20 : memref<!tpu.dma_semaphore, #tpu.memory_space<semaphore_mem>>) {add = true}
      %add3A_436 = arith.constant 2 : i32
      %add3A_437 = arith.addi %add3A_376, %add3A_436 : i32
      %lt3A_438 = arith.constant 160 : i32
      %lt3A_439 = arith.cmpi slt, %add3A_437, %lt3A_438 : i32
      %convert_element_type3A_440 = arith.extui %lt3A_439 : i1 to i32
      %cond3A_441 = arith.constant 0 : i32
      %cond3A_442 = arith.cmpi ne, %convert_element_type3A_440, %cond3A_441 : i32
      scf.if %cond3A_442 {
        %ge3A = arith.constant 4 : i32
        %ge3A_444 = arith.cmpi sge, %add3A_437, %ge3A : i32
        %convert_element_type3A_445 = arith.extui %ge3A_444 : i1 to i32
        %cond3A_446 = arith.constant 0 : i32
        %cond3A_447 = arith.cmpi ne, %convert_element_type3A_445, %cond3A_446 : i32
        scf.if %cond3A_447 {
          %dma_wait3A_483 = arith.constant 1 : i32
          %dma_wait3A_484 = arith.constant 0 : i32
          %dma_wait3A_485 = arith.constant 0 : i32
          %dma_wait3A_486 = tpu.memref_slice %arg10[%dma_wait3A_483, %dma_wait3A_484, %dma_wait3A_485] : memref<4x125x64xf32, #tpu.memory_space<vmem>> -> memref<1x125x64xf32, #tpu.memory_space<vmem>>
          %dma_wait3A_487 = tpu.memref_squeeze %dma_wait3A_486 : memref<1x125x64xf32, #tpu.memory_space<vmem>> -> memref<125x64xf32, #tpu.memory_space<vmem>>
          %dma_wait3A_488 = arith.constant 0 : i32
          %dma_wait3A_489 = arith.constant 0 : i32
          %dma_wait3A_490 = tpu.memref_slice %arg12[%dma_wait3A_488, %dma_wait3A_489] : memref<10240x64xf32, #tpu.memory_space<vmem_shared>> -> memref<125x64xf32, #tpu.memory_space<vmem_shared>>
          %dma_wait3A_491 = arith.constant 0 : i32
          %dma_wait3A_492 = arith.constant 0 : i32
          %dma_wait3A_493 = tpu.memref_slice %arg12[%dma_wait3A_491, %dma_wait3A_492] : memref<10240x64xf32, #tpu.memory_space<vmem_shared>> -> memref<125x64xf32, #tpu.memory_space<vmem_shared>>
          %dma_wait3A_494 = arith.constant 0 : i32
          %dma_wait3A_495 = arith.constant 0 : i32
          %dma_wait3A_496 = tpu.memref_slice %arg10[%dma_wait3A_483, %dma_wait3A_494, %dma_wait3A_495] : memref<4x125x64xf32, #tpu.memory_space<vmem>> -> memref<1x125x64xf32, #tpu.memory_space<vmem>>
          %dma_wait3A_497 = tpu.memref_squeeze %dma_wait3A_496 : memref<1x125x64xf32, #tpu.memory_space<vmem>> -> memref<125x64xf32, #tpu.memory_space<vmem>>
          tpu.wait_dma2 semaphore(%arg18 : memref<!tpu.dma_semaphore, #tpu.memory_space<semaphore_mem>>) src(%dma_wait3A_497 : memref<125x64xf32, #tpu.memory_space<vmem>>) dst(%dma_wait3A_493 : memref<125x64xf32, #tpu.memory_space<vmem_shared>>)
        } else {
        }
        %mul3A_448 = arith.constant 160 : i32
        %mul3A_449 = arith.muli %arg1, %mul3A_448 : i32
        %add3A_450 = arith.addi %mul3A_449, %add3A_437 : i32
        %dma_start3A_451 = arith.constant 1 : i32
        %dma_start3A_452 = arith.constant 0 : i32
        %dma_start3A_453 = arith.constant 0 : i32
        %dma_start3A_454 = tpu.memref_slice %arg9[%dma_start3A_451, %dma_start3A_452, %dma_start3A_453] : memref<4x125x16xf32, #tpu.memory_space<vmem>> -> memref<1x125x16xf32, #tpu.memory_space<vmem>>
        %dma_start3A_455 = tpu.memref_squeeze %dma_start3A_454 : memref<1x125x16xf32, #tpu.memory_space<vmem>> -> memref<125x16xf32, #tpu.memory_space<vmem>>
        %dma_start3A_456 = arith.constant 0 : i32
        %dma_start3A_457 = arith.constant 0 : i32
        %dma_start3A_458 = tpu.memref_slice %arg5[%add3A_450, %dma_start3A_456, %dma_start3A_457] : memref<2560x125x16xf32, #tpu.memory_space<hbm>> -> memref<1x125x16xf32, #tpu.memory_space<hbm>>
        %dma_start3A_459 = tpu.memref_squeeze %dma_start3A_458 : memref<1x125x16xf32, #tpu.memory_space<hbm>> -> memref<125x16xf32, #tpu.memory_space<hbm>>
        %dma_start3A_460 = arith.constant 0 : i32
        %dma_start3A_461 = arith.constant 0 : i32
        %dma_start3A_462 = tpu.memref_slice %arg9[%dma_start3A_451, %dma_start3A_460, %dma_start3A_461] : memref<4x125x16xf32, #tpu.memory_space<vmem>> -> memref<1x125x16xf32, #tpu.memory_space<vmem>>
        %dma_start3A_463 = tpu.memref_squeeze %dma_start3A_462 : memref<1x125x16xf32, #tpu.memory_space<vmem>> -> memref<125x16xf32, #tpu.memory_space<vmem>>
        %dma_start3A_464 = arith.constant 0 : i32
        %dma_start3A_465 = arith.constant 0 : i32
        %dma_start3A_466 = tpu.memref_slice %arg5[%add3A_450, %dma_start3A_464, %dma_start3A_465] : memref<2560x125x16xf32, #tpu.memory_space<hbm>> -> memref<1x125x16xf32, #tpu.memory_space<hbm>>
        %dma_start3A_467 = tpu.memref_squeeze %dma_start3A_466 : memref<1x125x16xf32, #tpu.memory_space<hbm>> -> memref<125x16xf32, #tpu.memory_space<hbm>>
        tpu.enqueue_dma source(%dma_start3A_467 : memref<125x16xf32, #tpu.memory_space<hbm>>) target(%dma_start3A_463 : memref<125x16xf32, #tpu.memory_space<vmem>>) target_semaphore(%arg14 : memref<!tpu.dma_semaphore, #tpu.memory_space<semaphore_mem>>)
        %dma_start3A_468 = arith.constant 1 : i32
        %dma_start3A_469 = arith.constant 0 : i32
        %dma_start3A_470 = arith.constant 0 : i32
        %dma_start3A_471 = tpu.memref_slice %arg10[%dma_start3A_468, %dma_start3A_469, %dma_start3A_470] : memref<4x125x64xf32, #tpu.memory_space<vmem>> -> memref<1x125x64xf32, #tpu.memory_space<vmem>>
        %dma_start3A_472 = tpu.memref_squeeze %dma_start3A_471 : memref<1x125x64xf32, #tpu.memory_space<vmem>> -> memref<125x64xf32, #tpu.memory_space<vmem>>
        %dma_start3A_473 = arith.constant 0 : i32
        %dma_start3A_474 = tpu.memref_slice %arg7[%add3A_437, %dma_start3A_473] : memref<160x125xi32, #tpu.memory_space<vmem>> -> memref<1x125xi32, #tpu.memory_space<vmem>>
        %dma_start3A_475 = tpu.memref_squeeze %dma_start3A_474 : memref<1x125xi32, #tpu.memory_space<vmem>> -> memref<125xi32, #tpu.memory_space<vmem>>
        %dma_start3A_476 = arith.constant 0 : i32
        %dma_start3A_477 = arith.constant 0 : i32
        %dma_start3A_478 = tpu.memref_slice %arg2[%arg0, %dma_start3A_476, %dma_start3A_477] : memref<2x10240x64xf32, #tpu.memory_space<hbm>> -> memref<1x10240x64xf32, #tpu.memory_space<hbm>>
        %dma_start3A_479 = tpu.memref_squeeze %dma_start3A_478 : memref<1x10240x64xf32, #tpu.memory_space<hbm>> -> memref<10240x64xf32, #tpu.memory_space<hbm>>
        %dma_start3A_480 = arith.constant 0 : i32
        %dma_start3A_481 = arith.constant 0 : i32
        %dma_start3A_482 = tpu.memref_slice %dma_start3A_479[%dma_start3A_480, %dma_start3A_481] : memref<10240x64xf32, #tpu.memory_space<hbm>> -> memref<10240x64xf32, #tpu.memory_space<hbm>>
        tpu.enqueue_indirect_dma source(%dma_start3A_482 : memref<10240x64xf32, #tpu.memory_space<hbm>>) target(%dma_start3A_472 : memref<125x64xf32, #tpu.memory_space<vmem>>) offsets(%dma_start3A_475 : memref<125xi32, #tpu.memory_space<vmem>>) semaphore(%arg14 : memref<!tpu.dma_semaphore, #tpu.memory_space<semaphore_mem>>)
      } else {
      }
      %scan3A_443 = arith.constant 0 : i32
      scf.yield %scan3A_443 : i32
    }
    %scan3A_107 = arith.constant 40 : i32
    %dma_wait3A = arith.constant 0 : i32
    %dma_wait3A_108 = arith.constant 0 : i32
    %dma_wait3A_109 = arith.constant 0 : i32
    %dma_wait3A_110 = tpu.memref_slice %arg10[%dma_wait3A, %dma_wait3A_108, %dma_wait3A_109] : memref<4x125x64xf32, #tpu.memory_space<vmem>> -> memref<1x125x64xf32, #tpu.memory_space<vmem>>
    %dma_wait3A_111 = tpu.memref_squeeze %dma_wait3A_110 : memref<1x125x64xf32, #tpu.memory_space<vmem>> -> memref<125x64xf32, #tpu.memory_space<vmem>>
    %dma_wait3A_112 = arith.constant 0 : i32
    %dma_wait3A_113 = arith.constant 0 : i32
    %dma_wait3A_114 = tpu.memref_slice %arg12[%dma_wait3A_112, %dma_wait3A_113] : memref<10240x64xf32, #tpu.memory_space<vmem_shared>> -> memref<125x64xf32, #tpu.memory_space<vmem_shared>>
    %dma_wait3A_115 = arith.constant 0 : i32
    %dma_wait3A_116 = arith.constant 0 : i32
    %dma_wait3A_117 = tpu.memref_slice %arg12[%dma_wait3A_115, %dma_wait3A_116] : memref<10240x64xf32, #tpu.memory_space<vmem_shared>> -> memref<125x64xf32, #tpu.memory_space<vmem_shared>>
    %dma_wait3A_118 = arith.constant 0 : i32
    %dma_wait3A_119 = arith.constant 0 : i32
    %dma_wait3A_120 = tpu.memref_slice %arg10[%dma_wait3A, %dma_wait3A_118, %dma_wait3A_119] : memref<4x125x64xf32, #tpu.memory_space<vmem>> -> memref<1x125x64xf32, #tpu.memory_space<vmem>>
    %dma_wait3A_121 = tpu.memref_squeeze %dma_wait3A_120 : memref<1x125x64xf32, #tpu.memory_space<vmem>> -> memref<125x64xf32, #tpu.memory_space<vmem>>
    tpu.wait_dma2 semaphore(%arg17 : memref<!tpu.dma_semaphore, #tpu.memory_space<semaphore_mem>>) src(%dma_wait3A_121 : memref<125x64xf32, #tpu.memory_space<vmem>>) dst(%dma_wait3A_117 : memref<125x64xf32, #tpu.memory_space<vmem_shared>>)
    %dma_wait3A_122 = arith.constant 1 : i32
    %dma_wait3A_123 = arith.constant 0 : i32
    %dma_wait3A_124 = arith.constant 0 : i32
    %dma_wait3A_125 = tpu.memref_slice %arg10[%dma_wait3A_122, %dma_wait3A_123, %dma_wait3A_124] : memref<4x125x64xf32, #tpu.memory_space<vmem>> -> memref<1x125x64xf32, #tpu.memory_space<vmem>>
    %dma_wait3A_126 = tpu.memref_squeeze %dma_wait3A_125 : memref<1x125x64xf32, #tpu.memory_space<vmem>> -> memref<125x64xf32, #tpu.memory_space<vmem>>
    %dma_wait3A_127 = arith.constant 0 : i32
    %dma_wait3A_128 = arith.constant 0 : i32
    %dma_wait3A_129 = tpu.memref_slice %arg12[%dma_wait3A_127, %dma_wait3A_128] : memref<10240x64xf32, #tpu.memory_space<vmem_shared>> -> memref<125x64xf32, #tpu.memory_space<vmem_shared>>
    %dma_wait3A_130 = arith.constant 0 : i32
    %dma_wait3A_131 = arith.constant 0 : i32
    %dma_wait3A_132 = tpu.memref_slice %arg12[%dma_wait3A_130, %dma_wait3A_131] : memref<10240x64xf32, #tpu.memory_space<vmem_shared>> -> memref<125x64xf32, #tpu.memory_space<vmem_shared>>
    %dma_wait3A_133 = arith.constant 0 : i32
    %dma_wait3A_134 = arith.constant 0 : i32
    %dma_wait3A_135 = tpu.memref_slice %arg10[%dma_wait3A_122, %dma_wait3A_133, %dma_wait3A_134] : memref<4x125x64xf32, #tpu.memory_space<vmem>> -> memref<1x125x64xf32, #tpu.memory_space<vmem>>
    %dma_wait3A_136 = tpu.memref_squeeze %dma_wait3A_135 : memref<1x125x64xf32, #tpu.memory_space<vmem>> -> memref<125x64xf32, #tpu.memory_space<vmem>>
    tpu.wait_dma2 semaphore(%arg18 : memref<!tpu.dma_semaphore, #tpu.memory_space<semaphore_mem>>) src(%dma_wait3A_136 : memref<125x64xf32, #tpu.memory_space<vmem>>) dst(%dma_wait3A_132 : memref<125x64xf32, #tpu.memory_space<vmem_shared>>)
    %dma_wait3A_137 = arith.constant 2 : i32
    %dma_wait3A_138 = arith.constant 0 : i32
    %dma_wait3A_139 = arith.constant 0 : i32
    %dma_wait3A_140 = tpu.memref_slice %arg10[%dma_wait3A_137, %dma_wait3A_138, %dma_wait3A_139] : memref<4x125x64xf32, #tpu.memory_space<vmem>> -> memref<1x125x64xf32, #tpu.memory_space<vmem>>
    %dma_wait3A_141 = tpu.memref_squeeze %dma_wait3A_140 : memref<1x125x64xf32, #tpu.memory_space<vmem>> -> memref<125x64xf32, #tpu.memory_space<vmem>>
    %dma_wait3A_142 = arith.constant 0 : i32
    %dma_wait3A_143 = arith.constant 0 : i32
    %dma_wait3A_144 = tpu.memref_slice %arg12[%dma_wait3A_142, %dma_wait3A_143] : memref<10240x64xf32, #tpu.memory_space<vmem_shared>> -> memref<125x64xf32, #tpu.memory_space<vmem_shared>>
    %dma_wait3A_145 = arith.constant 0 : i32
    %dma_wait3A_146 = arith.constant 0 : i32
    %dma_wait3A_147 = tpu.memref_slice %arg12[%dma_wait3A_145, %dma_wait3A_146] : memref<10240x64xf32, #tpu.memory_space<vmem_shared>> -> memref<125x64xf32, #tpu.memory_space<vmem_shared>>
    %dma_wait3A_148 = arith.constant 0 : i32
    %dma_wait3A_149 = arith.constant 0 : i32
    %dma_wait3A_150 = tpu.memref_slice %arg10[%dma_wait3A_137, %dma_wait3A_148, %dma_wait3A_149] : memref<4x125x64xf32, #tpu.memory_space<vmem>> -> memref<1x125x64xf32, #tpu.memory_space<vmem>>
    %dma_wait3A_151 = tpu.memref_squeeze %dma_wait3A_150 : memref<1x125x64xf32, #tpu.memory_space<vmem>> -> memref<125x64xf32, #tpu.memory_space<vmem>>
    tpu.wait_dma2 semaphore(%arg19 : memref<!tpu.dma_semaphore, #tpu.memory_space<semaphore_mem>>) src(%dma_wait3A_151 : memref<125x64xf32, #tpu.memory_space<vmem>>) dst(%dma_wait3A_147 : memref<125x64xf32, #tpu.memory_space<vmem_shared>>)
    %dma_wait3A_152 = arith.constant 3 : i32
    %dma_wait3A_153 = arith.constant 0 : i32
    %dma_wait3A_154 = arith.constant 0 : i32
    %dma_wait3A_155 = tpu.memref_slice %arg10[%dma_wait3A_152, %dma_wait3A_153, %dma_wait3A_154] : memref<4x125x64xf32, #tpu.memory_space<vmem>> -> memref<1x125x64xf32, #tpu.memory_space<vmem>>
    %dma_wait3A_156 = tpu.memref_squeeze %dma_wait3A_155 : memref<1x125x64xf32, #tpu.memory_space<vmem>> -> memref<125x64xf32, #tpu.memory_space<vmem>>
    %dma_wait3A_157 = arith.constant 0 : i32
    %dma_wait3A_158 = arith.constant 0 : i32
    %dma_wait3A_159 = tpu.memref_slice %arg12[%dma_wait3A_157, %dma_wait3A_158] : memref<10240x64xf32, #tpu.memory_space<vmem_shared>> -> memref<125x64xf32, #tpu.memory_space<vmem_shared>>
    %dma_wait3A_160 = arith.constant 0 : i32
    %dma_wait3A_161 = arith.constant 0 : i32
    %dma_wait3A_162 = tpu.memref_slice %arg12[%dma_wait3A_160, %dma_wait3A_161] : memref<10240x64xf32, #tpu.memory_space<vmem_shared>> -> memref<125x64xf32, #tpu.memory_space<vmem_shared>>
    %dma_wait3A_163 = arith.constant 0 : i32
    %dma_wait3A_164 = arith.constant 0 : i32
    %dma_wait3A_165 = tpu.memref_slice %arg10[%dma_wait3A_152, %dma_wait3A_163, %dma_wait3A_164] : memref<4x125x64xf32, #tpu.memory_space<vmem>> -> memref<1x125x64xf32, #tpu.memory_space<vmem>>
    %dma_wait3A_166 = tpu.memref_squeeze %dma_wait3A_165 : memref<1x125x64xf32, #tpu.memory_space<vmem>> -> memref<125x64xf32, #tpu.memory_space<vmem>>
    tpu.wait_dma2 semaphore(%arg20 : memref<!tpu.dma_semaphore, #tpu.memory_space<semaphore_mem>>) src(%dma_wait3A_166 : memref<125x64xf32, #tpu.memory_space<vmem>>) dst(%dma_wait3A_162 : memref<125x64xf32, #tpu.memory_space<vmem_shared>>)
    %barrier3A_167 = arith.constant 0 : index
    tpu.barrier barrier_id(%barrier3A_167)
    %mul3A_168 = arith.constant 640 : i32
    %mul3A_169 = arith.muli %arg1, %mul3A_168 : i32
    "tpu.region"() ({
      %run_scoped3A = tpu.sem_alloc : memref<!tpu.dma_semaphore, #tpu.memory_space<semaphore_mem>>
      %dma_start3A_170 = arith.constant 0 : i32
      %dma_start3A_171 = tpu.memref_slice %arg6[%arg0, %mul3A_169, %dma_start3A_170] : memref<2x10240x64xf32, #tpu.memory_space<hbm>> -> memref<1x640x64xf32, #tpu.memory_space<hbm>>
      %dma_start3A_172 = tpu.memref_squeeze %dma_start3A_171 : memref<1x640x64xf32, #tpu.memory_space<hbm>> -> memref<640x64xf32, #tpu.memory_space<hbm>>
      %dma_start3A_173 = arith.constant 0 : i32
      %dma_start3A_174 = tpu.memref_slice %arg12[%mul3A_169, %dma_start3A_173] : memref<10240x64xf32, #tpu.memory_space<vmem_shared>> -> memref<640x64xf32, #tpu.memory_space<vmem_shared>>
      tpu.enqueue_dma source(%dma_start3A_174 : memref<640x64xf32, #tpu.memory_space<vmem_shared>>) target(%dma_start3A_172 : memref<640x64xf32, #tpu.memory_space<hbm>>) target_semaphore(%run_scoped3A : memref<!tpu.dma_semaphore, #tpu.memory_space<semaphore_mem>>)
      %dma_wait3A_175 = arith.constant 0 : i32
      %dma_wait3A_176 = tpu.memref_slice %arg6[%arg0, %mul3A_169, %dma_wait3A_175] : memref<2x10240x64xf32, #tpu.memory_space<hbm>> -> memref<1x640x64xf32, #tpu.memory_space<hbm>>
      %dma_wait3A_177 = tpu.memref_squeeze %dma_wait3A_176 : memref<1x640x64xf32, #tpu.memory_space<hbm>> -> memref<640x64xf32, #tpu.memory_space<hbm>>
      %dma_wait3A_178 = arith.constant 0 : i32
      %dma_wait3A_179 = tpu.memref_slice %arg12[%mul3A_169, %dma_wait3A_178] : memref<10240x64xf32, #tpu.memory_space<vmem_shared>> -> memref<640x64xf32, #tpu.memory_space<vmem_shared>>
      tpu.wait_dma2 semaphore(%run_scoped3A : memref<!tpu.dma_semaphore, #tpu.memory_space<semaphore_mem>>) src(%dma_wait3A_179 : memref<640x64xf32, #tpu.memory_space<vmem_shared>>) dst(%dma_wait3A_177 : memref<640x64xf32, #tpu.memory_space<hbm>>)
      tpu.yield
    }) : () -> ()
    return
  }
}

module attributes {stable_mosaic.version = 14 : i64} {
  func.func @_ew16_body(%arg0: i32, %arg1: memref<200x160xf32, #tpu.memory_space<vmem>>, %arg2: memref<200x2560xf32, #tpu.memory_space<vmem>>) attributes {dimension_semantics = [#tpu.dimension_semantics<arbitrary>], iteration_bounds = array<i64: 10>, scalar_prefetch = 0 : i64, scratch_operands = 0 : i64, tpu.core_type = #tpu.core_type<tc>, window_params = [{transform_indices = @transform_0, window_bounds = array<i64: 200, 160>}, {transform_indices = @transform_1, window_bounds = array<i64: 200, 2560>}]} {
    %iota3A = tpu.iota {dimensions = array<i32: 0>} : vector<160x2560xi32>
    %iota3A_0 = tpu.iota {dimensions = array<i32: 1>} : vector<160x2560xi32>
    %jit3A = arith.constant 16 : i32
    %div3A = vector.broadcast %jit3A : i32 to vector<160x2560xi32>
    %div3A_1 = arith.divsi %iota3A_0, %div3A : vector<160x2560xi32>
    %sign3A = arith.constant 0 : i32
    %sign3A_2 = vector.broadcast %sign3A : i32 to vector<160x2560xi32>
    %sign3A_3 = arith.cmpi sgt, %iota3A_0, %sign3A_2 : vector<160x2560xi32>
    %sign3A_4 = arith.extui %sign3A_3 : vector<160x2560xi1> to vector<160x2560xi32>
    %sign3A_5 = arith.constant 0 : i32
    %sign3A_6 = vector.broadcast %sign3A_5 : i32 to vector<160x2560xi32>
    %sign3A_7 = arith.cmpi slt, %iota3A_0, %sign3A_6 : vector<160x2560xi32>
    %sign3A_8 = arith.extui %sign3A_7 : vector<160x2560xi1> to vector<160x2560xi32>
    %sign3A_9 = arith.subi %sign3A_4, %sign3A_8 : vector<160x2560xi32>
    %sign3A_10 = arith.constant 0 : i32
    %sign3A_11 = arith.cmpi sgt, %jit3A, %sign3A_10 : i32
    %sign3A_12 = arith.extui %sign3A_11 : i1 to i32
    %sign3A_13 = arith.constant 0 : i32
    %sign3A_14 = arith.cmpi slt, %jit3A, %sign3A_13 : i32
    %sign3A_15 = arith.extui %sign3A_14 : i1 to i32
    %sign3A_16 = arith.subi %sign3A_12, %sign3A_15 : i32
    %ne3A = vector.broadcast %sign3A_16 : i32 to vector<160x2560xi32>
    %ne3A_17 = arith.cmpi ne, %sign3A_9, %ne3A : vector<160x2560xi32>
    %rem3A = vector.broadcast %jit3A : i32 to vector<160x2560xi32>
    %rem3A_18 = arith.remsi %iota3A_0, %rem3A : vector<160x2560xi32>
    %ne3A_19 = arith.constant 0 : i32
    %ne3A_20 = vector.broadcast %ne3A_19 : i32 to vector<160x2560xi32>
    %ne3A_21 = arith.cmpi ne, %rem3A_18, %ne3A_20 : vector<160x2560xi32>
    %and3A = arith.andi %ne3A_17, %ne3A_21 : vector<160x2560xi1>
    %sub3A = arith.constant 1 : i32
    %sub3A_22 = vector.broadcast %sub3A : i32 to vector<160x2560xi32>
    %sub3A_23 = arith.subi %div3A_1, %sub3A_22 : vector<160x2560xi32>
    %select_n3A = arith.select %and3A, %sub3A_23, %div3A_1 : vector<160x2560xi1>, vector<160x2560xi32>
    %eq3A = arith.cmpi eq, %select_n3A, %iota3A : vector<160x2560xi32>
    %convert_element_type3A = arith.extui %eq3A : vector<160x2560xi1> to vector<160x2560xi32>
    %convert_element_type3A_24 = arith.sitofp %convert_element_type3A : vector<160x2560xi32> to vector<160x2560xf32>
    %get3A = arith.constant 0 : index
    %get3A_25 = arith.constant 0 : index
    %get3A_26 = vector.load %arg1[%get3A, %get3A_25] : memref<200x160xf32, #tpu.memory_space<vmem>>, vector<200x160xf32>
    %dot_general3A = arith.constant dense<0.000000e+00> : vector<200x2560xf32>
    %dot_general3A_27 = tpu.matmul %get3A_26, %convert_element_type3A_24, %dot_general3A {dimension_numbers = #tpu.dot_dimension_numbers<[1], [0], [0], [1], [0, 0, 1, 1], [], []>, transpose_lhs_hint = false} : vector<200x160xf32>, vector<160x2560xf32>, vector<200x2560xf32> -> vector<200x2560xf32>
    %swap3A = arith.constant 0 : index
    %swap3A_28 = arith.constant 0 : index
    %swap3A_29 = vector.load %arg2[%swap3A, %swap3A_28] : memref<200x2560xf32, #tpu.memory_space<vmem>>, vector<200x2560xf32>
    tpu.vector_store %arg2[%swap3A, %swap3A_28], %dot_general3A_27 {strides = array<i32>} : memref<200x2560xf32, #tpu.memory_space<vmem>>, vector<200x2560xf32>,
    return
  }
  func.func @transform_0(%arg0: i32) -> (i32, i32) {
    %c0_i32 = arith.constant 0 : i32
    %c0_i32_0 = arith.constant 0 : i32
    return %arg0, %c0_i32 : i32, i32
  }
  func.func @transform_1(%arg0: i32) -> (i32, i32) {
    %c0_i32 = arith.constant 0 : i32
    %c0_i32_0 = arith.constant 0 : i32
    return %arg0, %c0_i32 : i32, i32
  }
}

module attributes {stable_mosaic.version = 14 : i64} {
  func.func @_y_body(%arg0: i32, %arg1: memref<2048x1xf32, #tpu.memory_space<vmem>>, %arg2: memref<2048x1xf32, #tpu.memory_space<vmem>>, %arg3: memref<2048x128xf32, #tpu.memory_space<vmem>>, %arg4: memref<2x2048x64xf32, #tpu.memory_space<vmem>>) attributes {dimension_semantics = [#tpu.dimension_semantics<arbitrary>], iteration_bounds = array<i64: 5>, scalar_prefetch = 0 : i64, scratch_operands = 0 : i64, tpu.core_type = #tpu.core_type<tc>, window_params = [{transform_indices = @transform_0, window_bounds = array<i64: 2048, 1>}, {transform_indices = @transform_1, window_bounds = array<i64: 2048, 1>}, {transform_indices = @transform_2, window_bounds = array<i64: 2048, 128>}, {transform_indices = @transform_3, window_bounds = array<i64: 2, 2048, 64>}]} {
    %get3A = arith.constant 0 : index
    %get3A_0 = arith.constant 0 : index
    %get3A_1 = vector.load %arg1[%get3A, %get3A_0] : memref<2048x1xf32, #tpu.memory_space<vmem>>, vector<2048x1xf32>
    %get3A_2 = arith.constant 0 : index
    %get3A_3 = arith.constant 0 : index
    %get3A_4 = vector.load %arg2[%get3A_2, %get3A_3] : memref<2048x1xf32, #tpu.memory_space<vmem>>, vector<2048x1xf32>
    %add3A = arith.addf %get3A_1, %get3A_4 : vector<2048x1xf32>
    %add3A_5 = arith.constant 1.000000e+00 : f32
    %add3A_6 = vector.broadcast %add3A_5 : f32 to vector<2048x1xf32>
    %add3A_7 = arith.addf %add3A, %add3A_6 : vector<2048x1xf32>
    %rsqrt3A = math.rsqrt %add3A_7 : vector<2048x1xf32>
    %get3A_8 = arith.constant 0 : index
    %get3A_9 = arith.constant 0 : index
    %get3A_10 = vector.load %arg3[%get3A_8, %get3A_9] : memref<2048x128xf32, #tpu.memory_space<vmem>>, vector<2048x64xf32>
    %mul3A = vector.broadcast %rsqrt3A : vector<2048x1xf32> to vector<2048x64xf32>
    %mul3A_11 = arith.mulf %get3A_10, %mul3A : vector<2048x64xf32>
    %swap3A = arith.constant 0 : index
    %swap3A_12 = arith.constant 0 : index
    %swap3A_13 = arith.constant 0 : index
    %swap3A_14 = vector.load %arg4[%swap3A, %swap3A_12, %swap3A_13] : memref<2x2048x64xf32, #tpu.memory_space<vmem>>, vector<1x2048x64xf32>
    %swap3A_15 = vector.shape_cast %swap3A_14 : vector<1x2048x64xf32> to vector<2048x64xf32>
    %swap3A_16 = vector.shape_cast %mul3A_11 : vector<2048x64xf32> to vector<1x2048x64xf32>
    tpu.vector_store %arg4[%swap3A, %swap3A_12, %swap3A_13], %swap3A_16 {strides = array<i32>} : memref<2x2048x64xf32, #tpu.memory_space<vmem>>, vector<1x2048x64xf32>,
    %get3A_17 = arith.constant 0 : index
    %get3A_18 = arith.constant 64 : index
    %get3A_19 = vector.load %arg3[%get3A_17, %get3A_18] : memref<2048x128xf32, #tpu.memory_space<vmem>>, vector<2048x64xf32>
    %mul3A_20 = vector.broadcast %rsqrt3A : vector<2048x1xf32> to vector<2048x64xf32>
    %mul3A_21 = arith.mulf %get3A_19, %mul3A_20 : vector<2048x64xf32>
    %swap3A_22 = arith.constant 1 : index
    %swap3A_23 = arith.constant 0 : index
    %swap3A_24 = arith.constant 0 : index
    %swap3A_25 = vector.load %arg4[%swap3A_22, %swap3A_23, %swap3A_24] : memref<2x2048x64xf32, #tpu.memory_space<vmem>>, vector<1x2048x64xf32>
    %swap3A_26 = vector.shape_cast %swap3A_25 : vector<1x2048x64xf32> to vector<2048x64xf32>
    %swap3A_27 = vector.shape_cast %mul3A_21 : vector<2048x64xf32> to vector<1x2048x64xf32>
    tpu.vector_store %arg4[%swap3A_22, %swap3A_23, %swap3A_24], %swap3A_27 {strides = array<i32>} : memref<2x2048x64xf32, #tpu.memory_space<vmem>>, vector<1x2048x64xf32>,
    return
  }
  func.func @transform_0(%arg0: i32) -> (i32, i32) {
    %c0_i32 = arith.constant 0 : i32
    %c0_i32_0 = arith.constant 0 : i32
    return %arg0, %c0_i32 : i32, i32
  }
  func.func @transform_1(%arg0: i32) -> (i32, i32) {
    %c0_i32 = arith.constant 0 : i32
    %c0_i32_0 = arith.constant 0 : i32
    return %arg0, %c0_i32 : i32, i32
  }
  func.func @transform_2(%arg0: i32) -> (i32, i32) {
    %c0_i32 = arith.constant 0 : i32
    %c0_i32_0 = arith.constant 0 : i32
    return %arg0, %c0_i32 : i32, i32
  }
  func.func @transform_3(%arg0: i32) -> (i32, i32, i32) {
    %c0_i32 = arith.constant 0 : i32
    %c0_i32_0 = arith.constant 0 : i32
    %c0_i32_1 = arith.constant 0 : i32
    return %c0_i32, %arg0, %c0_i32_0 : i32, i32, i32
  }
}

module attributes {stable_mosaic.version = 14 : i64} {
  func.func @_head_body(%arg0: i32, %arg1: memref<2048x1xf32, #tpu.memory_space<vmem>>, %arg2: memref<2048x1xf32, #tpu.memory_space<vmem>>, %arg3: memref<2x2048x64xf32, #tpu.memory_space<vmem>>, %arg4: memref<2x2048x64xf32, #tpu.memory_space<vmem>>, %arg5: memref<128x128xf32, #tpu.memory_space<vmem>>, %arg6: memref<128x128xf32, #tpu.memory_space<vmem>>, %arg7: memref<1x128xf32, #tpu.memory_space<vmem>>, %arg8: memref<1x128xf32, #tpu.memory_space<vmem>>, %arg9: memref<128x128xf32, #tpu.memory_space<vmem>>, %arg10: memref<1x128xf32, #tpu.memory_space<vmem>>, %arg11: memref<2048x128xf32, #tpu.memory_space<vmem>>) attributes {dimension_semantics = [#tpu.dimension_semantics<arbitrary>], iteration_bounds = array<i64: 5>, scalar_prefetch = 0 : i64, scratch_operands = 0 : i64, tpu.core_type = #tpu.core_type<tc>, window_params = [{transform_indices = @transform_0, window_bounds = array<i64: 2048, 1>}, {transform_indices = @transform_1, window_bounds = array<i64: 2048, 1>}, {transform_indices = @transform_2, window_bounds = array<i64: 2, 2048, 64>}, {transform_indices = @transform_3, window_bounds = array<i64: 2, 2048, 64>}, {pipeline_mode = #tpu.pipeline_mode<synchronous>, transform_indices = @transform_4, window_bounds = array<i64: 128, 128>}, {pipeline_mode = #tpu.pipeline_mode<synchronous>, transform_indices = @transform_5, window_bounds = array<i64: 128, 128>}, {pipeline_mode = #tpu.pipeline_mode<synchronous>, transform_indices = @transform_6, window_bounds = array<i64: 1, 128>}, {pipeline_mode = #tpu.pipeline_mode<synchronous>, transform_indices = @transform_7, window_bounds = array<i64: 1, 128>}, {pipeline_mode = #tpu.pipeline_mode<synchronous>, transform_indices = @transform_8, window_bounds = array<i64: 128, 128>}, {pipeline_mode = #tpu.pipeline_mode<synchronous>, transform_indices = @transform_9, window_bounds = array<i64: 1, 128>}, {transform_indices = @transform_10, window_bounds = array<i64: 2048, 128>}]} {
    %get3A = arith.constant 0 : index
    %get3A_0 = arith.constant 0 : index
    %get3A_1 = vector.load %arg1[%get3A, %get3A_0] : memref<2048x1xf32, #tpu.memory_space<vmem>>, vector<2048x1xf32>
    %get3A_2 = arith.constant 0 : index
    %get3A_3 = arith.constant 0 : index
    %get3A_4 = vector.load %arg2[%get3A_2, %get3A_3] : memref<2048x1xf32, #tpu.memory_space<vmem>>, vector<2048x1xf32>
    %add3A = arith.addf %get3A_1, %get3A_4 : vector<2048x1xf32>
    %add3A_5 = arith.constant 1.000000e+00 : f32
    %add3A_6 = vector.broadcast %add3A_5 : f32 to vector<2048x1xf32>
    %add3A_7 = arith.addf %add3A, %add3A_6 : vector<2048x1xf32>
    %rsqrt3A = math.rsqrt %add3A_7 : vector<2048x1xf32>
    %get3A_8 = arith.constant 0 : index
    %get3A_9 = arith.constant 0 : index
    %get3A_10 = arith.constant 0 : index
    %get3A_11 = vector.load %arg3[%get3A_8, %get3A_9, %get3A_10] : memref<2x2048x64xf32, #tpu.memory_space<vmem>>, vector<1x2048x64xf32>
    %get3A_12 = vector.shape_cast %get3A_11 : vector<1x2048x64xf32> to vector<2048x64xf32>
    %get3A_13 = arith.constant 0 : index
    %get3A_14 = arith.constant 0 : index
    %get3A_15 = arith.constant 0 : index
    %get3A_16 = vector.load %arg4[%get3A_13, %get3A_14, %get3A_15] : memref<2x2048x64xf32, #tpu.memory_space<vmem>>, vector<1x2048x64xf32>
    %get3A_17 = vector.shape_cast %get3A_16 : vector<1x2048x64xf32> to vector<2048x64xf32>
    %add3A_18 = arith.addf %get3A_12, %get3A_17 : vector<2048x64xf32>
    %get3A_19 = arith.constant 1 : index
    %get3A_20 = arith.constant 0 : index
    %get3A_21 = arith.constant 0 : index
    %get3A_22 = vector.load %arg3[%get3A_19, %get3A_20, %get3A_21] : memref<2x2048x64xf32, #tpu.memory_space<vmem>>, vector<1x2048x64xf32>
    %get3A_23 = vector.shape_cast %get3A_22 : vector<1x2048x64xf32> to vector<2048x64xf32>
    %get3A_24 = arith.constant 1 : index
    %get3A_25 = arith.constant 0 : index
    %get3A_26 = arith.constant 0 : index
    %get3A_27 = vector.load %arg4[%get3A_24, %get3A_25, %get3A_26] : memref<2x2048x64xf32, #tpu.memory_space<vmem>>, vector<1x2048x64xf32>
    %get3A_28 = vector.shape_cast %get3A_27 : vector<1x2048x64xf32> to vector<2048x64xf32>
    %add3A_29 = arith.addf %get3A_23, %get3A_28 : vector<2048x64xf32>
    %concatenate3A = tpu.concatenate %add3A_18, %add3A_29 in 1 : vector<2048x64xf32>, vector<2048x64xf32> -> vector<2048x128xf32>
    %mul3A = vector.broadcast %rsqrt3A : vector<2048x1xf32> to vector<2048x128xf32>
    %mul3A_30 = arith.mulf %concatenate3A, %mul3A : vector<2048x128xf32>
    %get3A_31 = arith.constant 0 : index
    %get3A_32 = arith.constant 0 : index
    %get3A_33 = vector.load %arg5[%get3A_31, %get3A_32] : memref<128x128xf32, #tpu.memory_space<vmem>>, vector<128x128xf32>
    %dot_general3A = arith.constant dense<0.000000e+00> : vector<2048x128xf32>
    %dot_general3A_34 = tpu.matmul %mul3A_30, %get3A_33, %dot_general3A {dimension_numbers = #tpu.dot_dimension_numbers<[1], [0], [0], [1], [0, 0, 1, 1], [], []>, transpose_lhs_hint = false} : vector<2048x128xf32>, vector<128x128xf32>, vector<2048x128xf32> -> vector<2048x128xf32>
    %get3A_35 = arith.constant 0 : index
    %get3A_36 = arith.constant 0 : index
    %get3A_37 = vector.load %arg7[%get3A_35, %get3A_36] : memref<1x128xf32, #tpu.memory_space<vmem>>, vector<1x128xf32>
    %add3A_38 = vector.broadcast %get3A_37 : vector<1x128xf32> to vector<2048x128xf32>
    %add3A_39 = arith.addf %dot_general3A_34, %add3A_38 : vector<2048x128xf32>
    %logistic3A = arith.negf %add3A_39 : vector<2048x128xf32>
    %logistic3A_40 = math.exp %logistic3A : vector<2048x128xf32>
    %logistic3A_41 = arith.constant 1.000000e+00 : f32
    %logistic3A_42 = vector.broadcast %logistic3A_41 : f32 to vector<2048x128xf32>
    %logistic3A_43 = arith.addf %logistic3A_42, %logistic3A_40 : vector<2048x128xf32>
    %logistic3A_44 = arith.divf %logistic3A_42, %logistic3A_43 : vector<2048x128xf32>
    %get3A_45 = arith.constant 0 : index
    %get3A_46 = arith.constant 0 : index
    %get3A_47 = vector.load %arg6[%get3A_45, %get3A_46] : memref<128x128xf32, #tpu.memory_space<vmem>>, vector<128x128xf32>
    %dot_general3A_48 = arith.constant dense<0.000000e+00> : vector<2048x128xf32>
    %dot_general3A_49 = tpu.matmul %mul3A_30, %get3A_47, %dot_general3A_48 {dimension_numbers = #tpu.dot_dimension_numbers<[1], [0], [0], [1], [0, 0, 1, 1], [], []>, transpose_lhs_hint = false} : vector<2048x128xf32>, vector<128x128xf32>, vector<2048x128xf32> -> vector<2048x128xf32>
    %get3A_50 = arith.constant 0 : index
    %get3A_51 = arith.constant 0 : index
    %get3A_52 = vector.load %arg8[%get3A_50, %get3A_51] : memref<1x128xf32, #tpu.memory_space<vmem>>, vector<1x128xf32>
    %add3A_53 = vector.broadcast %get3A_52 : vector<1x128xf32> to vector<2048x128xf32>
    %add3A_54 = arith.addf %dot_general3A_49, %add3A_53 : vector<2048x128xf32>
    %tanh3A = math.tanh %add3A_54 : vector<2048x128xf32>
    %sub3A = arith.constant 1.000000e+00 : f32
    %sub3A_55 = vector.broadcast %sub3A : f32 to vector<2048x128xf32>
    %sub3A_56 = arith.subf %sub3A_55, %logistic3A_44 : vector<2048x128xf32>
    %mul3A_57 = arith.mulf %sub3A_56, %tanh3A : vector<2048x128xf32>
    %max3A = arith.constant 0.000000e+00 : f32
    %max3A_58 = vector.broadcast %max3A : f32 to vector<2048x128xf32>
    %max3A_59 = arith.maximumf %mul3A_57, %max3A_58 : vector<2048x128xf32>
    %get3A_60 = arith.constant 0 : index
    %get3A_61 = arith.constant 0 : index
    %get3A_62 = vector.load %arg9[%get3A_60, %get3A_61] : memref<128x128xf32, #tpu.memory_space<vmem>>, vector<128x128xf32>
    %dot_general3A_63 = arith.constant dense<0.000000e+00> : vector<2048x128xf32>
    %dot_general3A_64 = tpu.matmul %max3A_59, %get3A_62, %dot_general3A_63 {dimension_numbers = #tpu.dot_dimension_numbers<[1], [0], [0], [1], [0, 0, 1, 1], [], []>, transpose_lhs_hint = false} : vector<2048x128xf32>, vector<128x128xf32>, vector<2048x128xf32> -> vector<2048x128xf32>
    %get3A_65 = arith.constant 0 : index
    %get3A_66 = arith.constant 0 : index
    %get3A_67 = vector.load %arg10[%get3A_65, %get3A_66] : memref<1x128xf32, #tpu.memory_space<vmem>>, vector<1x128xf32>
    %add3A_68 = vector.broadcast %get3A_67 : vector<1x128xf32> to vector<2048x128xf32>
    %add3A_69 = arith.addf %dot_general3A_64, %add3A_68 : vector<2048x128xf32>
    %reduce_max3A = arith.constant dense<0xFF800000> : vector<2048xf32>
    %reduce_max3A_70 = vector.multi_reduction <maximumf>, %add3A_69, %reduce_max3A [1] : vector<2048x128xf32> to vector<2048xf32>
    %broadcast_in_dim3A = vector.shape_cast %reduce_max3A_70 : vector<2048xf32> to vector<2048x1xf32>
    %sub3A_71 = vector.broadcast %broadcast_in_dim3A : vector<2048x1xf32> to vector<2048x128xf32>
    %sub3A_72 = arith.subf %add3A_69, %sub3A_71 : vector<2048x128xf32>
    %exp3A = math.exp %sub3A_72 : vector<2048x128xf32>
    %reduce_sum3A = arith.constant dense<0.000000e+00> : vector<2048xf32>
    %reduce_sum3A_73 = vector.multi_reduction <add>, %exp3A, %reduce_sum3A [1] : vector<2048x128xf32> to vector<2048xf32>
    %broadcast_in_dim3A_74 = vector.shape_cast %reduce_sum3A_73 : vector<2048xf32> to vector<2048x1xf32>
    %div3A = vector.broadcast %broadcast_in_dim3A_74 : vector<2048x1xf32> to vector<2048x128xf32>
    %div3A_75 = arith.divf %exp3A, %div3A : vector<2048x128xf32>
    %swap3A = arith.constant 0 : index
    %swap3A_76 = arith.constant 0 : index
    %swap3A_77 = vector.load %arg11[%swap3A, %swap3A_76] : memref<2048x128xf32, #tpu.memory_space<vmem>>, vector<2048x128xf32>
    tpu.vector_store %arg11[%swap3A, %swap3A_76], %div3A_75 {strides = array<i32>} : memref<2048x128xf32, #tpu.memory_space<vmem>>, vector<2048x128xf32>,
    return
  }
  func.func @transform_0(%arg0: i32) -> (i32, i32) {
    %c0_i32 = arith.constant 0 : i32
    %c0_i32_0 = arith.constant 0 : i32
    return %arg0, %c0_i32 : i32, i32
  }
  func.func @transform_1(%arg0: i32) -> (i32, i32) {
    %c0_i32 = arith.constant 0 : i32
    %c0_i32_0 = arith.constant 0 : i32
    return %arg0, %c0_i32 : i32, i32
  }
  func.func @transform_2(%arg0: i32) -> (i32, i32, i32) {
    %c0_i32 = arith.constant 0 : i32
    %c0_i32_0 = arith.constant 0 : i32
    %c0_i32_1 = arith.constant 0 : i32
    return %c0_i32, %arg0, %c0_i32_0 : i32, i32, i32
  }
  func.func @transform_3(%arg0: i32) -> (i32, i32, i32) {
    %c0_i32 = arith.constant 0 : i32
    %c0_i32_0 = arith.constant 0 : i32
    %c0_i32_1 = arith.constant 0 : i32
    return %c0_i32, %arg0, %c0_i32_0 : i32, i32, i32
  }
  func.func @transform_4(%arg0: i32) -> (i32, i32) {
    %c0_i32 = arith.constant 0 : i32
    %c0_i32_0 = arith.constant 0 : i32
    %c0_i32_1 = arith.constant 0 : i32
    return %c0_i32, %c0_i32_0 : i32, i32
  }
  func.func @transform_5(%arg0: i32) -> (i32, i32) {
    %c0_i32 = arith.constant 0 : i32
    %c0_i32_0 = arith.constant 0 : i32
    %c0_i32_1 = arith.constant 0 : i32
    return %c0_i32, %c0_i32_0 : i32, i32
  }
  func.func @transform_6(%arg0: i32) -> (i32, i32) {
    %c0_i32 = arith.constant 0 : i32
    %c0_i32_0 = arith.constant 0 : i32
    %c0_i32_1 = arith.constant 0 : i32
    return %c0_i32, %c0_i32_0 : i32, i32
  }
  func.func @transform_7(%arg0: i32) -> (i32, i32) {
    %c0_i32 = arith.constant 0 : i32
    %c0_i32_0 = arith.constant 0 : i32
    %c0_i32_1 = arith.constant 0 : i32
    return %c0_i32, %c0_i32_0 : i32, i32
  }
  func.func @transform_8(%arg0: i32) -> (i32, i32) {
    %c0_i32 = arith.constant 0 : i32
    %c0_i32_0 = arith.constant 0 : i32
    %c0_i32_1 = arith.constant 0 : i32
    return %c0_i32, %c0_i32_0 : i32, i32
  }
  func.func @transform_9(%arg0: i32) -> (i32, i32) {
    %c0_i32 = arith.constant 0 : i32
    %c0_i32_0 = arith.constant 0 : i32
    %c0_i32_1 = arith.constant 0 : i32
    return %c0_i32, %c0_i32_0 : i32, i32
  }
  func.func @transform_10(%arg0: i32) -> (i32, i32) {
    %c0_i32 = arith.constant 0 : i32
    %c0_i32_0 = arith.constant 0 : i32
    return %arg0, %c0_i32 : i32, i32
  }
}

</mosaic_0001>

<sc_bundles>
// kernel: kernel.10.cloned.1.call-start
scs
__scs_entry_jumppad:
0x0: {  	(pc) =	sbr.rel $0x88, $3  }
0x1: {  	(tag) =	ssettag $0x0;
	lr =	simm.s32 $0x1  }
0x2: {  	[smem:$0x3F94] =	sst lr;
	_ =	strace $0xD0000000  }
0x3: {  	_ = 	snop  }
0x4: {  	_ = 	snop  }
0x5: {  	_ = 	snop  }
0x6: {  	_ = 	snop  }
0x7: {  	_ = 	snop  }
__scs_overlays_trampoline_lowered:
0x8: {  	[smem:$0x3FA3] =	sst s0  }
0x9: {  	[smem:$0x3FA4] =	sst s1  }
0xa: {  	[smem:$0x3FA5] =	sst s2  }
0xb: {  	[smem:$0x3FA6] =	sst s3  }
0xc: {  	[smem:$0x3FA7] =	sst s4  }
0xd: {  	[smem:$0x3FA8] =	sst s5  }
0xe: {  	[smem:$0x3FA9] =	sst s6  }
0xf: {  	[smem:$0x3FAA] =	sst s7  }
0x10: {  	[smem:$0x3FAB] =	sst s8  }
0x11: {  	[smem:$0x3FAC] =	sst s9;
	s0 =	simm.s32 @!p0 $0x0  }
0x12: {  	s1 =	sld [smem:$0x3F92];
	s0 =	simm.s32 @p0 $0x1  }
0x13: {  	[smem:$0x3FAD] =	sst s0;
	s0 =	simm.s32 @!p1 $0x0  }
0x14: {  	s2 =	sld [smem:$0x3F91];
	s0 =	simm.s32 @p1 $0x1  }
0x15: {  	[smem:$0x3FAE] =	sst s0;
	s0 =	simm.s32 @!p2 $0x0  }
0x16: {  	s3 =	sld [smem:$0x3FDB];
	s0 =	simm.s32 @p2 $0x1  }
0x17: {  	s4 =	simm.s32 $0x1BF5;
	[smem:$0x3FB0] =	sst s0  }
0x18: {  	s0 =	sld [smem:$0x3F93];
	_ =	swait.ge [sflag:s4], $0x0  }
0x19: {  	s7 =	sld [smem:$0x3F94]  }
0x1a: {  	s8 =	sadd.s32 $0xFFFFE003, lr  }
0x1b: {  	s9 =	sadd.s32 $0xFFFFFEF7, lr;
	s5 =	simm.s32 $0xFFFFFFFF;
	p2 =	slt.u32 s8, $0xFFFFF086  }
0x1c: {  	p1 =	slt.u32 s9, $0xF7A;
	s5 =	simm.s32 @!p2 $0x0  }
0x1d: {  	s5 =	simm.s32 @p1 $0x1;
	p0 =	seq.s32 s7, s2  }
0x1e: {  	s7 =	smul.u32 @!p0 $0xF7A, s2;
	p2 =	seq.s32 @!p0 s5, $0x0  }
0x1f: {  	s9 =	smul.u32 $0xF7A, s1;
	s8 =	simm.s32 @!p0 $0x1BF5;
	p2 =	por !p2, p0  }
0x20: {  	[sflag:s8] =	ssyncset.s32 @!p0 $0xFFFFF086;
	s6 =	sadd.s32 @!p0 s3, s7;
	s7 =	simm.s32 @!p0 $0x108  }
0x21: {  	s3 =	sadd.s32 s3, s9;
	s6 =	sadd.s32 @!p0 $0x88, s6;
	s7 =	simm.s32 @p2 $0x1082  }
0x22: {  	[simem:s7], [sflag:s8] =	dma.local @!p0 [hbm:s6], $0xF7A  }
0x23: {  	s9 =	sor.u32 $0xD0000000, s2;
	s6 =	simm.s32 $0x108;
	_ =	swait.ge @!p0 [sflag:s8], $0x0  }
0x24: {  	s3 =	sadd.s32 $0x88, s3;
	s6 =	simm.s32 @!p1 $0x1082;
	[sflag:s4] =	ssyncset.s32 $0xFFFFF086  }
0x25: {  	[simem:s6], [sflag:s4] =	dma.local [hbm:s3], $0xF7A  }
0x26: {  	[smem:$0x3F94] =	sst s1;
	(tag) =	ssettag s2;
	_ =	strace s9  }
0x27: {  	s1 =	sld [smem:$0x3FA4]  }
0x28: {  	s2 =	sld [smem:$0x3FA5]  }
0x29: {  	s4 =	sld [smem:$0x3FA7]  }
0x2a: {  	p0 =	seq.s32 s5, $0x0;
	s5 =	sld [smem:$0x3FA8]  }
0x2b: {  	s6 =	sld [smem:$0x3FA9]  }
0x2c: {  	s7 =	sld [smem:$0x3FAA]  }
0x2d: {  	s3 =	simm.s32 $0x108;
	s8 =	sld [smem:$0x3FAB]  }
0x2e: {  	s3 =	simm.s32 @!p0 $0x1082;
	s9 =	sld [smem:$0x3FAC]  }
0x2f: {  	lr =	sadd.s32 s0, s3;
	s0 =	sld [smem:$0x3FA3]  }
0x30: {  	s3 =	sld [smem:$0x3FA6]  }
0x31: {  	[smem:$0x3FAF] =	sst s10  }
0x32: {  	s10 =	sld [smem:$0x3FAD];
	_ =	sdelay $0x3  }
0x33: {  	p0 =	seq.s32 s10, $0x1;
	s10 =	sld [smem:$0x3FAF];
	_ =	sdelay $0x3  }
0x34: {  	[smem:$0x3FAF] =	sst s10  }
0x35: {  	s10 =	sld [smem:$0x3FAE];
	_ =	sdelay $0x3  }
0x36: {  	p1 =	seq.s32 s10, $0x1;
	s10 =	sld [smem:$0x3FAF];
	_ =	sdelay $0x3  }
0x37: {  	[smem:$0x3FAF] =	sst s10  }
0x38: {  	s10 =	sld [smem:$0x3FB0]  }
0x39: {  	_ = 	snop;
	(pc) =	sbr.ind lr, $3  }
0x3a: {  	_ = 	snop  }
0x3b: {  	_ = 	snop  }
0x3c: {  	p2 =	seq.s32 s10, $0x1;
	s10 =	sld [smem:$0x3FAF]  }
0x3d: {  	_ =	shalt  }
0x3e: {  	_ =	shalt  }
0x3f: {  	_ =	shalt  }
0x40: {  	_ =	shalt  }
0x41: {  	_ =	shalt  }
0x42: {  	_ =	shalt  }
0x43: {  	_ =	shalt  }
0x44: {  	_ =	shalt  }
0x45: {  	_ =	shalt  }
0x46: {  	_ =	shalt  }
0x47: {  	_ =	shalt  }
0x48: {  	_ =	shalt  }
0x49: {  	_ =	shalt  }
0x4a: {  	_ =	shalt  }
0x4b: {  	_ =	shalt  }
0x4c: {  	_ =	shalt  }
0x4d: {  	_ =	shalt  }
0x4e: {  	_ =	shalt  }
0x4f: {  	_ =	shalt  }
0x50: {  	_ =	shalt  }
0x51: {  	_ =	shalt  }
0x52: {  	_ =	shalt  }
0x53: {  	_ =	shalt  }
0x54: {  	_ =	shalt  }
0x55: {  	_ =	shalt  }
0x56: {  	_ =	shalt  }
0x57: {  	_ =	shalt  }
0x58: {  	_ =	shalt  }
0x59: {  	_ =	shalt  }
0x5a: {  	_ =	shalt  }
0x5b: {  	_ =	shalt  }
0x5c: {  	_ =	shalt  }
0x5d: {  	_ =	shalt  }
0x5e: {  	_ =	shalt  }
0x5f: {  	_ =	shalt  }
0x60: {  	_ =	shalt  }
0x61: {  	_ =	shalt  }
0x62: {  	_ =	shalt  }
0x63: {  	_ =	shalt  }
0x64: {  	_ =	shalt  }
0x65: {  	_ =	shalt  }
0x66: {  	_ =	shalt  }
0x67: {  	_ =	shalt  }
0x68: {  	_ =	shalt  }
0x69: {  	_ =	shalt  }
0x6a: {  	_ =	shalt  }
0x6b: {  	_ =	shalt  }
0x6c: {  	_ =	shalt  }
0x6d: {  	_ =	shalt  }
0x6e: {  	_ =	shalt  }
0x6f: {  	_ =	shalt  }
0x70: {  	_ =	shalt  }
0x71: {  	_ =	shalt  }
0x72: {  	_ =	shalt  }
0x73: {  	_ =	shalt  }
0x74: {  	_ =	shalt  }
0x75: {  	_ =	shalt  }
0x76: {  	_ =	shalt  }
0x77: {  	_ =	shalt  }
0x78: {  	_ =	shalt  }
0x79: {  	_ =	shalt  }
0x7a: {  	_ =	shalt  }
0x7b: {  	_ =	shalt  }
0x7c: {  	_ =	shalt  }
0x7d: {  	_ =	shalt  }
0x7e: {  	_ =	shalt  }
0x7f: {  	_ =	shalt  }
0x80: {  	_ =	shalt  }
0x81: {  	_ =	shalt  }
0x82: {  	_ =	shalt  }
0x83: {  	_ =	shalt  }
0x84: {  	_ =	shalt  }
0x85: {  	_ =	shalt  }
0x86: {  	_ =	shalt  }
0x87: {  	_ =	shalt  }
.Lfunc_end0:
.L_simem_size_0:
called_computation.1_lowered:
.L_overlay_start_0:
0x88: {  	s2 =	sld [smem:$0x3FD9]  }
0x89: {  	s3 =	sld [smem:$0x3FFE];
	_ =	sdelay $0x1  }
0x8a: {  	s1 =	srdreg.scid  }
0x8b: {  	s0 =	sand.u32 $0x1, s1  }
0x8c: {  	s16 =	sshll.u32 s0, $0xA;
	s2 =	sadd.s32 s3, s2  }
0x8d: {  	s2 =	sadd.s32 s2, s16  }
0x8e: {  	[smem:$0x3FBB] =	sst s2  }
0x8f: {  	_ = 	snop  }
0x90: {  	(tm) =	ssettm $0x1  }
0x91: {  	s17 =	sld [smem:$0x3FFB];
	_ =	sdelay $0x3  }
0x92: {  	_ =	strace s17  }
0x93: {  	s2 =	sld [smem:$0x3FFC];
	_ =	sdelay $0x3  }
0x94: {  	_ =	strace s2  }
0x95: {  	s2 =	sld [smem:$0x3FFD];
	_ =	sdelay $0x3  }
0x96: {  	_ =	strace s2  }
0x97: {  	_ =	strace $0x8FFFFFFF  }
0x98: {  	s18 =	sld [smem:$0x3FDB];
	_ =	sdelay $0x1  }
0x99: {  	s19 =	simm.s32 $_scs_section_size  }
0x9a: {  	s4 =	simm.s32 $_size__tile_overlayer_lowered;
	s5 =	simm.s32 $_tile_overlayer_lowered  }
0x9b: {  	s22 =	simm.s32 $0x1BFF;
	s21 =	sshll.u32 s5, $0x1;
	s2 =	sadd.s32 s19, s18  }
0x9c: {  	s6 =	simm.s32 $0x0;
	s20 =	sshll.u32 s4, $0x1;
	s4 =	sadd.s32 s21, s2  }
0x9d: {  	[timem:s6], [sflag:s22] =	dma.local [hbm:s4], s20  }
0x9e: {  	_ =	swait.ge [sflag:s22], s20  }
0x9f: {  	s3 =	ssub.s32 $0x0, s20;
	[sflag:s22] =	ssyncset.done $0x0  }
0xa0: {  	[sflag:s22] =	ssyncadd.s32 s3;
	_ =	sdelay $0x1  }
0xa1: {  	s23 =	simm.s32 $0x1B8B  }
0xa2: {  	_ =	swait.ge [sflag:s23], $0x1  }
0xa3: {  	[sflag:s23] =	ssyncset.done $0x0  }
0xa4: {  	s25 =	simm.s32 $0x1B8E;
	s24 =	sld [smem:$0x3FFE];
	[sflag:s23] =	ssyncadd.s32 $0xFFFFFFFF  }
0xa5: {  	s26 =	simm.s32 $execute0_lowered;
	[smem:$0x3FD2] =	sst s25  }
0xa6: {  	s4 =	sshll.u32 s26, $0x1;
	_ =	strace $0x80000049;
	[dreg:$0x1] =	wrdreg $0xFFFFFFFF  }
0xa7: {  	s28 =	simm.s32 $_size_execute0_lowered;
	s2 =	sadd.s32 s2, s4;
	[dreg:$0x0] =	wrdreg $0x0  }
0xa8: {  	s4 =	sshll.u32 s28, $0x1;
	[dreg:$0x2] =	wrdreg s2  }
0xa9: {  	[dreg:$0x3] =	wrdreg s4  }
0xaa: {  	[dreg:$0x4] =	wrdreg $0xC0  }
0xab: {  	_ =	task [dreg:s6], $0x5FFFF  }
0xac: {  	[dreg:$0x1] =	wrdreg $0xFFFFFFFF  }
0xad: {  	[dreg:$0x0] =	wrdreg $0x60  }
0xae: {  	[dreg:$0x2] =	wrdreg s24  }
0xaf: {  	[dreg:$0x3] =	wrdreg $0x15C400  }
0xb0: {  	[dreg:$0x4] =	wrdreg $0x9  }
0xb1: {  	_ =	task.clear_ibuf [dreg:s6], $0x5FFFF;
	_ =	strace $0x90000049  }
0xb2: {  	s29 =	simm.s32 $0x9;
	_ =	strace $0x8000004B  }
0xb3: {  	_ =	swait.ge [sflag:s29], $0x1  }
0xb4: {  	[sflag:s29] =	ssyncadd.s32 $0xFFFFFFFF  }
0xb5: {  	_ =	strace $0x9000004B  }
0xb6: {  	_ =	sfence  }
0xb7: {  	s30 =	sld [smem:$0x0];
	_ =	sdelay $0x2  }
0xb8: {  	s31 =	sshll.u32 s1, $0xD;
	s1 =	sshrl.u32 s1, $0x2  }
0xb9: {  	s3 =	sand.u32 $0x4000, s31;
	s1 =	sadd.s32 s1, s30  }
0xba: {  	s0 =	sor.u32 s3, s0;
	s1 =	sshll.u32 s1, $0x11  }
0xbb: {  	s0 =	sor.u32 s1, s0  }
0xbc: {  	s0 =	sadd.s32 $0x8F2B, s0  }
0xbd: {  	[sflag:s0] =	ssyncadd.remote.s32 $0x1  }
0xbe: {  	_ =	sfence.sel $0xFFFF  }
0xbf: {  	[dreg:$0x0] =	wrdreg $0xFFFFFFFF;
	(pc) =	sbr.abs _section_cstart, $3  }
0xc0: {  	[dreg:$0x1] =	wrdreg $0xFFFFFFFF  }
0xc1: {  	_ =	task.clear_ibuf [dreg:s6], $0x2FFFF;
	_ =	strace $0x9FFFFFFF  }
0xc2: {  	(tm) =	ssettm $0x7FFFFFFF  }
0xc3: {  	_ =	shalt  }
tec
execute0_lowered:
.L_overlay_start_1:
0x0: {  	(tag) =	ssettag $0x1  }
0x1: {  	s11 =	stileid.u32  }
0x2: {  	s0 =	rddreg [dreg:$0x0];
	s4 =	smul.u32 $0xA00, s11  }
0x3: {  	s1 =	rddreg [dreg:$0x1];
	s7 =	smul.u32 $0xA000, s11  }
0x4: {  	s2 =	srdreg.scid;
	s3 =	simm.s32 $0x0;
	s9 =	smul.u32 $0x28000, s11  }
0x5: {  	s28 =	simm.s32 $0x1;
	s29 =	simm.s32 $0xAFA0;
	s20 =	smul.u32 $0x4E200, s11  }
0x6: {  	s30 =	simm.s32 $0xFDC0;
	s2 =	sand.u32 $0x1, s2;
	s22 =	smul.u32 $0x9C40, s11  }
0x7: {  	s31 =	simm.s32 $0x2;
	[smem:$0x7FF] =	sst s3;
	s5 =	smul.u32 $0xA0000, s2  }
0x8: {  	_ =	strace $0x8000004A;
	s2 =	ssub.s32 $0x2, s2;
	s8 =	sadd.s32 s4, s0  }
0x9: {  	s4 =	sadd.s32 $0x20400, s0;
	s10 =	sshrl.u32 s2, $0x1;
	s9 =	sshrl.u32 s9, $0x2  }
0xa: {  	s6 =	sshrl.u32 s5, $0x3;
	s5 =	sadd.s32 s7, s5;
	s2 =	ssub.s32 s2, s10  }
0xb: {  	s18 =	sadd.s32 s9, s1;
	s23 =	sadd.s32 $0x16400, s8;
	s8 =	sadd.s32 $0x1E00, s8  }
0xc: {  	s24 =	sadd.s32 s4, s22;
	s22 =	simm.s32 $0x7D;
	s6 =	sadd.s32 s6, s0  }
0xd: {  	s5 =	sshrl.u32 s5, $0x3;
	s19 =	sadd.s32 $0x2000, s18;
	[dreg:$0x7] =	wrdreg s23  }
0xe: {  	s9 =	sadd.s32 $0x4000, s18;
	s21 =	sadd.s32 $0x6000, s18;
	[dreg:$0x8] =	wrdreg s8  }
0xf: {  	s10 =	sadd.s32 $0x8000, s18;
	[dreg:$0x9] =	wrdreg s24;
	s26 =	smax.u32 s2, $0x1  }
0x10: {  	s18 =	simm.s32 $0x13C40;
	s23 =	simm.s32 $0xBF40;
	[dreg:$0x3] =	wrdreg s19  }
0x11: {  	s24 =	simm.s32 $0xA7D0;
	s0 =	sadd.s32 s5, s0;
	[dreg:$0x4] =	wrdreg s9  }
0x12: {  	s5 =	sadd.s32 s7, s1;
	[dreg:$0x5] =	wrdreg s21;
	s9 =	smul.u32 $0xA0, s11  }
0x13: {  	[dreg:$0x6] =	wrdreg s10;
	s7 =	sshrl.u32 s20, $0x3;
	s14 =	sadd.s32 $0x10C800, s6  }
.Ltmp0:
0x14: {  	[dreg:$0xc] =	wrdreg s26;
	s19 =	simm.s32 $0x9;
	(pc) =	sbr.rel .LBB2_1-.Ltmp0, $4  }
0x15: {  	s26 =	simm.s32 $0xDE80;
	s20 =	simm.s32 $0x11D00;
	s21 =	simm.s32 $0x3  }
0x16: {  	s6 =	simm.s32 $0x6;
	s7 =	sadd.s32 s4, s7;
	s0 =	sadd.s32 $0x134800, s0  }
0x17: {  	s10 =	simm.s32 $0x0;
	s25 =	sadd.s32 $0xFA, s7;
	[dreg:$0xb] =	wrdreg s0  }
0x18: {  	v0 =	vimm.f32 $0.0e+00;
	s0 =	simm.s32 $0xB770;
	[dreg:$0xa] =	wrdreg s25;
	s25 =	simm.s32 $0x4  }
.LBB2_14:
0x19: {  	s2 =	simm.s32 $0x5  }
0x1a: {  	_ =	swait.ge [sflag:s2], $0x1F40  }
0x1b: {  	[sflag:s2] =	ssyncset.done $0x0  }
0x1c: {  	[sflag:s2] =	ssyncadd.s32 $0xFFFFE0C0  }
0x1d: {  	_ =	swait.ge [sflag:s6], $0x1F40  }
0x1e: {  	[sflag:s6] =	ssyncset.done $0x0  }
0x1f: {  	s13 =	simm.s32 $0x7;
	[sflag:s6] =	ssyncadd.s32 $0xFFFFE0C0  }
0x20: {  	_ =	swait.ge [sflag:s13], $0x1F40  }
0x21: {  	[sflag:s13] =	ssyncset.done $0x0  }
0x22: {  	s15 =	simm.s32 $0x8;
	[sflag:s13] =	ssyncadd.s32 $0xFFFFE0C0  }
0x23: {  	_ =	swait.ge [sflag:s15], $0x1F40  }
0x24: {  	[sflag:s15] =	ssyncset.done $0x0  }
0x25: {  	s16 =	stileid.u32;
	[sflag:s15] =	ssyncadd.s32 $0xFFFFE0C0  }
0x26: {  	s2 =	sshll.u32 s16, $0x6;
	[bflag:$0x0] =	sbarrier.arrive $0xFFFF  }
0x27: {  	s7 =	sshrl.u32 s5, $0x3;
	s2 =	sor.u32 $0x1C09, s2;
	s8 =	rddreg [dreg:$0xb]  }
0x28: {  	[hbm:s8], [sflag:s2] =	dma.local [spmem:s7], $0x1400  }
0x29: {  	_ =	swait.ge [sflag:s19], $0x1400  }
0x2a: {  	s10 =	sadd.s32 $0x1, s10;
	s17 =	rddreg [dreg:$0xc]  }
0x2b: {  	p0 =	sne.s32 s10, s17  }
.Ltmp1:
0x2c: {  	_ = 	snop;
	(pc) =	sbr.rel @!p0 .LBB2_15-.Ltmp1, $3  }
0x2d: {  	_ =	sdelay $0x1  }
0x2e: {  	[sflag:s19] =	ssyncset.done $0x0  }
0x2f: {  	[sflag:s19] =	ssyncadd.s32 $0xFFFFEC00  }
.LBB2_1:
0x30: {  	s7 =	simm.s32 $0x100;
	s2 =	simm.s32 $0x0  }
.LBB2_2:
0x31: {  	p0 =	sne.s32 s7, $0x7F00;
	[tilespmem:s2+$0x13C70] =	vst v0;
	s8 =	smov.u32 s7;
	s7 =	sadd.s32 $0x100, s7  }
.Ltmp2:
0x32: {  	[tilespmem:s2+$0x13C60] =	vst v0;
	(pc) =	sbr.rel @p0 .LBB2_2-.Ltmp2, $3  }
0x33: {  	[tilespmem:s2+$0x13C40] =	vst v0  }
0x34: {  	[tilespmem:s2+$0x13C50] =	vst v0;
	_ =	sdelay $0x1  }
0x35: {  	s2 =	sshra.s32 s8, $0x2  }
0x36: {  	[tilespmem:s2+$0x13C70] =	vst v0  }
0x37: {  	[tilespmem:s2+$0x13C60] =	vst v0  }
0x38: {  	[tilespmem:s2+$0x13C40] =	vst v0  }
0x39: {  	[tilespmem:s2+$0x13C50] =	vst v0  }
0x3a: {  	[spmem:s5] =	stream.linear.scatter [tilespmem:s18], [sflag:$0x9], $0x2000, $0x38;
	[tilespmem:$0x1FC40] =	vst v63  }
0x3b: {  	_ =	swait.ge [sflag:s19], $0x2000  }
0x3c: {  	[sflag:s19] =	ssyncset.done $0x0  }
0x3d: {  	s15 =	rddreg [dreg:$0x3];
	[sflag:s19] =	ssyncadd.s32 $0xFFFFE000  }
0x3e: {  	[spmem:s15] =	stream.linear.scatter [tilespmem:s18], [sflag:$0x9], $0x2000, $0x38;
	[tilespmem:$0x1FC40] =	vst v63  }
0x3f: {  	_ =	swait.ge [sflag:s19], $0x2000  }
0x40: {  	[sflag:s19] =	ssyncset.done $0x0  }
0x41: {  	s16 =	rddreg [dreg:$0x4];
	[sflag:s19] =	ssyncadd.s32 $0xFFFFE000  }
0x42: {  	[spmem:s16] =	stream.linear.scatter [tilespmem:s18], [sflag:$0x9], $0x2000, $0x38;
	[tilespmem:$0x1FC40] =	vst v63  }
0x43: {  	_ =	swait.ge [sflag:s19], $0x2000  }
0x44: {  	[sflag:s19] =	ssyncset.done $0x0  }
0x45: {  	s17 =	rddreg [dreg:$0x5];
	[sflag:s19] =	ssyncadd.s32 $0xFFFFE000  }
0x46: {  	[spmem:s17] =	stream.linear.scatter [tilespmem:s18], [sflag:$0x9], $0x2000, $0x38;
	[tilespmem:$0x1FC40] =	vst v63  }
0x47: {  	_ =	swait.ge [sflag:s19], $0x2000  }
0x48: {  	[sflag:s19] =	ssyncset.done $0x0  }
0x49: {  	s7 =	rddreg [dreg:$0x6];
	[sflag:s19] =	ssyncadd.s32 $0xFFFFE000  }
0x4a: {  	[spmem:s7] =	stream.linear.scatter [tilespmem:s18], [sflag:$0x9], $0x2000, $0x38;
	[tilespmem:$0x1FC40] =	vst v63  }
0x4b: {  	_ =	swait.ge [sflag:s19], $0x2000  }
0x4c: {  	[sflag:s19] =	ssyncset.done $0x0  }
0x4d: {  	[sflag:s19] =	ssyncadd.s32 $0xFFFFE000  }
0x4e: {  	[bflag:$0x0] =	sbarrier.arrive $0xFFFF  }
0x4f: {  	s11 =	simm.s32 $0x0;
	s8 =	rddreg [dreg:$0x7]  }
0x50: {  	[tilespmem:s11], [sflag:$0x9] =	stream.linear.gather [hbm4b:s8+s11], $0x5000, $0x38;
	[tilespmem:$0x1FC40] =	vst v63  }
0x51: {  	_ =	swait.ge [sflag:s19], $0x5000  }
0x52: {  	[sflag:s19] =	ssyncset.done $0x0  }
0x53: {  	s7 =	simm.s32 $0x5000;
	s12 =	rddreg [dreg:$0x8];
	[sflag:s19] =	ssyncadd.s32 $0xFFFFB000  }
0x54: {  	[tilespmem:s7], [sflag:$0x9] =	stream.linear.gather [hbm4b:s12+s11], $0x5000, $0x38;
	[tilespmem:$0x1FC40] =	vst v63  }
0x55: {  	_ =	swait.ge [sflag:s19], $0x5000  }
0x56: {  	[sflag:s19] =	ssyncset.done $0x0  }
0x57: {  	s15 =	simm.s32 $0xA000;
	s13 =	rddreg [dreg:$0x9];
	[sflag:s19] =	ssyncadd.s32 $0xFFFFB000  }
0x58: {  	[tilespmem:s15], [sflag:$0x1] =	stream.linear.gather [hbm4b:s13+s11], $0x7D0, $0x38;
	[tilespmem:$0x1FC40] =	vst v63  }
0x59: {  	_ = 	snop  }
0x5a: {  	[tilespmem:s23], [sflag:$0x1] =	stream.indirect.gather [hbm4b:s14+s22], $0x40, s11, s22, $0xb8;
	[tilespmem:$0x1FC40] =	vst v63  }
0x5b: {  	s16 =	rddreg [dreg:$0xa]  }
0x5c: {  	[tilespmem:s24], [sflag:$0x2] =	stream.linear.gather [hbm4b:s16+s11], $0x7D0, $0x38;
	[tilespmem:$0x1FC40] =	vst v63  }
0x5d: {  	s17 =	simm.s32 $0x80  }
0x5e: {  	[tilespmem:s26], [sflag:$0x2] =	stream.indirect.gather [hbm4b:s14+s22], $0x40, s17, s22, $0xb8;
	[tilespmem:$0x1FC40] =	vst v63  }
.LBB2_4:
0x5f: {  	_ =	swait.ge [sflag:s28], $0x7D0  }
0x60: {  	[sflag:s28] =	ssyncset.done $0x0  }
0x61: {  	[sflag:s28] =	ssyncadd.s32 $0xFFFFF830  }
0x62: {  	_ =	swait.ge [sflag:s28], $0x1F40  }
0x63: {  	[sflag:s28] =	ssyncset.done $0x0  }
0x64: {  	s12 =	simm.s32 $0xBFE0;
	[sflag:s28] =	ssyncadd.s32 $0xFFFFE0C0  }
0x65: {  	s13 =	simm.s32 $0xA020;
	v1 =	vld [tilespmem:s12+$0xFFFFFF70]  }
0x66: {  	v2 =	vld [tilespmem:s13+$0xFFFFFFE0]  }
0x67: {  	v3 =	vld [tilespmem:s12+$0xFFFFFF80]  }
0x68: {  	v4 =	vld [tilespmem:s12+$0xFFFFFF60]  }
0x69: {  	v5 =	vld [tilespmem:s12+$0xFFFFFF90];
	_ =	sdelay $0x1  }
0x6a: {  	v1 =	vmul.f32 v1, v2  }
0x6b: {  	v3 =	vmul.f32 v3, v2  }
0x6c: {  	v4 =	vmul.f32 v4, v2;
	[tilespmem:s12+$0xFFFFFF70] =	vst v1  }
0x6d: {  	v1 =	vmul.f32 v5, v2;
	[tilespmem:s12+$0xFFFFFF80] =	vst v3  }
0x6e: {  	[tilespmem:s12+$0xFFFFFF60] =	vst v4  }
0x6f: {  	v2 =	vld [tilespmem:s12+$0xFFFFFFB0];
	[tilespmem:s12+$0xFFFFFF90] =	vst v1  }
0x70: {  	v1 =	vld [tilespmem:s13+$0xFFFFFFF0]  }
0x71: {  	v3 =	vld [tilespmem:s12+$0xFFFFFFC0]  }
0x72: {  	v4 =	vld [tilespmem:s12+$0xFFFFFFA0]  }
0x73: {  	v5 =	vld [tilespmem:s12+$0xFFFFFFD0];
	_ =	sdelay $0x1  }
0x74: {  	v2 =	vmul.f32 v2, v1  }
0x75: {  	v3 =	vmul.f32 v3, v1  }
0x76: {  	v4 =	vmul.f32 v4, v1;
	[tilespmem:s12+$0xFFFFFFB0] =	vst v2  }
0x77: {  	v1 =	vmul.f32 v5, v1;
	[tilespmem:s12+$0xFFFFFFC0] =	vst v3  }
0x78: {  	[tilespmem:s12+$0xFFFFFFA0] =	vst v4  }
0x79: {  	v2 =	vld [tilespmem:s12+$0xFFFFFFF0];
	[tilespmem:s12+$0xFFFFFFD0] =	vst v1  }
0x7a: {  	v1 =	vld [tilespmem:s13+$0x0]  }
0x7b: {  	v3 =	vld [tilespmem:s12+$0x0]  }
0x7c: {  	v4 =	vld [tilespmem:s12+$0xFFFFFFE0]  }
0x7d: {  	v5 =	vld [tilespmem:s12+$0x10];
	_ =	sdelay $0x1  }
0x7e: {  	v2 =	vmul.f32 v2, v1  }
0x7f: {  	v3 =	vmul.f32 v3, v1  }
0x80: {  	v4 =	vmul.f32 v4, v1;
	[tilespmem:s12+$0xFFFFFFF0] =	vst v2  }
0x81: {  	v6 =	vld [tilespmem:s12+$0x40];
	v1 =	vmul.f32 v5, v1;
	[tilespmem:s12+$0x0] =	vst v3  }
0x82: {  	[tilespmem:s12+$0xFFFFFFE0] =	vst v4;
	v2 =	vld [tilespmem:s12+$0x20]  }
0x83: {  	[tilespmem:s12+$0x10] =	vst v1;
	v1 =	vld [tilespmem:s12+$0x30]  }
0x84: {  	v5 =	vld [tilespmem:s13+$0x10]  }
0x85: {  	v4 =	vld [tilespmem:s12+$0x50];
	_ =	sdelay $0x3  }
0x86: {  	v3 =	vmul.f32 v2, v5;
	v1 =	vmul.f32 v1, v5  }
0x87: {  	s2 =	simm.s32 $0x0;
	s7 =	simm.s32 $0xBFE0;
	s15 =	simm.s32 $0xA020;
	v2 =	vmul.f32 v6, v5;
	v4 =	vmul.f32 v4, v5  }
.LBB2_5:
0x88: {  	s2 =	sadd.s32 $0x5, s2;
	[tilespmem:s12+$0x20] =	vst v3;
	s13 =	sadd.s32 $0x50, s13;
	s7 =	sadd.s32 $0x140, s7  }
0x89: {  	p0 =	slt.u32 s2, $0x78;
	[tilespmem:s12+$0x50] =	vst v4;
	v3 =	vld [tilespmem:s12+$0x60]  }
0x8a: {  	[tilespmem:s12+$0x40] =	vst v2;
	v2 =	vld [tilespmem:s12+$0x90]  }
0x8b: {  	[tilespmem:s12+$0x30] =	vst v1;
	v1 =	vld [tilespmem:s12+$0x70]  }
0x8c: {  	v4 =	vld [tilespmem:s15+$0x20];
	s15 =	smov.u32 s13  }
0x8d: {  	v5 =	vld [tilespmem:s12+$0x80];
	_ =	sdelay $0x3  }
0x8e: {  	v3 =	vmul.f32 v3, v4;
	v1 =	vmul.f32 v1, v4  }
0x8f: {  	v2 =	vmul.f32 v2, v4;
	v5 =	vmul.f32 v5, v4  }
0x90: {  	[tilespmem:s12+$0x60] =	vst v3  }
0x91: {  	v3 =	vld [tilespmem:s7+$0xFFFFFF90];
	[tilespmem:s12+$0x70] =	vst v1  }
0x92: {  	v1 =	vld [tilespmem:s7+$0xFFFFFF80];
	[tilespmem:s12+$0x90] =	vst v2  }
0x93: {  	v2 =	vld [tilespmem:s7+$0xFFFFFF70];
	[tilespmem:s12+$0x80] =	vst v5;
	s12 =	smov.u32 s7  }
0x94: {  	v4 =	vld [tilespmem:s13+$0xFFFFFFE0]  }
0x95: {  	v5 =	vld [tilespmem:s7+$0xFFFFFF60];
	_ =	sdelay $0x3  }
0x96: {  	v2 =	vmul.f32 v2, v4;
	v1 =	vmul.f32 v1, v4  }
0x97: {  	v3 =	vmul.f32 v3, v4;
	v5 =	vmul.f32 v5, v4  }
0x98: {  	[tilespmem:s7+$0xFFFFFF70] =	vst v2  }
0x99: {  	[tilespmem:s7+$0xFFFFFF80] =	vst v1;
	v1 =	vld [tilespmem:s7+$0xFFFFFFD0]  }
0x9a: {  	[tilespmem:s7+$0xFFFFFF60] =	vst v5;
	v2 =	vld [tilespmem:s7+$0xFFFFFFB0]  }
0x9b: {  	[tilespmem:s7+$0xFFFFFF90] =	vst v3;
	v3 =	vld [tilespmem:s7+$0xFFFFFFA0]  }
0x9c: {  	v4 =	vld [tilespmem:s13+$0xFFFFFFF0]  }
0x9d: {  	v5 =	vld [tilespmem:s7+$0xFFFFFFC0];
	_ =	sdelay $0x3  }
0x9e: {  	v3 =	vmul.f32 v3, v4;
	v2 =	vmul.f32 v2, v4  }
0x9f: {  	v1 =	vmul.f32 v1, v4;
	v5 =	vmul.f32 v5, v4  }
0xa0: {  	[tilespmem:s7+$0xFFFFFFB0] =	vst v2  }
0xa1: {  	[tilespmem:s7+$0xFFFFFFC0] =	vst v5;
	v2 =	vld [tilespmem:s7+$0x10]  }
0xa2: {  	[tilespmem:s7+$0xFFFFFFA0] =	vst v3;
	v3 =	vld [tilespmem:s7+$0xFFFFFFF0]  }
0xa3: {  	[tilespmem:s7+$0xFFFFFFD0] =	vst v1;
	v1 =	vld [tilespmem:s7+$0xFFFFFFE0]  }
0xa4: {  	v4 =	vld [tilespmem:s13+$0x0]  }
0xa5: {  	v5 =	vld [tilespmem:s7+$0x0];
	_ =	sdelay $0x3  }
0xa6: {  	v1 =	vmul.f32 v1, v4;
	v3 =	vmul.f32 v3, v4  }
0xa7: {  	v2 =	vmul.f32 v2, v4;
	v5 =	vmul.f32 v5, v4  }
0xa8: {  	[tilespmem:s7+$0xFFFFFFF0] =	vst v3  }
0xa9: {  	[tilespmem:s7+$0x0] =	vst v5;
	v4 =	vld [tilespmem:s7+$0x50]  }
0xaa: {  	[tilespmem:s7+$0xFFFFFFE0] =	vst v1;
	v1 =	vld [tilespmem:s7+$0x20]  }
0xab: {  	[tilespmem:s7+$0x10] =	vst v2;
	v2 =	vld [tilespmem:s7+$0x30]  }
0xac: {  	v5 =	vld [tilespmem:s13+$0x10]  }
0xad: {  	v6 =	vld [tilespmem:s7+$0x40]  }
.Ltmp3:
0xae: {  	(pc) =	sbr.rel @p0 .LBB2_5-.Ltmp3, $3  }
0xaf: {  	_ =	sdelay $0x1  }
0xb0: {  	v3 =	vmul.f32 v1, v5;
	v1 =	vmul.f32 v2, v5  }
0xb1: {  	v4 =	vmul.f32 v4, v5;
	v2 =	vmul.f32 v6, v5  }
0xb2: {  	[tilespmem:s12+$0x20] =	vst v3  }
0xb3: {  	[tilespmem:s12+$0x30] =	vst v1  }
0xb4: {  	[tilespmem:s12+$0x50] =	vst v4  }
0xb5: {  	v3 =	vld [tilespmem:s12+$0x60];
	[tilespmem:s12+$0x40] =	vst v2  }
0xb6: {  	v1 =	vld [tilespmem:s15+$0x20]  }
0xb7: {  	v2 =	vld [tilespmem:s12+$0x70]  }
0xb8: {  	v4 =	vld [tilespmem:s12+$0x90]  }
0xb9: {  	v5 =	vld [tilespmem:s12+$0x80];
	_ =	sdelay $0x1  }
0xba: {  	v3 =	vmul.f32 v3, v1  }
0xbb: {  	v2 =	vmul.f32 v2, v1  }
0xbc: {  	v4 =	vmul.f32 v4, v1;
	[tilespmem:s12+$0x60] =	vst v3  }
0xbd: {  	s2 =	sshll.u32 s11, $0x9;
	v1 =	vmul.f32 v5, v1;
	[tilespmem:s12+$0x70] =	vst v2  }
0xbe: {  	s13 =	sand.u32 $0x3FFFFE00, s2;
	[tilespmem:s12+$0x90] =	vst v4  }
0xbf: {  	s2 =	sadd.s32 $0x5000, s13;
	[tilespmem:s12+$0x80] =	vst v1;
	s12 =	sshll.u32 s11, $0x2  }
0xc0: {  	[spmem:s1] =	stream.indirect.scatter.add.f32 [tilespmem:s23], [sflag:$0x5], $0x40, s2, s22, $0xb8;
	[tilespmem:$0x1FC40] =	vst v63  }
0xc1: {  	p0 =	seq.s32 s11, $0x0;
	s16 =	sor.u32 $0x2, s12  }
0xc2: {  	s7 =	simm.s32 @!p0 $0x7;
	s8 =	sadd.s32 s9, s16  }
0xc3: {  	_ =	swait.ge @!p0 [sflag:s7], $0x1F40;
	s8 =	smul.u32 $0xFA, s8  }
0xc4: {  	[sflag:s7] =	ssyncset.done @!p0 $0x0  }
0xc5: {  	s2 =	sshll.u32 s16, $0x9;
	[sflag:s7] =	ssyncadd.s32 @!p0 $0xFFFFE0C0;
	s17 =	sadd.s32 s4, s8  }
0xc6: {  	[tilespmem:s29], [sflag:$0x3] =	stream.linear.gather [hbm4b:s17+s3], $0x7D0, $0x38;
	[tilespmem:$0x1FC40] =	vst v63  }
0xc7: {  	s15 =	sshrl.u32 s2, $0x2  }
0xc8: {  	[tilespmem:s30], [sflag:$0x3] =	stream.indirect.gather [hbm4b:s14+s22], $0x40, s15, s22, $0xb8;
	[tilespmem:$0x1FC40] =	vst v63  }
0xc9: {  	_ =	swait.ge [sflag:s31], $0x7D0  }
0xca: {  	[sflag:s31] =	ssyncset.done $0x0  }
0xcb: {  	[sflag:s31] =	ssyncadd.s32 $0xFFFFF830  }
0xcc: {  	_ =	swait.ge [sflag:s31], $0x1F40  }
0xcd: {  	[sflag:s31] =	ssyncset.done $0x0  }
0xce: {  	s16 =	simm.s32 $0xDFB0;
	[sflag:s31] =	ssyncadd.s32 $0xFFFFE0C0  }
0xcf: {  	s17 =	simm.s32 $0xA810;
	v1 =	vld [tilespmem:s16+$0xFFFFFEE0]  }
0xd0: {  	v2 =	vld [tilespmem:s17+$0xFFFFFFC0]  }
0xd1: {  	v3 =	vld [tilespmem:s16+$0xFFFFFEF0]  }
0xd2: {  	v4 =	vld [tilespmem:s16+$0xFFFFFED0]  }
0xd3: {  	v5 =	vld [tilespmem:s16+$0xFFFFFF00];
	_ =	sdelay $0x1  }
0xd4: {  	v1 =	vmul.f32 v1, v2  }
0xd5: {  	v3 =	vmul.f32 v3, v2  }
0xd6: {  	v4 =	vmul.f32 v4, v2;
	[tilespmem:s16+$0xFFFFFEE0] =	vst v1  }
0xd7: {  	v1 =	vmul.f32 v5, v2;
	[tilespmem:s16+$0xFFFFFEF0] =	vst v3  }
0xd8: {  	[tilespmem:s16+$0xFFFFFED0] =	vst v4  }
0xd9: {  	v2 =	vld [tilespmem:s16+$0xFFFFFF20];
	[tilespmem:s16+$0xFFFFFF00] =	vst v1  }
0xda: {  	v1 =	vld [tilespmem:s17+$0xFFFFFFD0]  }
0xdb: {  	v3 =	vld [tilespmem:s16+$0xFFFFFF30]  }
0xdc: {  	v4 =	vld [tilespmem:s16+$0xFFFFFF10]  }
0xdd: {  	v5 =	vld [tilespmem:s16+$0xFFFFFF40];
	_ =	sdelay $0x1  }
0xde: {  	v2 =	vmul.f32 v2, v1  }
0xdf: {  	v3 =	vmul.f32 v3, v1  }
0xe0: {  	v4 =	vmul.f32 v4, v1;
	[tilespmem:s16+$0xFFFFFF20] =	vst v2  }
0xe1: {  	v1 =	vmul.f32 v5, v1;
	[tilespmem:s16+$0xFFFFFF30] =	vst v3  }
0xe2: {  	[tilespmem:s16+$0xFFFFFF10] =	vst v4  }
0xe3: {  	v2 =	vld [tilespmem:s16+$0xFFFFFF60];
	[tilespmem:s16+$0xFFFFFF40] =	vst v1  }
0xe4: {  	v1 =	vld [tilespmem:s17+$0xFFFFFFE0]  }
0xe5: {  	v3 =	vld [tilespmem:s16+$0xFFFFFF70]  }
0xe6: {  	v4 =	vld [tilespmem:s16+$0xFFFFFF50]  }
0xe7: {  	v5 =	vld [tilespmem:s16+$0xFFFFFF80];
	_ =	sdelay $0x1  }
0xe8: {  	v2 =	vmul.f32 v2, v1  }
0xe9: {  	v3 =	vmul.f32 v3, v1  }
0xea: {  	v4 =	vmul.f32 v4, v1;
	[tilespmem:s16+$0xFFFFFF60] =	vst v2  }
0xeb: {  	v6 =	vld [tilespmem:s16+$0xFFFFFFB0];
	v1 =	vmul.f32 v5, v1;
	[tilespmem:s16+$0xFFFFFF70] =	vst v3  }
0xec: {  	[tilespmem:s16+$0xFFFFFF50] =	vst v4;
	v2 =	vld [tilespmem:s16+$0xFFFFFF90]  }
0xed: {  	[tilespmem:s16+$0xFFFFFF80] =	vst v1;
	v1 =	vld [tilespmem:s16+$0xFFFFFFA0]  }
0xee: {  	v5 =	vld [tilespmem:s17+$0xFFFFFFF0]  }
0xef: {  	v4 =	vld [tilespmem:s16+$0xFFFFFFC0];
	_ =	sdelay $0x3  }
0xf0: {  	v3 =	vmul.f32 v2, v5;
	v1 =	vmul.f32 v1, v5  }
0xf1: {  	s2 =	simm.s32 $0xA810;
	s7 =	simm.s32 $0x0;
	s8 =	simm.s32 $0xDFB0;
	v2 =	vmul.f32 v6, v5;
	v4 =	vmul.f32 v4, v5  }
.LBB2_7:
0xf2: {  	s7 =	sadd.s32 $0x5, s7;
	[tilespmem:s16+$0xFFFFFF90] =	vst v3;
	s17 =	sadd.s32 $0x50, s17;
	s8 =	sadd.s32 $0x140, s8  }
0xf3: {  	p1 =	slt.u32 s7, $0x78;
	[tilespmem:s16+$0xFFFFFFC0] =	vst v4;
	v3 =	vld [tilespmem:s16+$0xFFFFFFF0]  }
0xf4: {  	[tilespmem:s16+$0xFFFFFFB0] =	vst v2;
	v2 =	vld [tilespmem:s16+$0xFFFFFFD0]  }
0xf5: {  	[tilespmem:s16+$0xFFFFFFA0] =	vst v1;
	v1 =	vld [tilespmem:s16+$0xFFFFFFE0]  }
0xf6: {  	v4 =	vld [tilespmem:s2+$0x0];
	s2 =	smov.u32 s17  }
0xf7: {  	v5 =	vld [tilespmem:s16+$0x0];
	_ =	sdelay $0x3  }
0xf8: {  	v2 =	vmul.f32 v2, v4;
	v1 =	vmul.f32 v1, v4  }
0xf9: {  	v3 =	vmul.f32 v3, v4;
	v4 =	vmul.f32 v5, v4  }
0xfa: {  	[tilespmem:s16+$0xFFFFFFD0] =	vst v2  }
0xfb: {  	v2 =	vld [tilespmem:s8+$0xFFFFFF00];
	[tilespmem:s16+$0xFFFFFFE0] =	vst v1  }
0xfc: {  	v1 =	vld [tilespmem:s8+$0xFFFFFEF0];
	[tilespmem:s16+$0x0] =	vst v4  }
0xfd: {  	v4 =	vld [tilespmem:s8+$0xFFFFFEE0];
	[tilespmem:s16+$0xFFFFFFF0] =	vst v3;
	s16 =	smov.u32 s8  }
0xfe: {  	v3 =	vld [tilespmem:s17+$0xFFFFFFC0]  }
0xff: {  	v5 =	vld [tilespmem:s8+$0xFFFFFED0];
	_ =	sdelay $0x3  }
0x100: {  	v4 =	vmul.f32 v4, v3;
	v1 =	vmul.f32 v1, v3  }
0x101: {  	v2 =	vmul.f32 v2, v3;
	v5 =	vmul.f32 v5, v3  }
0x102: {  	[tilespmem:s8+$0xFFFFFEE0] =	vst v4  }
0x103: {  	[tilespmem:s8+$0xFFFFFEF0] =	vst v1;
	v1 =	vld [tilespmem:s8+$0xFFFFFF40]  }
0x104: {  	[tilespmem:s8+$0xFFFFFED0] =	vst v5;
	v3 =	vld [tilespmem:s8+$0xFFFFFF20]  }
0x105: {  	[tilespmem:s8+$0xFFFFFF00] =	vst v2;
	v2 =	vld [tilespmem:s8+$0xFFFFFF10]  }
0x106: {  	v4 =	vld [tilespmem:s17+$0xFFFFFFD0]  }
0x107: {  	v5 =	vld [tilespmem:s8+$0xFFFFFF30];
	_ =	sdelay $0x3  }
0x108: {  	v2 =	vmul.f32 v2, v4;
	v3 =	vmul.f32 v3, v4  }
0x109: {  	v1 =	vmul.f32 v1, v4;
	v5 =	vmul.f32 v5, v4  }
0x10a: {  	[tilespmem:s8+$0xFFFFFF20] =	vst v3  }
0x10b: {  	[tilespmem:s8+$0xFFFFFF30] =	vst v5;
	v3 =	vld [tilespmem:s8+$0xFFFFFF80]  }
0x10c: {  	[tilespmem:s8+$0xFFFFFF10] =	vst v2;
	v2 =	vld [tilespmem:s8+$0xFFFFFF60]  }
0x10d: {  	[tilespmem:s8+$0xFFFFFF40] =	vst v1;
	v1 =	vld [tilespmem:s8+$0xFFFFFF50]  }
0x10e: {  	v4 =	vld [tilespmem:s17+$0xFFFFFFE0]  }
0x10f: {  	v5 =	vld [tilespmem:s8+$0xFFFFFF70];
	_ =	sdelay $0x3  }
0x110: {  	v1 =	vmul.f32 v1, v4;
	v2 =	vmul.f32 v2, v4  }
0x111: {  	v3 =	vmul.f32 v3, v4;
	v5 =	vmul.f32 v5, v4  }
0x112: {  	[tilespmem:s8+$0xFFFFFF60] =	vst v2  }
0x113: {  	[tilespmem:s8+$0xFFFFFF70] =	vst v5;
	v4 =	vld [tilespmem:s8+$0xFFFFFFC0]  }
0x114: {  	[tilespmem:s8+$0xFFFFFF50] =	vst v1;
	v1 =	vld [tilespmem:s8+$0xFFFFFF90]  }
0x115: {  	[tilespmem:s8+$0xFFFFFF80] =	vst v3;
	v2 =	vld [tilespmem:s8+$0xFFFFFFA0]  }
0x116: {  	v5 =	vld [tilespmem:s17+$0xFFFFFFF0]  }
0x117: {  	v6 =	vld [tilespmem:s8+$0xFFFFFFB0]  }
.Ltmp4:
0x118: {  	(pc) =	sbr.rel @p1 .LBB2_7-.Ltmp4, $3  }
0x119: {  	_ =	sdelay $0x1  }
0x11a: {  	v3 =	vmul.f32 v1, v5;
	v1 =	vmul.f32 v2, v5  }
0x11b: {  	v4 =	vmul.f32 v4, v5;
	v2 =	vmul.f32 v6, v5  }
0x11c: {  	[tilespmem:s16+$0xFFFFFF90] =	vst v3  }
0x11d: {  	[tilespmem:s16+$0xFFFFFFA0] =	vst v1  }
0x11e: {  	[tilespmem:s16+$0xFFFFFFC0] =	vst v4  }
0x11f: {  	[tilespmem:s16+$0xFFFFFFB0] =	vst v2;
	v2 =	vld [tilespmem:s16+$0xFFFFFFD0]  }
0x120: {  	v1 =	vld [tilespmem:s2+$0x0]  }
0x121: {  	v3 =	vld [tilespmem:s16+$0xFFFFFFE0]  }
0x122: {  	v4 =	vld [tilespmem:s16+$0x0]  }
0x123: {  	v5 =	vld [tilespmem:s16+$0xFFFFFFF0];
	_ =	sdelay $0x1  }
0x124: {  	v2 =	vmul.f32 v2, v1  }
0x125: {  	v3 =	vmul.f32 v3, v1  }
0x126: {  	v4 =	vmul.f32 v4, v1;
	[tilespmem:s16+$0xFFFFFFD0] =	vst v2  }
0x127: {  	v1 =	vmul.f32 v5, v1;
	[tilespmem:s16+$0xFFFFFFE0] =	vst v3  }
0x128: {  	[tilespmem:s16+$0x0] =	vst v4  }
0x129: {  	s13 =	sadd.s32 $0x5080, s13;
	[tilespmem:s16+$0xFFFFFFF0] =	vst v1;
	s16 =	sor.u32 $0x3, s12  }
0x12a: {  	[spmem:s1] =	stream.indirect.scatter.add.f32 [tilespmem:s26], [sflag:$0x6], $0x40, s13, s22, $0xb8;
	[tilespmem:$0x1FC40] =	vst v63  }
0x12b: {  	s7 =	simm.s32 @!p0 $0x8;
	s8 =	sadd.s32 s9, s16  }
0x12c: {  	_ =	swait.ge @!p0 [sflag:s7], $0x1F40;
	s8 =	smul.u32 $0xFA, s8  }
0x12d: {  	[sflag:s7] =	ssyncset.done @!p0 $0x0  }
0x12e: {  	s2 =	sshll.u32 s16, $0x9;
	[sflag:s7] =	ssyncadd.s32 @!p0 $0xFFFFE0C0;
	s17 =	sadd.s32 s4, s8  }
0x12f: {  	[tilespmem:s0], [sflag:$0x4] =	stream.linear.gather [hbm4b:s17+s3], $0x7D0, $0x38;
	[tilespmem:$0x1FC40] =	vst v63  }
0x130: {  	s13 =	sshrl.u32 s2, $0x2  }
0x131: {  	[tilespmem:s20], [sflag:$0x4] =	stream.indirect.gather [hbm4b:s14+s22], $0x40, s13, s22, $0xb8;
	[tilespmem:$0x1FC40] =	vst v63  }
0x132: {  	_ =	swait.ge [sflag:s21], $0x7D0  }
0x133: {  	[sflag:s21] =	ssyncset.done $0x0  }
0x134: {  	[sflag:s21] =	ssyncadd.s32 $0xFFFFF830  }
0x135: {  	_ =	swait.ge [sflag:s21], $0x1F40  }
0x136: {  	[sflag:s21] =	ssyncset.done $0x0  }
0x137: {  	s16 =	simm.s32 $0xFEF0;
	[sflag:s21] =	ssyncadd.s32 $0xFFFFE0C0  }
0x138: {  	s17 =	simm.s32 $0xAFE0;
	v1 =	vld [tilespmem:s16+$0xFFFFFEE0]  }
0x139: {  	v2 =	vld [tilespmem:s17+$0xFFFFFFC0]  }
0x13a: {  	v3 =	vld [tilespmem:s16+$0xFFFFFEF0]  }
0x13b: {  	v4 =	vld [tilespmem:s16+$0xFFFFFED0]  }
0x13c: {  	v5 =	vld [tilespmem:s16+$0xFFFFFF00];
	_ =	sdelay $0x1  }
0x13d: {  	v1 =	vmul.f32 v1, v2  }
0x13e: {  	v3 =	vmul.f32 v3, v2  }
0x13f: {  	v4 =	vmul.f32 v4, v2;
	[tilespmem:s16+$0xFFFFFEE0] =	vst v1  }
0x140: {  	v1 =	vmul.f32 v5, v2;
	[tilespmem:s16+$0xFFFFFEF0] =	vst v3  }
0x141: {  	[tilespmem:s16+$0xFFFFFED0] =	vst v4  }
0x142: {  	v2 =	vld [tilespmem:s16+$0xFFFFFF20];
	[tilespmem:s16+$0xFFFFFF00] =	vst v1  }
0x143: {  	v1 =	vld [tilespmem:s17+$0xFFFFFFD0]  }
0x144: {  	v3 =	vld [tilespmem:s16+$0xFFFFFF30]  }
0x145: {  	v4 =	vld [tilespmem:s16+$0xFFFFFF10]  }
0x146: {  	v5 =	vld [tilespmem:s16+$0xFFFFFF40];
	_ =	sdelay $0x1  }
0x147: {  	v2 =	vmul.f32 v2, v1  }
0x148: {  	v3 =	vmul.f32 v3, v1  }
0x149: {  	v4 =	vmul.f32 v4, v1;
	[tilespmem:s16+$0xFFFFFF20] =	vst v2  }
0x14a: {  	v1 =	vmul.f32 v5, v1;
	[tilespmem:s16+$0xFFFFFF30] =	vst v3  }
0x14b: {  	[tilespmem:s16+$0xFFFFFF10] =	vst v4  }
0x14c: {  	v2 =	vld [tilespmem:s16+$0xFFFFFF60];
	[tilespmem:s16+$0xFFFFFF40] =	vst v1  }
0x14d: {  	v1 =	vld [tilespmem:s17+$0xFFFFFFE0]  }
0x14e: {  	v3 =	vld [tilespmem:s16+$0xFFFFFF70]  }
0x14f: {  	v4 =	vld [tilespmem:s16+$0xFFFFFF50]  }
0x150: {  	v5 =	vld [tilespmem:s16+$0xFFFFFF80];
	_ =	sdelay $0x1  }
0x151: {  	v2 =	vmul.f32 v2, v1  }
0x152: {  	v3 =	vmul.f32 v3, v1  }
0x153: {  	v4 =	vmul.f32 v4, v1;
	[tilespmem:s16+$0xFFFFFF60] =	vst v2  }
0x154: {  	v6 =	vld [tilespmem:s16+$0xFFFFFFB0];
	v1 =	vmul.f32 v5, v1;
	[tilespmem:s16+$0xFFFFFF70] =	vst v3  }
0x155: {  	[tilespmem:s16+$0xFFFFFF50] =	vst v4;
	v2 =	vld [tilespmem:s16+$0xFFFFFF90]  }
0x156: {  	[tilespmem:s16+$0xFFFFFF80] =	vst v1;
	v1 =	vld [tilespmem:s16+$0xFFFFFFA0]  }
0x157: {  	v5 =	vld [tilespmem:s17+$0xFFFFFFF0]  }
0x158: {  	v4 =	vld [tilespmem:s16+$0xFFFFFFC0];
	_ =	sdelay $0x3  }
0x159: {  	v3 =	vmul.f32 v2, v5;
	v1 =	vmul.f32 v1, v5  }
0x15a: {  	s2 =	simm.s32 $0xAFE0;
	s7 =	simm.s32 $0x0;
	s8 =	simm.s32 $0xFEF0;
	v2 =	vmul.f32 v6, v5;
	v4 =	vmul.f32 v4, v5  }
.LBB2_9:
0x15b: {  	s7 =	sadd.s32 $0x5, s7;
	[tilespmem:s16+$0xFFFFFF90] =	vst v3;
	s17 =	sadd.s32 $0x50, s17;
	s8 =	sadd.s32 $0x140, s8  }
0x15c: {  	p0 =	slt.u32 s7, $0x78;
	[tilespmem:s16+$0xFFFFFFC0] =	vst v4;
	v3 =	vld [tilespmem:s16+$0xFFFFFFF0]  }
0x15d: {  	[tilespmem:s16+$0xFFFFFFB0] =	vst v2;
	v2 =	vld [tilespmem:s16+$0xFFFFFFD0]  }
0x15e: {  	[tilespmem:s16+$0xFFFFFFA0] =	vst v1;
	v1 =	vld [tilespmem:s16+$0xFFFFFFE0]  }
0x15f: {  	v4 =	vld [tilespmem:s2+$0x0];
	s2 =	smov.u32 s17  }
0x160: {  	v5 =	vld [tilespmem:s16+$0x0];
	_ =	sdelay $0x3  }
0x161: {  	v2 =	vmul.f32 v2, v4;
	v1 =	vmul.f32 v1, v4  }
0x162: {  	v3 =	vmul.f32 v3, v4;
	v4 =	vmul.f32 v5, v4  }
0x163: {  	[tilespmem:s16+$0xFFFFFFD0] =	vst v2  }
0x164: {  	v2 =	vld [tilespmem:s8+$0xFFFFFF00];
	[tilespmem:s16+$0xFFFFFFE0] =	vst v1  }
0x165: {  	v1 =	vld [tilespmem:s8+$0xFFFFFEF0];
	[tilespmem:s16+$0x0] =	vst v4  }
0x166: {  	v4 =	vld [tilespmem:s8+$0xFFFFFEE0];
	[tilespmem:s16+$0xFFFFFFF0] =	vst v3;
	s16 =	smov.u32 s8  }
0x167: {  	v3 =	vld [tilespmem:s17+$0xFFFFFFC0]  }
0x168: {  	v5 =	vld [tilespmem:s8+$0xFFFFFED0];
	_ =	sdelay $0x3  }
0x169: {  	v4 =	vmul.f32 v4, v3;
	v1 =	vmul.f32 v1, v3  }
0x16a: {  	v2 =	vmul.f32 v2, v3;
	v5 =	vmul.f32 v5, v3  }
0x16b: {  	[tilespmem:s8+$0xFFFFFEE0] =	vst v4  }
0x16c: {  	[tilespmem:s8+$0xFFFFFEF0] =	vst v1;
	v1 =	vld [tilespmem:s8+$0xFFFFFF40]  }
0x16d: {  	[tilespmem:s8+$0xFFFFFED0] =	vst v5;
	v3 =	vld [tilespmem:s8+$0xFFFFFF20]  }
0x16e: {  	[tilespmem:s8+$0xFFFFFF00] =	vst v2;
	v2 =	vld [tilespmem:s8+$0xFFFFFF10]  }
0x16f: {  	v4 =	vld [tilespmem:s17+$0xFFFFFFD0]  }
0x170: {  	v5 =	vld [tilespmem:s8+$0xFFFFFF30];
	_ =	sdelay $0x3  }
0x171: {  	v2 =	vmul.f32 v2, v4;
	v3 =	vmul.f32 v3, v4  }
0x172: {  	v1 =	vmul.f32 v1, v4;
	v5 =	vmul.f32 v5, v4  }
0x173: {  	[tilespmem:s8+$0xFFFFFF20] =	vst v3  }
0x174: {  	[tilespmem:s8+$0xFFFFFF30] =	vst v5;
	v3 =	vld [tilespmem:s8+$0xFFFFFF80]  }
0x175: {  	[tilespmem:s8+$0xFFFFFF10] =	vst v2;
	v2 =	vld [tilespmem:s8+$0xFFFFFF60]  }
0x176: {  	[tilespmem:s8+$0xFFFFFF40] =	vst v1;
	v1 =	vld [tilespmem:s8+$0xFFFFFF50]  }
0x177: {  	v4 =	vld [tilespmem:s17+$0xFFFFFFE0]  }
0x178: {  	v5 =	vld [tilespmem:s8+$0xFFFFFF70];
	_ =	sdelay $0x3  }
0x179: {  	v1 =	vmul.f32 v1, v4;
	v2 =	vmul.f32 v2, v4  }
0x17a: {  	v3 =	vmul.f32 v3, v4;
	v5 =	vmul.f32 v5, v4  }
0x17b: {  	[tilespmem:s8+$0xFFFFFF60] =	vst v2  }
0x17c: {  	[tilespmem:s8+$0xFFFFFF70] =	vst v5;
	v4 =	vld [tilespmem:s8+$0xFFFFFFC0]  }
0x17d: {  	[tilespmem:s8+$0xFFFFFF50] =	vst v1;
	v1 =	vld [tilespmem:s8+$0xFFFFFF90]  }
0x17e: {  	[tilespmem:s8+$0xFFFFFF80] =	vst v3;
	v2 =	vld [tilespmem:s8+$0xFFFFFFA0]  }
0x17f: {  	v5 =	vld [tilespmem:s17+$0xFFFFFFF0]  }
0x180: {  	v6 =	vld [tilespmem:s8+$0xFFFFFFB0]  }
.Ltmp5:
0x181: {  	(pc) =	sbr.rel @p0 .LBB2_9-.Ltmp5, $3  }
0x182: {  	_ =	sdelay $0x1  }
0x183: {  	v3 =	vmul.f32 v1, v5;
	v1 =	vmul.f32 v2, v5  }
0x184: {  	v4 =	vmul.f32 v4, v5;
	v2 =	vmul.f32 v6, v5  }
0x185: {  	[tilespmem:s16+$0xFFFFFF90] =	vst v3  }
0x186: {  	[tilespmem:s16+$0xFFFFFFA0] =	vst v1  }
0x187: {  	[tilespmem:s16+$0xFFFFFFC0] =	vst v4  }
0x188: {  	[tilespmem:s16+$0xFFFFFFB0] =	vst v2;
	v2 =	vld [tilespmem:s16+$0xFFFFFFD0]  }
0x189: {  	v1 =	vld [tilespmem:s2+$0x0]  }
0x18a: {  	v3 =	vld [tilespmem:s16+$0xFFFFFFE0]  }
0x18b: {  	v4 =	vld [tilespmem:s16+$0x0]  }
0x18c: {  	v5 =	vld [tilespmem:s16+$0xFFFFFFF0];
	_ =	sdelay $0x1  }
0x18d: {  	v2 =	vmul.f32 v2, v1  }
0x18e: {  	v3 =	vmul.f32 v3, v1  }
0x18f: {  	v4 =	vmul.f32 v4, v1;
	[tilespmem:s16+$0xFFFFFFD0] =	vst v2  }
0x190: {  	p0 =	seq.s32 s11, $0x27;
	v1 =	vmul.f32 v5, v1;
	[tilespmem:s16+$0xFFFFFFE0] =	vst v3  }
0x191: {  	s2 =	sadd.s32 @!p0 $0x4, s12;
	[tilespmem:s16+$0x0] =	vst v4  }
0x192: {  	s17 =	sadd.s32 $0x5000, s15;
	s7 =	simm.s32 @!p0 $0x5;
	s8 =	sadd.s32 @!p0 s9, s2;
	[tilespmem:s16+$0xFFFFFFF0] =	vst v1  }
0x193: {  	[spmem:s1] =	stream.indirect.scatter.add.f32 [tilespmem:s30], [sflag:$0x7], $0x40, s17, s22, $0xb8;
	[tilespmem:$0x1FC40] =	vst v63  }
0x194: {  	s8 =	smul.u32 @!p0 $0xFA, s8;
	_ =	swait.ge @!p0 [sflag:s7], $0x1F40  }
0x195: {  	s15 =	simm.s32 @!p0 $0xA000;
	s2 =	sshll.u32 @!p0 s2, $0x7;
	[sflag:s7] =	ssyncset.done @!p0 $0x0  }
0x196: {  	[sflag:s7] =	ssyncadd.s32 @!p0 $0xFFFFE0C0;
	s7 =	sadd.s32 @!p0 s4, s8;
	s8 =	simm.s32 @!p0 $0x0  }
0x197: {  	[tilespmem:s15], [sflag:$0x1] =	stream.linear.gather @!p0 [hbm4b:s7+s8], $0x7D0, $0x38;
	[tilespmem:$0x1FC40] =	vst v63  }
0x198: {  	s2 =	sand.u32 @!p0 $0x3FFFFF80, s2;
	s7 =	simm.s32 @!p0 $0x7D;
	s8 =	simm.s32 @!p0 $0xBF40  }
0x199: {  	[tilespmem:s8], [sflag:$0x1] =	stream.indirect.gather @!p0 [hbm4b:s14+s7], $0x40, s2, s7, $0xb8;
	[tilespmem:$0x1FC40] =	vst v63  }
0x19a: {  	_ =	swait.ge [sflag:s25], $0x7D0  }
0x19b: {  	[sflag:s25] =	ssyncset.done $0x0  }
0x19c: {  	[sflag:s25] =	ssyncadd.s32 $0xFFFFF830  }
0x19d: {  	_ =	swait.ge [sflag:s25], $0x1F40  }
0x19e: {  	[sflag:s25] =	ssyncset.done $0x0  }
0x19f: {  	s15 =	simm.s32 $0x11E30;
	[sflag:s25] =	ssyncadd.s32 $0xFFFFE0C0  }
0x1a0: {  	s16 =	simm.s32 $0xB7B0;
	v1 =	vld [tilespmem:s15+$0xFFFFFEE0]  }
0x1a1: {  	v2 =	vld [tilespmem:s16+$0xFFFFFFC0]  }
0x1a2: {  	v3 =	vld [tilespmem:s15+$0xFFFFFEF0]  }
0x1a3: {  	v4 =	vld [tilespmem:s15+$0xFFFFFED0]  }
0x1a4: {  	v5 =	vld [tilespmem:s15+$0xFFFFFF00];
	_ =	sdelay $0x1  }
0x1a5: {  	v1 =	vmul.f32 v1, v2  }
0x1a6: {  	v3 =	vmul.f32 v3, v2  }
0x1a7: {  	v4 =	vmul.f32 v4, v2;
	[tilespmem:s15+$0xFFFFFEE0] =	vst v1  }
0x1a8: {  	v1 =	vmul.f32 v5, v2;
	[tilespmem:s15+$0xFFFFFEF0] =	vst v3  }
0x1a9: {  	[tilespmem:s15+$0xFFFFFED0] =	vst v4  }
0x1aa: {  	v2 =	vld [tilespmem:s15+$0xFFFFFF20];
	[tilespmem:s15+$0xFFFFFF00] =	vst v1  }
0x1ab: {  	v1 =	vld [tilespmem:s16+$0xFFFFFFD0]  }
0x1ac: {  	v3 =	vld [tilespmem:s15+$0xFFFFFF30]  }
0x1ad: {  	v4 =	vld [tilespmem:s15+$0xFFFFFF10]  }
0x1ae: {  	v5 =	vld [tilespmem:s15+$0xFFFFFF40];
	_ =	sdelay $0x1  }
0x1af: {  	v2 =	vmul.f32 v2, v1  }
0x1b0: {  	v3 =	vmul.f32 v3, v1  }
0x1b1: {  	v4 =	vmul.f32 v4, v1;
	[tilespmem:s15+$0xFFFFFF20] =	vst v2  }
0x1b2: {  	v1 =	vmul.f32 v5, v1;
	[tilespmem:s15+$0xFFFFFF30] =	vst v3  }
0x1b3: {  	[tilespmem:s15+$0xFFFFFF10] =	vst v4  }
0x1b4: {  	v2 =	vld [tilespmem:s15+$0xFFFFFF60];
	[tilespmem:s15+$0xFFFFFF40] =	vst v1  }
0x1b5: {  	v1 =	vld [tilespmem:s16+$0xFFFFFFE0]  }
0x1b6: {  	v3 =	vld [tilespmem:s15+$0xFFFFFF70]  }
0x1b7: {  	v4 =	vld [tilespmem:s15+$0xFFFFFF50]  }
0x1b8: {  	v5 =	vld [tilespmem:s15+$0xFFFFFF80];
	_ =	sdelay $0x1  }
0x1b9: {  	v2 =	vmul.f32 v2, v1  }
0x1ba: {  	v3 =	vmul.f32 v3, v1  }
0x1bb: {  	v4 =	vmul.f32 v4, v1;
	[tilespmem:s15+$0xFFFFFF60] =	vst v2  }
0x1bc: {  	v6 =	vld [tilespmem:s15+$0xFFFFFFB0];
	v1 =	vmul.f32 v5, v1;
	[tilespmem:s15+$0xFFFFFF70] =	vst v3  }
0x1bd: {  	[tilespmem:s15+$0xFFFFFF50] =	vst v4;
	v2 =	vld [tilespmem:s15+$0xFFFFFF90]  }
0x1be: {  	[tilespmem:s15+$0xFFFFFF80] =	vst v1;
	v1 =	vld [tilespmem:s15+$0xFFFFFFA0]  }
0x1bf: {  	v5 =	vld [tilespmem:s16+$0xFFFFFFF0]  }
0x1c0: {  	v4 =	vld [tilespmem:s15+$0xFFFFFFC0];
	_ =	sdelay $0x3  }
0x1c1: {  	v3 =	vmul.f32 v2, v5;
	v1 =	vmul.f32 v1, v5  }
0x1c2: {  	s7 =	simm.s32 $0x0;
	s8 =	simm.s32 $0x11E30;
	s2 =	simm.s32 $0xB7B0;
	v2 =	vmul.f32 v6, v5;
	v4 =	vmul.f32 v4, v5  }
.LBB2_11:
0x1c3: {  	s7 =	sadd.s32 $0x5, s7;
	[tilespmem:s15+$0xFFFFFF90] =	vst v3;
	s16 =	sadd.s32 $0x50, s16;
	s8 =	sadd.s32 $0x140, s8  }
0x1c4: {  	p1 =	slt.u32 s7, $0x78;
	[tilespmem:s15+$0xFFFFFFC0] =	vst v4;
	v3 =	vld [tilespmem:s15+$0xFFFFFFF0]  }
0x1c5: {  	[tilespmem:s15+$0xFFFFFFB0] =	vst v2;
	v2 =	vld [tilespmem:s15+$0xFFFFFFD0]  }
0x1c6: {  	[tilespmem:s15+$0xFFFFFFA0] =	vst v1;
	v1 =	vld [tilespmem:s15+$0xFFFFFFE0]  }
0x1c7: {  	v4 =	vld [tilespmem:s2+$0x0];
	s2 =	smov.u32 s16  }
0x1c8: {  	v5 =	vld [tilespmem:s15+$0x0];
	_ =	sdelay $0x3  }
0x1c9: {  	v2 =	vmul.f32 v2, v4;
	v1 =	vmul.f32 v1, v4  }
0x1ca: {  	v3 =	vmul.f32 v3, v4;
	v4 =	vmul.f32 v5, v4  }
0x1cb: {  	[tilespmem:s15+$0xFFFFFFD0] =	vst v2  }
0x1cc: {  	v2 =	vld [tilespmem:s8+$0xFFFFFF00];
	[tilespmem:s15+$0xFFFFFFE0] =	vst v1  }
0x1cd: {  	v1 =	vld [tilespmem:s8+$0xFFFFFEF0];
	[tilespmem:s15+$0x0] =	vst v4  }
0x1ce: {  	v4 =	vld [tilespmem:s8+$0xFFFFFEE0];
	[tilespmem:s15+$0xFFFFFFF0] =	vst v3;
	s15 =	smov.u32 s8  }
0x1cf: {  	v3 =	vld [tilespmem:s16+$0xFFFFFFC0]  }
0x1d0: {  	v5 =	vld [tilespmem:s8+$0xFFFFFED0];
	_ =	sdelay $0x3  }
0x1d1: {  	v4 =	vmul.f32 v4, v3;
	v1 =	vmul.f32 v1, v3  }
0x1d2: {  	v2 =	vmul.f32 v2, v3;
	v5 =	vmul.f32 v5, v3  }
0x1d3: {  	[tilespmem:s8+$0xFFFFFEE0] =	vst v4  }
0x1d4: {  	[tilespmem:s8+$0xFFFFFEF0] =	vst v1;
	v1 =	vld [tilespmem:s8+$0xFFFFFF40]  }
0x1d5: {  	[tilespmem:s8+$0xFFFFFED0] =	vst v5;
	v3 =	vld [tilespmem:s8+$0xFFFFFF20]  }
0x1d6: {  	[tilespmem:s8+$0xFFFFFF00] =	vst v2;
	v2 =	vld [tilespmem:s8+$0xFFFFFF10]  }
0x1d7: {  	v4 =	vld [tilespmem:s16+$0xFFFFFFD0]  }
0x1d8: {  	v5 =	vld [tilespmem:s8+$0xFFFFFF30];
	_ =	sdelay $0x3  }
0x1d9: {  	v2 =	vmul.f32 v2, v4;
	v3 =	vmul.f32 v3, v4  }
0x1da: {  	v1 =	vmul.f32 v1, v4;
	v5 =	vmul.f32 v5, v4  }
0x1db: {  	[tilespmem:s8+$0xFFFFFF20] =	vst v3  }
0x1dc: {  	[tilespmem:s8+$0xFFFFFF30] =	vst v5;
	v3 =	vld [tilespmem:s8+$0xFFFFFF80]  }
0x1dd: {  	[tilespmem:s8+$0xFFFFFF10] =	vst v2;
	v2 =	vld [tilespmem:s8+$0xFFFFFF60]  }
0x1de: {  	[tilespmem:s8+$0xFFFFFF40] =	vst v1;
	v1 =	vld [tilespmem:s8+$0xFFFFFF50]  }
0x1df: {  	v4 =	vld [tilespmem:s16+$0xFFFFFFE0]  }
0x1e0: {  	v5 =	vld [tilespmem:s8+$0xFFFFFF70];
	_ =	sdelay $0x3  }
0x1e1: {  	v1 =	vmul.f32 v1, v4;
	v2 =	vmul.f32 v2, v4  }
0x1e2: {  	v3 =	vmul.f32 v3, v4;
	v5 =	vmul.f32 v5, v4  }
0x1e3: {  	[tilespmem:s8+$0xFFFFFF60] =	vst v2  }
0x1e4: {  	[tilespmem:s8+$0xFFFFFF70] =	vst v5;
	v4 =	vld [tilespmem:s8+$0xFFFFFFC0]  }
0x1e5: {  	[tilespmem:s8+$0xFFFFFF50] =	vst v1;
	v1 =	vld [tilespmem:s8+$0xFFFFFF90]  }
0x1e6: {  	[tilespmem:s8+$0xFFFFFF80] =	vst v3;
	v2 =	vld [tilespmem:s8+$0xFFFFFFA0]  }
0x1e7: {  	v5 =	vld [tilespmem:s16+$0xFFFFFFF0]  }
0x1e8: {  	v6 =	vld [tilespmem:s8+$0xFFFFFFB0]  }
.Ltmp6:
0x1e9: {  	(pc) =	sbr.rel @p1 .LBB2_11-.Ltmp6, $3  }
0x1ea: {  	_ =	sdelay $0x1  }
0x1eb: {  	v3 =	vmul.f32 v1, v5;
	v1 =	vmul.f32 v2, v5  }
0x1ec: {  	v4 =	vmul.f32 v4, v5;
	v2 =	vmul.f32 v6, v5  }
0x1ed: {  	[tilespmem:s15+$0xFFFFFF90] =	vst v3  }
0x1ee: {  	[tilespmem:s15+$0xFFFFFFA0] =	vst v1  }
0x1ef: {  	[tilespmem:s15+$0xFFFFFFC0] =	vst v4  }
0x1f0: {  	[tilespmem:s15+$0xFFFFFFB0] =	vst v2;
	v2 =	vld [tilespmem:s15+$0xFFFFFFD0]  }
0x1f1: {  	v1 =	vld [tilespmem:s2+$0x0]  }
0x1f2: {  	v3 =	vld [tilespmem:s15+$0xFFFFFFE0]  }
0x1f3: {  	v63 =	vld [tilespmem:s15+$0x0]  }
0x1f4: {  	v5 =	vld [tilespmem:s15+$0xFFFFFFF0];
	_ =	sdelay $0x1  }
0x1f5: {  	v2 =	vmul.f32 v2, v1  }
0x1f6: {  	v3 =	vmul.f32 v3, v1  }
.Ltmp7:
0x1f7: {  	v4 =	vmul.f32 v63, v1;
	[tilespmem:s15+$0xFFFFFFD0] =	vst v2;
	(pc) =	sbr.rel @p0 .LBB2_14-.Ltmp7, $4  }
0x1f8: {  	v1 =	vmul.f32 v5, v1;
	[tilespmem:s15+$0xFFFFFFE0] =	vst v3  }
0x1f9: {  	[tilespmem:s15+$0x0] =	vst v4  }
0x1fa: {  	s17 =	sadd.s32 $0x5000, s13;
	[tilespmem:s15+$0xFFFFFFF0] =	vst v1  }
0x1fb: {  	[spmem:s1] =	stream.indirect.scatter.add.f32 [tilespmem:s20], [sflag:$0x8], $0x40, s17, s22, $0xb8;
	[tilespmem:$0x1FC40] =	vst v63  }
0x1fc: {  	s2 =	sadd.s32 $0x5, s12  }
0x1fd: {  	s7 =	sadd.s32 s9, s2  }
0x1fe: {  	_ =	swait.ge [sflag:s6], $0x1F40;
	s7 =	smul.u32 $0xFA, s7  }
.Ltmp8:
0x1ff: {  	[sflag:s6] =	ssyncset.done $0x0;
	(pc) =	sbr.rel .LBB2_4-.Ltmp8, $4  }
0x200: {  	s2 =	sshll.u32 s2, $0x7;
	[sflag:s6] =	ssyncadd.s32 $0xFFFFE0C0;
	s7 =	sadd.s32 s4, s7  }
0x201: {  	[tilespmem:s24], [sflag:$0x2] =	stream.linear.gather [hbm4b:s7+s3], $0x7D0, $0x38;
	[tilespmem:$0x1FC40] =	vst v63  }
0x202: {  	s11 =	sadd.s32 $0x1, s11;
	s2 =	sand.u32 $0x3FFFFF80, s2  }
0x203: {  	[tilespmem:s26], [sflag:$0x2] =	stream.indirect.gather [hbm4b:s14+s22], $0x40, s2, s22, $0xb8;
	[tilespmem:$0x1FC40] =	vst v63  }
.LBB2_15:
0x204: {  	_ =	sfence.sel $0x180000  }
0x205: {  	[bflag:$0x0] =	sbarrier.arrive $0xFFFF  }
0x206: {  	_ =	strace $0x9000004A  }
0x207: {  	s0 =	stileid.u32;
	[bflag:$0x2] =	sbarrier.arrive $0xFFFF  }
0x208: {  	p0 =	sne.s32 s0, $0x0;
	s0 =	rddreg [dreg:$0x2]  }
0x209: {  	s0 =	sadd.s32 @!p0 $0x100000, s0  }
0x20a: {  	[sflag:s0] =	ssyncadd.tile.s32 @!p0 $0x1;
	_ =	shalt  }
.Lfunc_end2:
_tile_overlayer_lowered:
.L_overlay_start_2:
0x20b: {  	(tag) =	ssettag $0x2  }
0x20c: {  	s0 =	rddreg [dreg:$0x0];
	s2 =	stileid.u32  }
0x20d: {  	s1 =	rddreg [dreg:$0x1];
	p0 =	sne.s32 s2, $0x0  }
0x20e: {  	s3 =	rddreg [dreg:$0x2];
	[bflag:$0x3] =	sbarrier.arrive $0xFFFF;
	s2 =	simm.s32 @!p0 $0x1C09  }
0x20f: {  	[timem:s3], [sflag:s2] =	dma.local @!p0 [hbm:s0], s1  }
0x210: {  	s0 =	simm.s32 @!p0 $0x9  }
0x211: {  	_ =	swait.ge @!p0 [sflag:s0], s1  }
0x212: {  	s1 =	ssub.s32 @!p0 $0x0, s1;
	[sflag:s0] =	ssyncset.done @!p0 $0x0  }
0x213: {  	[sflag:s0] =	ssyncadd.s32 @!p0 s1  }
0x214: {  	[bflag:$0x3] =	sbarrier.arrive $0xFFFF  }
0x215: {  	_ =	shalt  }

// kernel: kernel.7.cloned.1.call-start
scs
__scs_entry_jumppad:
0x0: {  	(pc) =	sbr.rel $0x88, $3  }
0x1: {  	(tag) =	ssettag $0x0;
	lr =	simm.s32 $0x1  }
0x2: {  	[smem:$0x3F94] =	sst lr;
	_ =	strace $0xD0000000  }
0x3: {  	_ = 	snop  }
0x4: {  	_ = 	snop  }
0x5: {  	_ = 	snop  }
0x6: {  	_ = 	snop  }
0x7: {  	_ = 	snop  }
__scs_overlays_trampoline_lowered:
0x8: {  	[smem:$0x3FA3] =	sst s0  }
0x9: {  	[smem:$0x3FA4] =	sst s1  }
0xa: {  	[smem:$0x3FA5] =	sst s2  }
0xb: {  	[smem:$0x3FA6] =	sst s3  }
0xc: {  	[smem:$0x3FA7] =	sst s4  }
0xd: {  	[smem:$0x3FA8] =	sst s5  }
0xe: {  	[smem:$0x3FA9] =	sst s6  }
0xf: {  	[smem:$0x3FAA] =	sst s7  }
0x10: {  	[smem:$0x3FAB] =	sst s8  }
0x11: {  	[smem:$0x3FAC] =	sst s9;
	s0 =	simm.s32 @!p0 $0x0  }
0x12: {  	s1 =	sld [smem:$0x3F92];
	s0 =	simm.s32 @p0 $0x1  }
0x13: {  	[smem:$0x3FAD] =	sst s0;
	s0 =	simm.s32 @!p1 $0x0  }
0x14: {  	s2 =	sld [smem:$0x3F91];
	s0 =	simm.s32 @p1 $0x1  }
0x15: {  	[smem:$0x3FAE] =	sst s0;
	s0 =	simm.s32 @!p2 $0x0  }
0x16: {  	s3 =	sld [smem:$0x3FDB];
	s0 =	simm.s32 @p2 $0x1  }
0x17: {  	s4 =	simm.s32 $0x1BF5;
	[smem:$0x3FB0] =	sst s0  }
0x18: {  	s0 =	sld [smem:$0x3F93];
	_ =	swait.ge [sflag:s4], $0x0  }
0x19: {  	s7 =	sld [smem:$0x3F94]  }
0x1a: {  	s8 =	sadd.s32 $0xFFFFE003, lr  }
0x1b: {  	s9 =	sadd.s32 $0xFFFFFEF7, lr;
	s5 =	simm.s32 $0xFFFFFFFF;
	p2 =	slt.u32 s8, $0xFFFFF086  }
0x1c: {  	p1 =	slt.u32 s9, $0xF7A;
	s5 =	simm.s32 @!p2 $0x0  }
0x1d: {  	s5 =	simm.s32 @p1 $0x1;
	p0 =	seq.s32 s7, s2  }
0x1e: {  	s7 =	smul.u32 @!p0 $0xF7A, s2;
	p2 =	seq.s32 @!p0 s5, $0x0  }
0x1f: {  	s9 =	smul.u32 $0xF7A, s1;
	s8 =	simm.s32 @!p0 $0x1BF5;
	p2 =	por !p2, p0  }
0x20: {  	[sflag:s8] =	ssyncset.s32 @!p0 $0xFFFFF086;
	s6 =	sadd.s32 @!p0 s3, s7;
	s7 =	simm.s32 @!p0 $0x108  }
0x21: {  	s3 =	sadd.s32 s3, s9;
	s6 =	sadd.s32 @!p0 $0x88, s6;
	s7 =	simm.s32 @p2 $0x1082  }
0x22: {  	[simem:s7], [sflag:s8] =	dma.local @!p0 [hbm:s6], $0xF7A  }
0x23: {  	s9 =	sor.u32 $0xD0000000, s2;
	s6 =	simm.s32 $0x108;
	_ =	swait.ge @!p0 [sflag:s8], $0x0  }
0x24: {  	s3 =	sadd.s32 $0x88, s3;
	s6 =	simm.s32 @!p1 $0x1082;
	[sflag:s4] =	ssyncset.s32 $0xFFFFF086  }
0x25: {  	[simem:s6], [sflag:s4] =	dma.local [hbm:s3], $0xF7A  }
0x26: {  	[smem:$0x3F94] =	sst s1;
	(tag) =	ssettag s2;
	_ =	strace s9  }
0x27: {  	s1 =	sld [smem:$0x3FA4]  }
0x28: {  	s2 =	sld [smem:$0x3FA5]  }
0x29: {  	s4 =	sld [smem:$0x3FA7]  }
0x2a: {  	p0 =	seq.s32 s5, $0x0;
	s5 =	sld [smem:$0x3FA8]  }
0x2b: {  	s6 =	sld [smem:$0x3FA9]  }
0x2c: {  	s7 =	sld [smem:$0x3FAA]  }
0x2d: {  	s3 =	simm.s32 $0x108;
	s8 =	sld [smem:$0x3FAB]  }
0x2e: {  	s3 =	simm.s32 @!p0 $0x1082;
	s9 =	sld [smem:$0x3FAC]  }
0x2f: {  	lr =	sadd.s32 s0, s3;
	s0 =	sld [smem:$0x3FA3]  }
0x30: {  	s3 =	sld [smem:$0x3FA6]  }
0x31: {  	[smem:$0x3FAF] =	sst s10  }
0x32: {  	s10 =	sld [smem:$0x3FAD];
	_ =	sdelay $0x3  }
0x33: {  	p0 =	seq.s32 s10, $0x1;
	s10 =	sld [smem:$0x3FAF];
	_ =	sdelay $0x3  }
0x34: {  	[smem:$0x3FAF] =	sst s10  }
0x35: {  	s10 =	sld [smem:$0x3FAE];
	_ =	sdelay $0x3  }
0x36: {  	p1 =	seq.s32 s10, $0x1;
	s10 =	sld [smem:$0x3FAF];
	_ =	sdelay $0x3  }
0x37: {  	[smem:$0x3FAF] =	sst s10  }
0x38: {  	s10 =	sld [smem:$0x3FB0]  }
0x39: {  	_ = 	snop;
	(pc) =	sbr.ind lr, $3  }
0x3a: {  	_ = 	snop  }
0x3b: {  	_ = 	snop  }
0x3c: {  	p2 =	seq.s32 s10, $0x1;
	s10 =	sld [smem:$0x3FAF]  }
0x3d: {  	_ =	shalt  }
0x3e: {  	_ =	shalt  }
0x3f: {  	_ =	shalt  }
0x40: {  	_ =	shalt  }
0x41: {  	_ =	shalt  }
0x42: {  	_ =	shalt  }
0x43: {  	_ =	shalt  }
0x44: {  	_ =	shalt  }
0x45: {  	_ =	shalt  }
0x46: {  	_ =	shalt  }
0x47: {  	_ =	shalt  }
0x48: {  	_ =	shalt  }
0x49: {  	_ =	shalt  }
0x4a: {  	_ =	shalt  }
0x4b: {  	_ =	shalt  }
0x4c: {  	_ =	shalt  }
0x4d: {  	_ =	shalt  }
0x4e: {  	_ =	shalt  }
0x4f: {  	_ =	shalt  }
0x50: {  	_ =	shalt  }
0x51: {  	_ =	shalt  }
0x52: {  	_ =	shalt  }
0x53: {  	_ =	shalt  }
0x54: {  	_ =	shalt  }
0x55: {  	_ =	shalt  }
0x56: {  	_ =	shalt  }
0x57: {  	_ =	shalt  }
0x58: {  	_ =	shalt  }
0x59: {  	_ =	shalt  }
0x5a: {  	_ =	shalt  }
0x5b: {  	_ =	shalt  }
0x5c: {  	_ =	shalt  }
0x5d: {  	_ =	shalt  }
0x5e: {  	_ =	shalt  }
0x5f: {  	_ =	shalt  }
0x60: {  	_ =	shalt  }
0x61: {  	_ =	shalt  }
0x62: {  	_ =	shalt  }
0x63: {  	_ =	shalt  }
0x64: {  	_ =	shalt  }
0x65: {  	_ =	shalt  }
0x66: {  	_ =	shalt  }
0x67: {  	_ =	shalt  }
0x68: {  	_ =	shalt  }
0x69: {  	_ =	shalt  }
0x6a: {  	_ =	shalt  }
0x6b: {  	_ =	shalt  }
0x6c: {  	_ =	shalt  }
0x6d: {  	_ =	shalt  }
0x6e: {  	_ =	shalt  }
0x6f: {  	_ =	shalt  }
0x70: {  	_ =	shalt  }
0x71: {  	_ =	shalt  }
0x72: {  	_ =	shalt  }
0x73: {  	_ =	shalt  }
0x74: {  	_ =	shalt  }
0x75: {  	_ =	shalt  }
0x76: {  	_ =	shalt  }
0x77: {  	_ =	shalt  }
0x78: {  	_ =	shalt  }
0x79: {  	_ =	shalt  }
0x7a: {  	_ =	shalt  }
0x7b: {  	_ =	shalt  }
0x7c: {  	_ =	shalt  }
0x7d: {  	_ =	shalt  }
0x7e: {  	_ =	shalt  }
0x7f: {  	_ =	shalt  }
0x80: {  	_ =	shalt  }
0x81: {  	_ =	shalt  }
0x82: {  	_ =	shalt  }
0x83: {  	_ =	shalt  }
0x84: {  	_ =	shalt  }
0x85: {  	_ =	shalt  }
0x86: {  	_ =	shalt  }
0x87: {  	_ =	shalt  }
.Lfunc_end0:
.L_simem_size_0:
called_computation_lowered:
.L_overlay_start_0:
0x88: {  	s2 =	sld [smem:$0x3FD9]  }
0x89: {  	s3 =	sld [smem:$0x3FFE];
	_ =	sdelay $0x1  }
0x8a: {  	s1 =	srdreg.scid  }
0x8b: {  	s0 =	sand.u32 $0x1, s1  }
0x8c: {  	s17 =	sshll.u32 s0, $0xA;
	s2 =	sadd.s32 s3, s2  }
0x8d: {  	s2 =	sadd.s32 s2, s17  }
0x8e: {  	[smem:$0x3FBB] =	sst s2  }
0x8f: {  	_ = 	snop  }
0x90: {  	s2 =	sld [smem:$0x3FD0];
	(tm) =	ssettm $0x1  }
0x91: {  	s18 =	sld [smem:$0x3FFB];
	_ =	sdelay $0x3  }
0x92: {  	_ =	strace s18  }
0x93: {  	s3 =	sld [smem:$0x3FFC];
	_ =	sdelay $0x3  }
0x94: {  	_ =	strace s3  }
0x95: {  	s3 =	sld [smem:$0x3FFD];
	_ =	sdelay $0x3  }
0x96: {  	_ =	strace s3  }
0x97: {  	_ =	strace $0x8FFFFFFF  }
0x98: {  	s19 =	sld [smem:$0x3FDB];
	_ =	sdelay $0x1  }
0x99: {  	s4 =	simm.s32 $_scs_section_size  }
0x9a: {  	s5 =	simm.s32 $_size__tile_overlayer_lowered;
	s6 =	simm.s32 $_tile_overlayer_lowered  }
0x9b: {  	s22 =	simm.s32 $0x1BFF;
	s21 =	sshll.u32 s6, $0x1;
	s3 =	sadd.s32 s4, s19  }
0x9c: {  	s7 =	simm.s32 $0x0;
	s20 =	sshll.u32 s5, $0x1;
	s5 =	sadd.s32 s21, s3  }
0x9d: {  	[timem:s7], [sflag:s22] =	dma.local [hbm:s5], s20  }
0x9e: {  	_ =	swait.ge [sflag:s22], s20  }
0x9f: {  	s4 =	ssub.s32 $0x0, s20;
	[sflag:s22] =	ssyncset.done $0x0  }
0xa0: {  	[sflag:s22] =	ssyncadd.s32 s4;
	_ =	sdelay $0x1  }
0xa1: {  	s23 =	simm.s32 $0x1B8B  }
0xa2: {  	_ =	swait.ge [sflag:s23], $0x1  }
0xa3: {  	[sflag:s23] =	ssyncset.done $0x0  }
0xa4: {  	s25 =	simm.s32 $0x1B8E;
	s24 =	sld [smem:$0x3FFE];
	[sflag:s23] =	ssyncadd.s32 $0xFFFFFFFF  }
0xa5: {  	s26 =	simm.s32 $execute0_lowered;
	[smem:$0x3FD2] =	sst s25  }
0xa6: {  	s5 =	sshll.u32 s26, $0x1;
	_ =	strace $0x80000046;
	[dreg:$0x1] =	wrdreg $0xFFFFFFFF  }
0xa7: {  	s28 =	simm.s32 $_size_execute0_lowered;
	s3 =	sadd.s32 s3, s5;
	[dreg:$0x0] =	wrdreg $0x0  }
0xa8: {  	s5 =	sshll.u32 s28, $0x1;
	[dreg:$0x2] =	wrdreg s3  }
0xa9: {  	[dreg:$0x3] =	wrdreg s5  }
0xaa: {  	[dreg:$0x4] =	wrdreg $0xC0  }
0xab: {  	_ =	task [dreg:s7], $0x5FFFF  }
0xac: {  	[dreg:$0x1] =	wrdreg $0xFFFFFFFF  }
0xad: {  	[dreg:$0x0] =	wrdreg $0x60  }
0xae: {  	[dreg:$0x2] =	wrdreg s24  }
0xaf: {  	[dreg:$0x3] =	wrdreg s2  }
0xb0: {  	[dreg:$0x4] =	wrdreg $0x52800  }
0xb1: {  	[dreg:$0x5] =	wrdreg $0x9  }
0xb2: {  	_ =	task.clear_ibuf [dreg:s7], $0x6FFFF;
	_ =	strace $0x90000046  }
0xb3: {  	s29 =	simm.s32 $0x9;
	_ =	strace $0x80000048  }
0xb4: {  	_ =	swait.ge [sflag:s29], $0x1  }
0xb5: {  	[sflag:s29] =	ssyncadd.s32 $0xFFFFFFFF  }
0xb6: {  	_ =	strace $0x90000048  }
0xb7: {  	_ =	sfence  }
0xb8: {  	s30 =	sld [smem:$0x0];
	_ =	sdelay $0x2  }
0xb9: {  	s31 =	sshll.u32 s1, $0xD;
	s1 =	sshrl.u32 s1, $0x2  }
0xba: {  	s3 =	sand.u32 $0x4000, s31;
	s1 =	sadd.s32 s1, s30  }
0xbb: {  	s0 =	sor.u32 s3, s0;
	s1 =	sshll.u32 s1, $0x11  }
0xbc: {  	s0 =	sor.u32 s1, s0  }
0xbd: {  	s0 =	sadd.s32 $0x8F2B, s0  }
0xbe: {  	[sflag:s0] =	ssyncadd.remote.s32 $0x1  }
0xbf: {  	_ =	sfence.sel $0xFFFF  }
0xc0: {  	[dreg:$0x0] =	wrdreg $0xFFFFFFFF;
	(pc) =	sbr.abs _section_cstart, $3  }
0xc1: {  	[dreg:$0x1] =	wrdreg $0xFFFFFFFF  }
0xc2: {  	_ =	task.clear_ibuf [dreg:s7], $0x2FFFF;
	_ =	strace $0x9FFFFFFF  }
0xc3: {  	(tm) =	ssettm $0x7FFFFFFF  }
tec
execute0_lowered:
.L_overlay_start_1:
0x0: {  	(tag) =	ssettag $0x1  }
0x1: {  	s4 =	rddreg [dreg:$0x0]  }
0x2: {  	s1 =	srdreg.scid;
	s8 =	rddreg [dreg:$0x1]  }
0x3: {  	s0 =	stileid.u32;
	s2 =	rddreg [dreg:$0x2]  }
0x4: {  	s3 =	simm.s32 $0x0;
	s7 =	sand.u32 $0x1, s1;
	s1 =	rddreg [dreg:$0x3]  }
0x5: {  	s15 =	simm.s32 $0x0;
	s30 =	sshll.u32 s0, $0x1;
	[smem:$0x7FF] =	sst s3  }
0x6: {  	s9 =	smul.u32 $0x280, s0;
	s11 =	sadd.s32 $0x15E00, s4;
	s13 =	sshll.u32 s0, $0x6  }
0x7: {  	s5 =	sor.u32 s7, s30;
	s6 =	ssub.s32 $0x2, s7;
	_ =	strace $0x80000047  }
0x8: {  	p0 =	seq.s32 s7, $0x1;
	s13 =	sor.u32 $0x1C01, s13;
	s5 =	smul.u32 $0x500, s5  }
0x9: {  	s31 =	sshrl.u32 s6, $0x1;
	s8 =	smov.u32 @p0 s11;
	s11 =	simm.s32 $0x2800  }
0xa: {  	s12 =	ssub.s32 s6, s31;
	s10 =	sadd.s32 s5, s4;
	s4 =	sadd.s32 s9, s2  }
0xb: {  	s9 =	sshrl.u32 s9, $0x3;
	s7 =	smax.u32 s12, $0x1;
	s12 =	simm.s32 $0x7D  }
0xc: {  	s5 =	sadd.s32 $0x1E00, s10;
	s6 =	sadd.s32 $0xBE00, s10;
	s8 =	sadd.s32 s8, s9  }
0xd: {  	v0 =	vimm.f32 $0.0e+00;
	s9 =	simm.s32 $0x5000;
	s10 =	simm.s32 $0x1;
	s14 =	sshrl.u32 s4, $0x3  }
.LBB2_1:
0xe: {  	[tilespmem:$0x5000] =	vst v0  }
0xf: {  	[tilespmem:$0x5010] =	vst v0  }
0x10: {  	[tilespmem:$0x5020] =	vst v0  }
0x11: {  	[tilespmem:$0x5030] =	vst v0  }
0x12: {  	[tilespmem:$0x5040] =	vst v0  }
0x13: {  	[tilespmem:$0x5050] =	vst v0  }
0x14: {  	[tilespmem:$0x5060] =	vst v0  }
0x15: {  	[tilespmem:$0x5070] =	vst v0  }
0x16: {  	[tilespmem:$0x5080] =	vst v0  }
0x17: {  	[tilespmem:$0x5090] =	vst v0  }
0x18: {  	[tilespmem:$0x50A0] =	vst v0  }
0x19: {  	[tilespmem:$0x50B0] =	vst v0  }
0x1a: {  	[tilespmem:$0x50C0] =	vst v0  }
0x1b: {  	[tilespmem:$0x50D0] =	vst v0  }
0x1c: {  	[tilespmem:$0x50E0] =	vst v0  }
0x1d: {  	[tilespmem:$0x50F0] =	vst v0  }
0x1e: {  	[tilespmem:$0x5100] =	vst v0  }
0x1f: {  	[tilespmem:$0x5110] =	vst v0  }
0x20: {  	[tilespmem:$0x5120] =	vst v0  }
0x21: {  	[tilespmem:$0x5130] =	vst v0  }
0x22: {  	[tilespmem:$0x5140] =	vst v0  }
0x23: {  	[tilespmem:$0x5150] =	vst v0  }
0x24: {  	[tilespmem:$0x5160] =	vst v0  }
0x25: {  	[tilespmem:$0x5170] =	vst v0  }
0x26: {  	[tilespmem:$0x5180] =	vst v0  }
0x27: {  	[tilespmem:$0x5190] =	vst v0  }
0x28: {  	[tilespmem:$0x51A0] =	vst v0  }
0x29: {  	[tilespmem:$0x51B0] =	vst v0  }
0x2a: {  	[tilespmem:$0x51C0] =	vst v0  }
0x2b: {  	[tilespmem:$0x51D0] =	vst v0  }
0x2c: {  	[tilespmem:$0x51E0] =	vst v0  }
0x2d: {  	[tilespmem:$0x51F0] =	vst v0  }
0x2e: {  	[tilespmem:$0x5200] =	vst v0  }
0x2f: {  	[tilespmem:$0x5210] =	vst v0  }
0x30: {  	[tilespmem:$0x5220] =	vst v0  }
0x31: {  	[tilespmem:$0x5230] =	vst v0  }
0x32: {  	[tilespmem:$0x5240] =	vst v0  }
0x33: {  	[tilespmem:$0x5250] =	vst v0  }
0x34: {  	[tilespmem:$0x5260] =	vst v0  }
0x35: {  	[tilespmem:$0x5270] =	vst v0  }
0x36: {  	[spmem:s4] =	stream.linear.scatter [tilespmem:s9], [sflag:$0x1], $0x280, $0x38;
	[tilespmem:$0x5500] =	vst v63  }
0x37: {  	_ =	swait.ge [sflag:s10], $0x280  }
0x38: {  	[sflag:s10] =	ssyncset.done $0x0  }
0x39: {  	[sflag:s10] =	ssyncadd.s32 $0xFFFFFD80  }
0x3a: {  	[bflag:$0x0] =	sbarrier.arrive $0xFFFF  }
0x3b: {  	[tilespmem:s3], [sflag:$0x1] =	stream.linear.gather [hbm4b:s5+s3], $0x2800, $0x38;
	[tilespmem:$0x5500] =	vst v63  }
0x3c: {  	_ =	swait.ge [sflag:s10], $0x2800  }
0x3d: {  	[sflag:s10] =	ssyncset.done $0x0  }
0x3e: {  	[sflag:s10] =	ssyncadd.s32 $0xFFFFD800  }
0x3f: {  	[tilespmem:s11], [sflag:$0x1] =	stream.linear.gather [hbm4b:s6+s3], $0x2800, $0x38;
	[tilespmem:$0x5500] =	vst v63  }
0x40: {  	_ =	swait.ge [sflag:s10], $0x2800  }
0x41: {  	[sflag:s10] =	ssyncset.done $0x0  }
0x42: {  	s16 =	simm.s32 $0x0;
	s17 =	simm.s32 $0x2800;
	[sflag:s10] =	ssyncadd.s32 $0xFFFFD800  }
0x43: {  	[spmem:s2] =	stream.indirect.scatter.add.f32 [tilespmem:s17], [sflag:$0x1], $0x1, s16, s12, $0xb8;
	[tilespmem:$0x5500] =	vst v63  }
0x44: {  	s16 =	simm.s32 $0x200;
	_ =	swait.ge [sflag:s10], $0x7D  }
.LBB2_2:
0x45: {  	s17 =	sshra.s32 s16, $0x2;
	[sflag:s10] =	ssyncset.done $0x0;
	p0 =	sne.s32 s16, $0x9E00  }
.Ltmp0:
0x46: {  	s18 =	sadd.s32 $0x2800, s17;
	[sflag:s10] =	ssyncadd.s32 $0xFFFFFF83;
	(pc) =	sbr.rel @p0 .LBB2_2-.Ltmp0, $3  }
0x47: {  	[spmem:s2] =	stream.indirect.scatter.add.f32 [tilespmem:s18], [sflag:$0x1], $0x1, s17, s12, $0xb8;
	[tilespmem:$0x5500] =	vst v63  }
0x48: {  	s16 =	sadd.s32 $0x200, s16;
	_ =	sdelay $0x1  }
0x49: {  	_ =	swait.ge [sflag:s10], $0x7D  }
0x4a: {  	[sflag:s10] =	ssyncset.done $0x0;
	s15 =	sadd.s32 $0x1, s15  }
0x4b: {  	[sflag:s10] =	ssyncadd.s32 $0xFFFFFF83;
	p0 =	sne.s32 s15, s7  }
.Ltmp1:
0x4c: {  	[bflag:$0x0] =	sbarrier.arrive $0xFFFF;
	(pc) =	sbr.rel @p0 .LBB2_1-.Ltmp1, $4  }
0x4d: {  	[hbm:s8], [sflag:s13] =	dma.local [spmem:s14], $0x50  }
0x4e: {  	_ =	swait.ge [sflag:s10], $0x50  }
0x4f: {  	[sflag:s10] =	ssyncset.done $0x0  }
0x50: {  	[sflag:s10] =	ssyncadd.s32 $0xFFFFFFB0  }
0x51: {  	_ =	sfence.sel $0x180000  }
0x52: {  	[bflag:$0x0] =	sbarrier.arrive $0xFFFF  }
0x53: {  	p0 =	sne.s32 s0, $0x0;
	_ =	strace $0x90000047  }
0x54: {  	s0 =	sadd.s32 @!p0 $0x100000, s1;
	[bflag:$0x2] =	sbarrier.arrive $0xFFFF  }
0x55: {  	[sflag:s0] =	ssyncadd.tile.s32 @!p0 $0x1;
	_ =	shalt  }
.Lfunc_end2:
_tile_overlayer_lowered:
.L_overlay_start_2:
0x56: {  	(tag) =	ssettag $0x2  }
0x57: {  	s0 =	rddreg [dreg:$0x0];
	s2 =	stileid.u32  }
0x58: {  	s1 =	rddreg [dreg:$0x1];
	p0 =	sne.s32 s2, $0x0  }
0x59: {  	s3 =	rddreg [dreg:$0x2];
	[bflag:$0x3] =	sbarrier.arrive $0xFFFF;
	s2 =	simm.s32 @!p0 $0x1C01  }
0x5a: {  	[timem:s3], [sflag:s2] =	dma.local @!p0 [hbm:s0], s1  }
0x5b: {  	s0 =	simm.s32 @!p0 $0x1  }
0x5c: {  	_ =	swait.ge @!p0 [sflag:s0], s1  }
0x5d: {  	s1 =	ssub.s32 @!p0 $0x0, s1;
	[sflag:s0] =	ssyncset.done @!p0 $0x0  }
0x5e: {  	[sflag:s0] =	ssyncadd.s32 @!p0 s1  }
0x5f: {  	[bflag:$0x3] =	sbarrier.arrive $0xFFFF  }
0x60: {  	_ =	shalt  }

</sc_bundles>
